<compile_context>
chip_gen: v7x
topology: tpu7x:2x2x1
jax: 0.10.2.dev20260603
libtpu: 0.0.44.dev20260713+nightly
codegen_flags: <defaults>
</compile_context>

<pallas_src>
import functools

import jax
import jax.numpy as jnp
from jax import lax
from jax.experimental import pallas as pl
from jax.experimental.pallas import tpu as pltpu
from jax.experimental.pallas import tpu_sc as plsc

NC = 2
NS = 16
NW = NC * NS
NBUF = 8
BCH = 2
ROWW = 128

_MESH = plsc.VectorSubcoreMesh(
    core_axis_name="c", subcore_axis_name="s", num_cores=NC, num_subcores=NS
)


@functools.lru_cache(maxsize=None)
def _make_permute(batch, hist):
    b_per_w = batch // NW
    hpad = ROWW // BCH
    assert hist <= hpad < 2 * hist and hpad % 8 == 0
    n_ch = b_per_w // BCH
    n_grp = ROWW // 16

    @functools.partial(
        pl.kernel,
        out_type=jax.ShapeDtypeStruct((NW * n_ch, ROWW), jnp.int32),
        mesh=_MESH,
        scratch_types=[
            pltpu.VMEM((hist, b_per_w), jnp.int32),
            pltpu.VMEM((n_ch, ROWW), jnp.int32),
        ],
        compiler_params=pltpu.CompilerParams(needs_layout_passes=False),
    )
    def permute_kernel(in_hbm, out_hbm, buf_in, buf_out):
        wid = lax.axis_index("s") * NC + lax.axis_index("c")
        b0 = wid * b_per_w
        pltpu.sync_copy(in_hbm.at[:, pl.ds(b0, b_per_w)], buf_in)

        lanes = lax.iota(jnp.int32, 16)
        h_pat, boff_pat = [], []
        for g in range(n_grp):
            j = lanes + (g * 16)
            boff = jnp.zeros((16,), jnp.int32)
            for _ in range(BCH):
                wrap = j >= hpad
                j = jnp.where(wrap, j - hpad, j)
                boff = boff + wrap.astype(jnp.int32)
            h_pat.append(jnp.where(j >= hist, j - hist, j))
            boff_pat.append(boff)

        @pl.loop(0, n_ch, init_carry=jnp.zeros((16,), jnp.int32))
        def _chunk(cc, c):
            for g in range(n_grp):
                vals = plsc.load_gather(buf_in, [h_pat[g], c + boff_pat[g]])
                buf_out[cc, pl.ds(g * 16, 16)] = vals
            return c + BCH

        pltpu.sync_copy(buf_out, out_hbm.at[pl.ds(wid * n_ch, n_ch)])

    return permute_kernel


@functools.lru_cache(maxsize=None)
def _make_gather(batch, hist, d):
    assert batch % NW == 0
    b_per_w = batch // NW
    n_ch = b_per_w // BCH
    assert b_per_w % BCH == 0 and n_ch % NBUF == 0
    hpad = ROWW // BCH

    @functools.partial(
        pl.kernel,
        out_type=jax.ShapeDtypeStruct((batch, hist, d), jnp.float32),
        mesh=_MESH,
        scratch_types=[
            pltpu.VMEM((n_ch, ROWW), jnp.int32),
            pltpu.VMEM((NBUF, BCH, hpad, d), jnp.float32),
        ]
        + [pltpu.SemaphoreType.DMA] * (2 * NBUF),
        compiler_params=pltpu.CompilerParams(
            use_tc_tiling_on_sc=False, needs_layout_passes=False
        ),
    )
    def gather_kernel(table_hbm, idx_hbm, out_hbm, idx_v, ring, *sems):
        gsems = sems[:NBUF]
        wsems = sems[NBUF:]
        wid = lax.axis_index("s") * NC + lax.axis_index("c")
        b0 = wid * b_per_w
        pltpu.sync_copy(idx_hbm.at[pl.ds(wid * n_ch, n_ch)], idx_v)

        def start_gather(slot, cc):
            for b2 in range(BCH):
                pltpu.async_copy(
                    table_hbm.at[idx_v.at[cc, pl.ds(b2 * hpad, hpad)]],
                    ring.at[slot, b2],
                    gsems[slot],
                )

        def wait_gather(slot):
            for b2 in range(BCH):
                pltpu.make_async_copy(
                    table_hbm.at[pl.ds(0, hpad)],
                    ring.at[slot, b2],
                    gsems[slot],
                ).wait()

        def start_write(slot, cc):
            pltpu.async_copy(
                ring.at[slot, :, pl.ds(0, hist)],
                out_hbm.at[pl.ds(b0 + cc * BCH, BCH)],
                wsems[slot],
            )

        def wait_write(slot):
            pltpu.make_async_copy(
                ring.at[slot, :, pl.ds(0, hist)],
                out_hbm.at[pl.ds(0, BCH)],
                wsems[slot],
            ).wait()

        for s in range(NBUF):
            start_gather(s, s)

        @pl.loop(0, n_ch - NBUF, step=NBUF)
        def _outer(g):
            for s in range(NBUF):
                wait_gather(s)
                start_write(s, g + s)
            for s in range(NBUF):
                wait_write(s)
                start_gather(s, g + s + NBUF)

        g0 = n_ch - NBUF
        for s in range(NBUF):
            wait_gather(s)
            start_write(s, g0 + s)
        for s in range(NBUF):
            wait_write(s)

    return gather_kernel


def kernel(embedding_matrix, inputs):
    b, h = inputs.shape
    d = embedding_matrix.shape[1]
    inputs_t = inputs.T.astype(jnp.int32)
    idx_rows = _make_permute(b, h)(inputs_t)
    return _make_gather(b, h, d)(embedding_matrix, idx_rows)

# --- scband reference (transcript-rebuilt; emitter-appended) ---
"""Pipeline reference for scband-embedding-layer-77541339562500 (READ-ONLY COPY).

The authoritative reference and input builder live on the scoring server;
editing this copy changes nothing except your own understanding.
"""

import jax, jax.numpy as jnp
import numpy as np

VOCAB = 1000000
EMBED_DIM = 32
BATCH = 16384
HIST = 50

def setup_inputs(seed: int = 0) -> dict:
    key = jax.random.key(seed)
    k_table, k_idx = jax.random.split(key)
    embedding_matrix = jax.random.normal(k_table, (VOCAB, EMBED_DIM), dtype=jnp.float32)
    inputs = jax.random.randint(k_idx, (BATCH, HIST), 0, VOCAB, dtype=jnp.int64)
    return {"embedding_matrix": embedding_matrix, "inputs": inputs}

def reference(embedding_matrix, inputs):
    # tf.ragged.map_flat_values(tf.gather, embedding_matrix, inputs)
    # For a dense (non-ragged) index tensor this is exactly a row gather
    # applied over the flat values: table[idx].
    return jnp.take(embedding_matrix, inputs, axis=0)

if __name__ == "__main__":
    import jax
    _d = setup_inputs()
    print(jax.jit(kernel)(*tuple(_d.values())))

</pallas_src>

<mosaic_0001>
#map = affine_map<(d0, d1) -> (0, 0)>
module attributes {stable_mosaic.version = 14 : i64} {
  func.func @permute_kernel(%arg0: i32, %arg1: i32, %arg2: memref<50x16384xi32, #tpu.memory_space<hbm>>, %arg3: memref<8192x128xi32, #tpu.memory_space<hbm>>, %arg4: memref<50x512xi32, #tpu.memory_space<vmem>>, %arg5: memref<256x128xi32, #tpu.memory_space<vmem>>) attributes {dimension_semantics = [#tpu.dimension_semantics<core_parallel>, #tpu.dimension_semantics<subcore_parallel>], iteration_bounds = array<i64: 2, 16>, scalar_prefetch = 0 : i64, scratch_operands = 2 : i64, tpu.core_type = #tpu.core_type<sc_vector_subcore>, window_params = [{transform_indices = #map}, {transform_indices = #map}]} {
    %mul3A = arith.constant 2 : i32
    %mul3A_0 = arith.muli %arg1, %mul3A : i32
    %add3A = arith.addi %mul3A_0, %arg0 : i32
    %mul3A_1 = arith.constant 512 : i32
    %mul3A_2 = arith.muli %add3A, %mul3A_1 : i32
    "tpu.region"() ({
      %run_scoped3A = tpu.sem_alloc : memref<!tpu.dma_semaphore, #tpu.memory_space<semaphore_mem>>
      %dma_start3A = arith.constant 0 : i32
      %dma_start3A_247 = tpu.memref_slice %arg2[%dma_start3A, %mul3A_2] : memref<50x16384xi32, #tpu.memory_space<hbm>> -> memref<50x512xi32, #tpu.memory_space<hbm>>
      %dma_start3A_248 = arith.constant 0 : i32
      %dma_start3A_249 = tpu.memref_slice %arg2[%dma_start3A_248, %mul3A_2] : memref<50x16384xi32, #tpu.memory_space<hbm>> -> memref<50x512xi32, #tpu.memory_space<hbm>>
      tpu.enqueue_dma source(%dma_start3A_249 : memref<50x512xi32, #tpu.memory_space<hbm>>) target(%arg4 : memref<50x512xi32, #tpu.memory_space<vmem>>) target_semaphore(%run_scoped3A : memref<!tpu.dma_semaphore, #tpu.memory_space<semaphore_mem>>)
      %dma_wait3A = arith.constant 0 : i32
      %dma_wait3A_250 = tpu.memref_slice %arg2[%dma_wait3A, %mul3A_2] : memref<50x16384xi32, #tpu.memory_space<hbm>> -> memref<50x512xi32, #tpu.memory_space<hbm>>
      %dma_wait3A_251 = arith.constant 0 : i32
      %dma_wait3A_252 = tpu.memref_slice %arg2[%dma_wait3A_251, %mul3A_2] : memref<50x16384xi32, #tpu.memory_space<hbm>> -> memref<50x512xi32, #tpu.memory_space<hbm>>
      tpu.wait_dma2 semaphore(%run_scoped3A : memref<!tpu.dma_semaphore, #tpu.memory_space<semaphore_mem>>) src(%dma_wait3A_252 : memref<50x512xi32, #tpu.memory_space<hbm>>) dst(%arg4 : memref<50x512xi32, #tpu.memory_space<vmem>>)
      tpu.yield
    }) : () -> ()
    %iota3A = tpu.iota {dimensions = array<i32: 0>} : vector<16xi32>
    %add3A_3 = arith.constant 0 : i32
    %add3A_4 = vector.broadcast %add3A_3 : i32 to vector<16xi32>
    %add3A_5 = arith.addi %iota3A, %add3A_4 : vector<16xi32>
    %broadcast_in_dim3A = arith.constant 0 : i32
    %broadcast_in_dim3A_6 = vector.broadcast %broadcast_in_dim3A : i32 to vector<16xi32>
    %ge3A = arith.constant 64 : i32
    %ge3A_7 = vector.broadcast %ge3A : i32 to vector<16xi32>
    %ge3A_8 = arith.cmpi sge, %add3A_5, %ge3A_7 : vector<16xi32>
    %sub3A = arith.constant 64 : i32
    %sub3A_9 = vector.broadcast %sub3A : i32 to vector<16xi32>
    %sub3A_10 = arith.subi %add3A_5, %sub3A_9 : vector<16xi32>
    %select_n3A = arith.select %ge3A_8, %sub3A_10, %add3A_5 : vector<16xi1>, vector<16xi32>
    %convert_element_type3A = arith.extui %ge3A_8 : vector<16xi1> to vector<16xi32>
    %add3A_11 = arith.addi %broadcast_in_dim3A_6, %convert_element_type3A : vector<16xi32>
    %ge3A_12 = arith.constant 64 : i32
    %ge3A_13 = vector.broadcast %ge3A_12 : i32 to vector<16xi32>
    %ge3A_14 = arith.cmpi sge, %select_n3A, %ge3A_13 : vector<16xi32>
    %sub3A_15 = arith.constant 64 : i32
    %sub3A_16 = vector.broadcast %sub3A_15 : i32 to vector<16xi32>
    %sub3A_17 = arith.subi %select_n3A, %sub3A_16 : vector<16xi32>
    %select_n3A_18 = arith.select %ge3A_14, %sub3A_17, %select_n3A : vector<16xi1>, vector<16xi32>
    %convert_element_type3A_19 = arith.extui %ge3A_14 : vector<16xi1> to vector<16xi32>
    %add3A_20 = arith.addi %add3A_11, %convert_element_type3A_19 : vector<16xi32>
    %ge3A_21 = arith.constant 50 : i32
    %ge3A_22 = vector.broadcast %ge3A_21 : i32 to vector<16xi32>
    %ge3A_23 = arith.cmpi sge, %select_n3A_18, %ge3A_22 : vector<16xi32>
    %sub3A_24 = arith.constant 50 : i32
    %sub3A_25 = vector.broadcast %sub3A_24 : i32 to vector<16xi32>
    %sub3A_26 = arith.subi %select_n3A_18, %sub3A_25 : vector<16xi32>
    %select_n3A_27 = arith.select %ge3A_23, %sub3A_26, %select_n3A_18 : vector<16xi1>, vector<16xi32>
    %add3A_28 = arith.constant 16 : i32
    %add3A_29 = vector.broadcast %add3A_28 : i32 to vector<16xi32>
    %add3A_30 = arith.addi %iota3A, %add3A_29 : vector<16xi32>
    %broadcast_in_dim3A_31 = arith.constant 0 : i32
    %broadcast_in_dim3A_32 = vector.broadcast %broadcast_in_dim3A_31 : i32 to vector<16xi32>
    %ge3A_33 = arith.constant 64 : i32
    %ge3A_34 = vector.broadcast %ge3A_33 : i32 to vector<16xi32>
    %ge3A_35 = arith.cmpi sge, %add3A_30, %ge3A_34 : vector<16xi32>
    %sub3A_36 = arith.constant 64 : i32
    %sub3A_37 = vector.broadcast %sub3A_36 : i32 to vector<16xi32>
    %sub3A_38 = arith.subi %add3A_30, %sub3A_37 : vector<16xi32>
    %select_n3A_39 = arith.select %ge3A_35, %sub3A_38, %add3A_30 : vector<16xi1>, vector<16xi32>
    %convert_element_type3A_40 = arith.extui %ge3A_35 : vector<16xi1> to vector<16xi32>
    %add3A_41 = arith.addi %broadcast_in_dim3A_32, %convert_element_type3A_40 : vector<16xi32>
    %ge3A_42 = arith.constant 64 : i32
    %ge3A_43 = vector.broadcast %ge3A_42 : i32 to vector<16xi32>
    %ge3A_44 = arith.cmpi sge, %select_n3A_39, %ge3A_43 : vector<16xi32>
    %sub3A_45 = arith.constant 64 : i32
    %sub3A_46 = vector.broadcast %sub3A_45 : i32 to vector<16xi32>
    %sub3A_47 = arith.subi %select_n3A_39, %sub3A_46 : vector<16xi32>
    %select_n3A_48 = arith.select %ge3A_44, %sub3A_47, %select_n3A_39 : vector<16xi1>, vector<16xi32>
    %convert_element_type3A_49 = arith.extui %ge3A_44 : vector<16xi1> to vector<16xi32>
    %add3A_50 = arith.addi %add3A_41, %convert_element_type3A_49 : vector<16xi32>
    %ge3A_51 = arith.constant 50 : i32
    %ge3A_52 = vector.broadcast %ge3A_51 : i32 to vector<16xi32>
    %ge3A_53 = arith.cmpi sge, %select_n3A_48, %ge3A_52 : vector<16xi32>
    %sub3A_54 = arith.constant 50 : i32
    %sub3A_55 = vector.broadcast %sub3A_54 : i32 to vector<16xi32>
    %sub3A_56 = arith.subi %select_n3A_48, %sub3A_55 : vector<16xi32>
    %select_n3A_57 = arith.select %ge3A_53, %sub3A_56, %select_n3A_48 : vector<16xi1>, vector<16xi32>
    %add3A_58 = arith.constant 32 : i32
    %add3A_59 = vector.broadcast %add3A_58 : i32 to vector<16xi32>
    %add3A_60 = arith.addi %iota3A, %add3A_59 : vector<16xi32>
    %broadcast_in_dim3A_61 = arith.constant 0 : i32
    %broadcast_in_dim3A_62 = vector.broadcast %broadcast_in_dim3A_61 : i32 to vector<16xi32>
    %ge3A_63 = arith.constant 64 : i32
    %ge3A_64 = vector.broadcast %ge3A_63 : i32 to vector<16xi32>
    %ge3A_65 = arith.cmpi sge, %add3A_60, %ge3A_64 : vector<16xi32>
    %sub3A_66 = arith.constant 64 : i32
    %sub3A_67 = vector.broadcast %sub3A_66 : i32 to vector<16xi32>
    %sub3A_68 = arith.subi %add3A_60, %sub3A_67 : vector<16xi32>
    %select_n3A_69 = arith.select %ge3A_65, %sub3A_68, %add3A_60 : vector<16xi1>, vector<16xi32>
    %convert_element_type3A_70 = arith.extui %ge3A_65 : vector<16xi1> to vector<16xi32>
    %add3A_71 = arith.addi %broadcast_in_dim3A_62, %convert_element_type3A_70 : vector<16xi32>
    %ge3A_72 = arith.constant 64 : i32
    %ge3A_73 = vector.broadcast %ge3A_72 : i32 to vector<16xi32>
    %ge3A_74 = arith.cmpi sge, %select_n3A_69, %ge3A_73 : vector<16xi32>
    %sub3A_75 = arith.constant 64 : i32
    %sub3A_76 = vector.broadcast %sub3A_75 : i32 to vector<16xi32>
    %sub3A_77 = arith.subi %select_n3A_69, %sub3A_76 : vector<16xi32>
    %select_n3A_78 = arith.select %ge3A_74, %sub3A_77, %select_n3A_69 : vector<16xi1>, vector<16xi32>
    %convert_element_type3A_79 = arith.extui %ge3A_74 : vector<16xi1> to vector<16xi32>
    %add3A_80 = arith.addi %add3A_71, %convert_element_type3A_79 : vector<16xi32>
    %ge3A_81 = arith.constant 50 : i32
    %ge3A_82 = vector.broadcast %ge3A_81 : i32 to vector<16xi32>
    %ge3A_83 = arith.cmpi sge, %select_n3A_78, %ge3A_82 : vector<16xi32>
    %sub3A_84 = arith.constant 50 : i32
    %sub3A_85 = vector.broadcast %sub3A_84 : i32 to vector<16xi32>
    %sub3A_86 = arith.subi %select_n3A_78, %sub3A_85 : vector<16xi32>
    %select_n3A_87 = arith.select %ge3A_83, %sub3A_86, %select_n3A_78 : vector<16xi1>, vector<16xi32>
    %add3A_88 = arith.constant 48 : i32
    %add3A_89 = vector.broadcast %add3A_88 : i32 to vector<16xi32>
    %add3A_90 = arith.addi %iota3A, %add3A_89 : vector<16xi32>
    %broadcast_in_dim3A_91 = arith.constant 0 : i32
    %broadcast_in_dim3A_92 = vector.broadcast %broadcast_in_dim3A_91 : i32 to vector<16xi32>
    %ge3A_93 = arith.constant 64 : i32
    %ge3A_94 = vector.broadcast %ge3A_93 : i32 to vector<16xi32>
    %ge3A_95 = arith.cmpi sge, %add3A_90, %ge3A_94 : vector<16xi32>
    %sub3A_96 = arith.constant 64 : i32
    %sub3A_97 = vector.broadcast %sub3A_96 : i32 to vector<16xi32>
    %sub3A_98 = arith.subi %add3A_90, %sub3A_97 : vector<16xi32>
    %select_n3A_99 = arith.select %ge3A_95, %sub3A_98, %add3A_90 : vector<16xi1>, vector<16xi32>
    %convert_element_type3A_100 = arith.extui %ge3A_95 : vector<16xi1> to vector<16xi32>
    %add3A_101 = arith.addi %broadcast_in_dim3A_92, %convert_element_type3A_100 : vector<16xi32>
    %ge3A_102 = arith.constant 64 : i32
    %ge3A_103 = vector.broadcast %ge3A_102 : i32 to vector<16xi32>
    %ge3A_104 = arith.cmpi sge, %select_n3A_99, %ge3A_103 : vector<16xi32>
    %sub3A_105 = arith.constant 64 : i32
    %sub3A_106 = vector.broadcast %sub3A_105 : i32 to vector<16xi32>
    %sub3A_107 = arith.subi %select_n3A_99, %sub3A_106 : vector<16xi32>
    %select_n3A_108 = arith.select %ge3A_104, %sub3A_107, %select_n3A_99 : vector<16xi1>, vector<16xi32>
    %convert_element_type3A_109 = arith.extui %ge3A_104 : vector<16xi1> to vector<16xi32>
    %add3A_110 = arith.addi %add3A_101, %convert_element_type3A_109 : vector<16xi32>
    %ge3A_111 = arith.constant 50 : i32
    %ge3A_112 = vector.broadcast %ge3A_111 : i32 to vector<16xi32>
    %ge3A_113 = arith.cmpi sge, %select_n3A_108, %ge3A_112 : vector<16xi32>
    %sub3A_114 = arith.constant 50 : i32
    %sub3A_115 = vector.broadcast %sub3A_114 : i32 to vector<16xi32>
    %sub3A_116 = arith.subi %select_n3A_108, %sub3A_115 : vector<16xi32>
    %select_n3A_117 = arith.select %ge3A_113, %sub3A_116, %select_n3A_108 : vector<16xi1>, vector<16xi32>
    %add3A_118 = arith.constant 64 : i32
    %add3A_119 = vector.broadcast %add3A_118 : i32 to vector<16xi32>
    %add3A_120 = arith.addi %iota3A, %add3A_119 : vector<16xi32>
    %broadcast_in_dim3A_121 = arith.constant 0 : i32
    %broadcast_in_dim3A_122 = vector.broadcast %broadcast_in_dim3A_121 : i32 to vector<16xi32>
    %ge3A_123 = arith.constant 64 : i32
    %ge3A_124 = vector.broadcast %ge3A_123 : i32 to vector<16xi32>
    %ge3A_125 = arith.cmpi sge, %add3A_120, %ge3A_124 : vector<16xi32>
    %sub3A_126 = arith.constant 64 : i32
    %sub3A_127 = vector.broadcast %sub3A_126 : i32 to vector<16xi32>
    %sub3A_128 = arith.subi %add3A_120, %sub3A_127 : vector<16xi32>
    %select_n3A_129 = arith.select %ge3A_125, %sub3A_128, %add3A_120 : vector<16xi1>, vector<16xi32>
    %convert_element_type3A_130 = arith.extui %ge3A_125 : vector<16xi1> to vector<16xi32>
    %add3A_131 = arith.addi %broadcast_in_dim3A_122, %convert_element_type3A_130 : vector<16xi32>
    %ge3A_132 = arith.constant 64 : i32
    %ge3A_133 = vector.broadcast %ge3A_132 : i32 to vector<16xi32>
    %ge3A_134 = arith.cmpi sge, %select_n3A_129, %ge3A_133 : vector<16xi32>
    %sub3A_135 = arith.constant 64 : i32
    %sub3A_136 = vector.broadcast %sub3A_135 : i32 to vector<16xi32>
    %sub3A_137 = arith.subi %select_n3A_129, %sub3A_136 : vector<16xi32>
    %select_n3A_138 = arith.select %ge3A_134, %sub3A_137, %select_n3A_129 : vector<16xi1>, vector<16xi32>
    %convert_element_type3A_139 = arith.extui %ge3A_134 : vector<16xi1> to vector<16xi32>
    %add3A_140 = arith.addi %add3A_131, %convert_element_type3A_139 : vector<16xi32>
    %ge3A_141 = arith.constant 50 : i32
    %ge3A_142 = vector.broadcast %ge3A_141 : i32 to vector<16xi32>
    %ge3A_143 = arith.cmpi sge, %select_n3A_138, %ge3A_142 : vector<16xi32>
    %sub3A_144 = arith.constant 50 : i32
    %sub3A_145 = vector.broadcast %sub3A_144 : i32 to vector<16xi32>
    %sub3A_146 = arith.subi %select_n3A_138, %sub3A_145 : vector<16xi32>
    %select_n3A_147 = arith.select %ge3A_143, %sub3A_146, %select_n3A_138 : vector<16xi1>, vector<16xi32>
    %add3A_148 = arith.constant 80 : i32
    %add3A_149 = vector.broadcast %add3A_148 : i32 to vector<16xi32>
    %add3A_150 = arith.addi %iota3A, %add3A_149 : vector<16xi32>
    %broadcast_in_dim3A_151 = arith.constant 0 : i32
    %broadcast_in_dim3A_152 = vector.broadcast %broadcast_in_dim3A_151 : i32 to vector<16xi32>
    %ge3A_153 = arith.constant 64 : i32
    %ge3A_154 = vector.broadcast %ge3A_153 : i32 to vector<16xi32>
    %ge3A_155 = arith.cmpi sge, %add3A_150, %ge3A_154 : vector<16xi32>
    %sub3A_156 = arith.constant 64 : i32
    %sub3A_157 = vector.broadcast %sub3A_156 : i32 to vector<16xi32>
    %sub3A_158 = arith.subi %add3A_150, %sub3A_157 : vector<16xi32>
    %select_n3A_159 = arith.select %ge3A_155, %sub3A_158, %add3A_150 : vector<16xi1>, vector<16xi32>
    %convert_element_type3A_160 = arith.extui %ge3A_155 : vector<16xi1> to vector<16xi32>
    %add3A_161 = arith.addi %broadcast_in_dim3A_152, %convert_element_type3A_160 : vector<16xi32>
    %ge3A_162 = arith.constant 64 : i32
    %ge3A_163 = vector.broadcast %ge3A_162 : i32 to vector<16xi32>
    %ge3A_164 = arith.cmpi sge, %select_n3A_159, %ge3A_163 : vector<16xi32>
    %sub3A_165 = arith.constant 64 : i32
    %sub3A_166 = vector.broadcast %sub3A_165 : i32 to vector<16xi32>
    %sub3A_167 = arith.subi %select_n3A_159, %sub3A_166 : vector<16xi32>
    %select_n3A_168 = arith.select %ge3A_164, %sub3A_167, %select_n3A_159 : vector<16xi1>, vector<16xi32>
    %convert_element_type3A_169 = arith.extui %ge3A_164 : vector<16xi1> to vector<16xi32>
    %add3A_170 = arith.addi %add3A_161, %convert_element_type3A_169 : vector<16xi32>
    %ge3A_171 = arith.constant 50 : i32
    %ge3A_172 = vector.broadcast %ge3A_171 : i32 to vector<16xi32>
    %ge3A_173 = arith.cmpi sge, %select_n3A_168, %ge3A_172 : vector<16xi32>
    %sub3A_174 = arith.constant 50 : i32
    %sub3A_175 = vector.broadcast %sub3A_174 : i32 to vector<16xi32>
    %sub3A_176 = arith.subi %select_n3A_168, %sub3A_175 : vector<16xi32>
    %select_n3A_177 = arith.select %ge3A_173, %sub3A_176, %select_n3A_168 : vector<16xi1>, vector<16xi32>
    %add3A_178 = arith.constant 96 : i32
    %add3A_179 = vector.broadcast %add3A_178 : i32 to vector<16xi32>
    %add3A_180 = arith.addi %iota3A, %add3A_179 : vector<16xi32>
    %broadcast_in_dim3A_181 = arith.constant 0 : i32
    %broadcast_in_dim3A_182 = vector.broadcast %broadcast_in_dim3A_181 : i32 to vector<16xi32>
    %ge3A_183 = arith.constant 64 : i32
    %ge3A_184 = vector.broadcast %ge3A_183 : i32 to vector<16xi32>
    %ge3A_185 = arith.cmpi sge, %add3A_180, %ge3A_184 : vector<16xi32>
    %sub3A_186 = arith.constant 64 : i32
    %sub3A_187 = vector.broadcast %sub3A_186 : i32 to vector<16xi32>
    %sub3A_188 = arith.subi %add3A_180, %sub3A_187 : vector<16xi32>
    %select_n3A_189 = arith.select %ge3A_185, %sub3A_188, %add3A_180 : vector<16xi1>, vector<16xi32>
    %convert_element_type3A_190 = arith.extui %ge3A_185 : vector<16xi1> to vector<16xi32>
    %add3A_191 = arith.addi %broadcast_in_dim3A_182, %convert_element_type3A_190 : vector<16xi32>
    %ge3A_192 = arith.constant 64 : i32
    %ge3A_193 = vector.broadcast %ge3A_192 : i32 to vector<16xi32>
    %ge3A_194 = arith.cmpi sge, %select_n3A_189, %ge3A_193 : vector<16xi32>
    %sub3A_195 = arith.constant 64 : i32
    %sub3A_196 = vector.broadcast %sub3A_195 : i32 to vector<16xi32>
    %sub3A_197 = arith.subi %select_n3A_189, %sub3A_196 : vector<16xi32>
    %select_n3A_198 = arith.select %ge3A_194, %sub3A_197, %select_n3A_189 : vector<16xi1>, vector<16xi32>
    %convert_element_type3A_199 = arith.extui %ge3A_194 : vector<16xi1> to vector<16xi32>
    %add3A_200 = arith.addi %add3A_191, %convert_element_type3A_199 : vector<16xi32>
    %ge3A_201 = arith.constant 50 : i32
    %ge3A_202 = vector.broadcast %ge3A_201 : i32 to vector<16xi32>
    %ge3A_203 = arith.cmpi sge, %select_n3A_198, %ge3A_202 : vector<16xi32>
    %sub3A_204 = arith.constant 50 : i32
    %sub3A_205 = vector.broadcast %sub3A_204 : i32 to vector<16xi32>
    %sub3A_206 = arith.subi %select_n3A_198, %sub3A_205 : vector<16xi32>
    %select_n3A_207 = arith.select %ge3A_203, %sub3A_206, %select_n3A_198 : vector<16xi1>, vector<16xi32>
    %add3A_208 = arith.constant 112 : i32
    %add3A_209 = vector.broadcast %add3A_208 : i32 to vector<16xi32>
    %add3A_210 = arith.addi %iota3A, %add3A_209 : vector<16xi32>
    %broadcast_in_dim3A_211 = arith.constant 0 : i32
    %broadcast_in_dim3A_212 = vector.broadcast %broadcast_in_dim3A_211 : i32 to vector<16xi32>
    %ge3A_213 = arith.constant 64 : i32
    %ge3A_214 = vector.broadcast %ge3A_213 : i32 to vector<16xi32>
    %ge3A_215 = arith.cmpi sge, %add3A_210, %ge3A_214 : vector<16xi32>
    %sub3A_216 = arith.constant 64 : i32
    %sub3A_217 = vector.broadcast %sub3A_216 : i32 to vector<16xi32>
    %sub3A_218 = arith.subi %add3A_210, %sub3A_217 : vector<16xi32>
    %select_n3A_219 = arith.select %ge3A_215, %sub3A_218, %add3A_210 : vector<16xi1>, vector<16xi32>
    %convert_element_type3A_220 = arith.extui %ge3A_215 : vector<16xi1> to vector<16xi32>
    %add3A_221 = arith.addi %broadcast_in_dim3A_212, %convert_element_type3A_220 : vector<16xi32>
    %ge3A_222 = arith.constant 64 : i32
    %ge3A_223 = vector.broadcast %ge3A_222 : i32 to vector<16xi32>
    %ge3A_224 = arith.cmpi sge, %select_n3A_219, %ge3A_223 : vector<16xi32>
    %sub3A_225 = arith.constant 64 : i32
    %sub3A_226 = vector.broadcast %sub3A_225 : i32 to vector<16xi32>
    %sub3A_227 = arith.subi %select_n3A_219, %sub3A_226 : vector<16xi32>
    %select_n3A_228 = arith.select %ge3A_224, %sub3A_227, %select_n3A_219 : vector<16xi1>, vector<16xi32>
    %convert_element_type3A_229 = arith.extui %ge3A_224 : vector<16xi1> to vector<16xi32>
    %add3A_230 = arith.addi %add3A_221, %convert_element_type3A_229 : vector<16xi32>
    %ge3A_231 = arith.constant 50 : i32
    %ge3A_232 = vector.broadcast %ge3A_231 : i32 to vector<16xi32>
    %ge3A_233 = arith.cmpi sge, %select_n3A_228, %ge3A_232 : vector<16xi32>
    %sub3A_234 = arith.constant 50 : i32
    %sub3A_235 = vector.broadcast %sub3A_234 : i32 to vector<16xi32>
    %sub3A_236 = arith.subi %select_n3A_228, %sub3A_235 : vector<16xi32>
    %select_n3A_237 = arith.select %ge3A_233, %sub3A_236, %select_n3A_228 : vector<16xi1>, vector<16xi32>
    %broadcast_in_dim3A_238 = arith.constant 0 : i32
    %broadcast_in_dim3A_239 = vector.broadcast %broadcast_in_dim3A_238 : i32 to vector<16xi32>
    %scan3A = arith.constant 0 : i32
    %scan3A_240 = arith.constant 256 : i32
    %scan3A_241 = arith.addi %scan3A, %scan3A_240 : i32
    %scan3A_242 = arith.constant 1 : i32
    %scan3A_243 = scf.for %scan3A_247 = %scan3A to %scan3A_241 step %scan3A_242 iter_args(%scan3A_248 = %broadcast_in_dim3A_239) -> (vector<16xi32>)  : i32 {
      %mul3A_249 = arith.constant 1 : i32
      %mul3A_250 = arith.muli %scan3A_247, %mul3A_249 : i32
      %add3A_251 = arith.constant 0 : i32
      %add3A_252 = arith.addi %add3A_251, %mul3A_250 : i32
      %add3A_253 = arith.addi %scan3A_248, %add3A_20 : vector<16xi32>
      %gather3A = tpu.vector_load_idx %arg4[%select_n3A_27, %add3A_253] : memref<50x512xi32, #tpu.memory_space<vmem>>[vector<16xi32>, vector<16xi32>], vector<16xi32>,
      %swap3A = arith.index_cast %add3A_252 : i32 to index
      %swap3A_254 = arith.constant 0 : index
      %swap3A_255 = tpu.vector_load %arg5[%swap3A, %swap3A_254] {strides = array<i32>} : memref<256x128xi32, #tpu.memory_space<vmem>>, vector<16xi32>,
      tpu.vector_store %arg5[%swap3A, %swap3A_254], %gather3A {strides = array<i32>} : memref<256x128xi32, #tpu.memory_space<vmem>>, vector<16xi32>,
      %add3A_256 = arith.addi %scan3A_248, %add3A_50 : vector<16xi32>
      %gather3A_257 = tpu.vector_load_idx %arg4[%select_n3A_57, %add3A_256] : memref<50x512xi32, #tpu.memory_space<vmem>>[vector<16xi32>, vector<16xi32>], vector<16xi32>,
      %swap3A_258 = arith.index_cast %add3A_252 : i32 to index
      %swap3A_259 = arith.constant 16 : index
      %swap3A_260 = tpu.vector_load %arg5[%swap3A_258, %swap3A_259] {strides = array<i32>} : memref<256x128xi32, #tpu.memory_space<vmem>>, vector<16xi32>,
      tpu.vector_store %arg5[%swap3A_258, %swap3A_259], %gather3A_257 {strides = array<i32>} : memref<256x128xi32, #tpu.memory_space<vmem>>, vector<16xi32>,
      %add3A_261 = arith.addi %scan3A_248, %add3A_80 : vector<16xi32>
      %gather3A_262 = tpu.vector_load_idx %arg4[%select_n3A_87, %add3A_261] : memref<50x512xi32, #tpu.memory_space<vmem>>[vector<16xi32>, vector<16xi32>], vector<16xi32>,
      %swap3A_263 = arith.index_cast %add3A_252 : i32 to index
      %swap3A_264 = arith.constant 32 : index
      %swap3A_265 = tpu.vector_load %arg5[%swap3A_263, %swap3A_264] {strides = array<i32>} : memref<256x128xi32, #tpu.memory_space<vmem>>, vector<16xi32>,
      tpu.vector_store %arg5[%swap3A_263, %swap3A_264], %gather3A_262 {strides = array<i32>} : memref<256x128xi32, #tpu.memory_space<vmem>>, vector<16xi32>,
      %add3A_266 = arith.addi %scan3A_248, %add3A_110 : vector<16xi32>
      %gather3A_267 = tpu.vector_load_idx %arg4[%select_n3A_117, %add3A_266] : memref<50x512xi32, #tpu.memory_space<vmem>>[vector<16xi32>, vector<16xi32>], vector<16xi32>,
      %swap3A_268 = arith.index_cast %add3A_252 : i32 to index
      %swap3A_269 = arith.constant 48 : index
      %swap3A_270 = tpu.vector_load %arg5[%swap3A_268, %swap3A_269] {strides = array<i32>} : memref<256x128xi32, #tpu.memory_space<vmem>>, vector<16xi32>,
      tpu.vector_store %arg5[%swap3A_268, %swap3A_269], %gather3A_267 {strides = array<i32>} : memref<256x128xi32, #tpu.memory_space<vmem>>, vector<16xi32>,
      %add3A_271 = arith.addi %scan3A_248, %add3A_140 : vector<16xi32>
      %gather3A_272 = tpu.vector_load_idx %arg4[%select_n3A_147, %add3A_271] : memref<50x512xi32, #tpu.memory_space<vmem>>[vector<16xi32>, vector<16xi32>], vector<16xi32>,
      %swap3A_273 = arith.index_cast %add3A_252 : i32 to index
      %swap3A_274 = arith.constant 64 : index
      %swap3A_275 = tpu.vector_load %arg5[%swap3A_273, %swap3A_274] {strides = array<i32>} : memref<256x128xi32, #tpu.memory_space<vmem>>, vector<16xi32>,
      tpu.vector_store %arg5[%swap3A_273, %swap3A_274], %gather3A_272 {strides = array<i32>} : memref<256x128xi32, #tpu.memory_space<vmem>>, vector<16xi32>,
      %add3A_276 = arith.addi %scan3A_248, %add3A_170 : vector<16xi32>
      %gather3A_277 = tpu.vector_load_idx %arg4[%select_n3A_177, %add3A_276] : memref<50x512xi32, #tpu.memory_space<vmem>>[vector<16xi32>, vector<16xi32>], vector<16xi32>,
      %swap3A_278 = arith.index_cast %add3A_252 : i32 to index
      %swap3A_279 = arith.constant 80 : index
      %swap3A_280 = tpu.vector_load %arg5[%swap3A_278, %swap3A_279] {strides = array<i32>} : memref<256x128xi32, #tpu.memory_space<vmem>>, vector<16xi32>,
      tpu.vector_store %arg5[%swap3A_278, %swap3A_279], %gather3A_277 {strides = array<i32>} : memref<256x128xi32, #tpu.memory_space<vmem>>, vector<16xi32>,
      %add3A_281 = arith.addi %scan3A_248, %add3A_200 : vector<16xi32>
      %gather3A_282 = tpu.vector_load_idx %arg4[%select_n3A_207, %add3A_281] : memref<50x512xi32, #tpu.memory_space<vmem>>[vector<16xi32>, vector<16xi32>], vector<16xi32>,
      %swap3A_283 = arith.index_cast %add3A_252 : i32 to index
      %swap3A_284 = arith.constant 96 : index
      %swap3A_285 = tpu.vector_load %arg5[%swap3A_283, %swap3A_284] {strides = array<i32>} : memref<256x128xi32, #tpu.memory_space<vmem>>, vector<16xi32>,
      tpu.vector_store %arg5[%swap3A_283, %swap3A_284], %gather3A_282 {strides = array<i32>} : memref<256x128xi32, #tpu.memory_space<vmem>>, vector<16xi32>,
      %add3A_286 = arith.addi %scan3A_248, %add3A_230 : vector<16xi32>
      %gather3A_287 = tpu.vector_load_idx %arg4[%select_n3A_237, %add3A_286] : memref<50x512xi32, #tpu.memory_space<vmem>>[vector<16xi32>, vector<16xi32>], vector<16xi32>,
      %swap3A_288 = arith.index_cast %add3A_252 : i32 to index
      %swap3A_289 = arith.constant 112 : index
      %swap3A_290 = tpu.vector_load %arg5[%swap3A_288, %swap3A_289] {strides = array<i32>} : memref<256x128xi32, #tpu.memory_space<vmem>>, vector<16xi32>,
      tpu.vector_store %arg5[%swap3A_288, %swap3A_289], %gather3A_287 {strides = array<i32>} : memref<256x128xi32, #tpu.memory_space<vmem>>, vector<16xi32>,
      %add3A_291 = arith.constant 2 : i32
      %add3A_292 = vector.broadcast %add3A_291 : i32 to vector<16xi32>
      %add3A_293 = arith.addi %scan3A_248, %add3A_292 : vector<16xi32>
      scf.yield %add3A_293 : vector<16xi32>
    }
    %scan3A_244 = arith.constant 256 : i32
    %mul3A_245 = arith.constant 256 : i32
    %mul3A_246 = arith.muli %add3A, %mul3A_245 : i32
    "tpu.region"() ({
      %run_scoped3A = tpu.sem_alloc : memref<!tpu.dma_semaphore, #tpu.memory_space<semaphore_mem>>
      %dma_start3A = arith.constant 0 : i32
      %dma_start3A_247 = tpu.memref_slice %arg3[%mul3A_246, %dma_start3A] : memref<8192x128xi32, #tpu.memory_space<hbm>> -> memref<256x128xi32, #tpu.memory_space<hbm>>
      %dma_start3A_248 = arith.constant 0 : i32
      %dma_start3A_249 = tpu.memref_slice %arg3[%mul3A_246, %dma_start3A_248] : memref<8192x128xi32, #tpu.memory_space<hbm>> -> memref<256x128xi32, #tpu.memory_space<hbm>>
      tpu.enqueue_dma source(%arg5 : memref<256x128xi32, #tpu.memory_space<vmem>>) target(%dma_start3A_249 : memref<256x128xi32, #tpu.memory_space<hbm>>) target_semaphore(%run_scoped3A : memref<!tpu.dma_semaphore, #tpu.memory_space<semaphore_mem>>)
      %dma_wait3A = arith.constant 0 : i32
      %dma_wait3A_250 = tpu.memref_slice %arg3[%mul3A_246, %dma_wait3A] : memref<8192x128xi32, #tpu.memory_space<hbm>> -> memref<256x128xi32, #tpu.memory_space<hbm>>
      %dma_wait3A_251 = arith.constant 0 : i32
      %dma_wait3A_252 = tpu.memref_slice %arg3[%mul3A_246, %dma_wait3A_251] : memref<8192x128xi32, #tpu.memory_space<hbm>> -> memref<256x128xi32, #tpu.memory_space<hbm>>
      tpu.wait_dma2 semaphore(%run_scoped3A : memref<!tpu.dma_semaphore, #tpu.memory_space<semaphore_mem>>) src(%arg5 : memref<256x128xi32, #tpu.memory_space<vmem>>) dst(%dma_wait3A_252 : memref<256x128xi32, #tpu.memory_space<hbm>>)
      tpu.yield
    }) : () -> ()
    return
  }
}

#map = affine_map<(d0, d1) -> (0, 0)>
#map1 = affine_map<(d0, d1) -> (0, 0, 0)>
module attributes {stable_mosaic.version = 14 : i64} {
  func.func @gather_kernel(%arg0: i32, %arg1: i32, %arg2: memref<1000000x32xf32, #tpu.memory_space<hbm>>, %arg3: memref<8192x128xi32, #tpu.memory_space<hbm>>, %arg4: memref<16384x50x32xf32, #tpu.memory_space<hbm>>, %arg5: memref<256x128xi32, #tpu.memory_space<vmem>>, %arg6: memref<8x2x64x32xf32, #tpu.memory_space<vmem>>, %arg7: memref<!tpu.dma_semaphore, #tpu.memory_space<semaphore_mem>>, %arg8: memref<!tpu.dma_semaphore, #tpu.memory_space<semaphore_mem>>, %arg9: memref<!tpu.dma_semaphore, #tpu.memory_space<semaphore_mem>>, %arg10: memref<!tpu.dma_semaphore, #tpu.memory_space<semaphore_mem>>, %arg11: memref<!tpu.dma_semaphore, #tpu.memory_space<semaphore_mem>>, %arg12: memref<!tpu.dma_semaphore, #tpu.memory_space<semaphore_mem>>, %arg13: memref<!tpu.dma_semaphore, #tpu.memory_space<semaphore_mem>>, %arg14: memref<!tpu.dma_semaphore, #tpu.memory_space<semaphore_mem>>, %arg15: memref<!tpu.dma_semaphore, #tpu.memory_space<semaphore_mem>>, %arg16: memref<!tpu.dma_semaphore, #tpu.memory_space<semaphore_mem>>, %arg17: memref<!tpu.dma_semaphore, #tpu.memory_space<semaphore_mem>>, %arg18: memref<!tpu.dma_semaphore, #tpu.memory_space<semaphore_mem>>, %arg19: memref<!tpu.dma_semaphore, #tpu.memory_space<semaphore_mem>>, %arg20: memref<!tpu.dma_semaphore, #tpu.memory_space<semaphore_mem>>, %arg21: memref<!tpu.dma_semaphore, #tpu.memory_space<semaphore_mem>>, %arg22: memref<!tpu.dma_semaphore, #tpu.memory_space<semaphore_mem>>) attributes {dimension_semantics = [#tpu.dimension_semantics<core_parallel>, #tpu.dimension_semantics<subcore_parallel>], iteration_bounds = array<i64: 2, 16>, scalar_prefetch = 0 : i64, scratch_operands = 18 : i64, tpu.core_type = #tpu.core_type<sc_vector_subcore>, window_params = [{transform_indices = #map}, {transform_indices = #map}, {transform_indices = #map1}]} {
    %mul3A = arith.constant 2 : i32
    %mul3A_0 = arith.muli %arg1, %mul3A : i32
    %add3A = arith.addi %mul3A_0, %arg0 : i32
    %mul3A_1 = arith.constant 512 : i32
    %mul3A_2 = arith.muli %add3A, %mul3A_1 : i32
    %mul3A_3 = arith.constant 256 : i32
    %mul3A_4 = arith.muli %add3A, %mul3A_3 : i32
    "tpu.region"() ({
      %run_scoped3A = tpu.sem_alloc : memref<!tpu.dma_semaphore, #tpu.memory_space<semaphore_mem>>
      %dma_start3A_775 = arith.constant 0 : i32
      %dma_start3A_776 = tpu.memref_slice %arg3[%mul3A_4, %dma_start3A_775] : memref<8192x128xi32, #tpu.memory_space<hbm>> -> memref<256x128xi32, #tpu.memory_space<hbm>>
      %dma_start3A_777 = arith.constant 0 : i32
      %dma_start3A_778 = tpu.memref_slice %arg3[%mul3A_4, %dma_start3A_777] : memref<8192x128xi32, #tpu.memory_space<hbm>> -> memref<256x128xi32, #tpu.memory_space<hbm>>
      tpu.enqueue_dma source(%dma_start3A_778 : memref<256x128xi32, #tpu.memory_space<hbm>>) target(%arg5 : memref<256x128xi32, #tpu.memory_space<vmem>>) target_semaphore(%run_scoped3A : memref<!tpu.dma_semaphore, #tpu.memory_space<semaphore_mem>>)
      %dma_wait3A_779 = arith.constant 0 : i32
      %dma_wait3A_780 = tpu.memref_slice %arg3[%mul3A_4, %dma_wait3A_779] : memref<8192x128xi32, #tpu.memory_space<hbm>> -> memref<256x128xi32, #tpu.memory_space<hbm>>
      %dma_wait3A_781 = arith.constant 0 : i32
      %dma_wait3A_782 = tpu.memref_slice %arg3[%mul3A_4, %dma_wait3A_781] : memref<8192x128xi32, #tpu.memory_space<hbm>> -> memref<256x128xi32, #tpu.memory_space<hbm>>
      tpu.wait_dma2 semaphore(%run_scoped3A : memref<!tpu.dma_semaphore, #tpu.memory_space<semaphore_mem>>) src(%dma_wait3A_782 : memref<256x128xi32, #tpu.memory_space<hbm>>) dst(%arg5 : memref<256x128xi32, #tpu.memory_space<vmem>>)
      tpu.yield
    }) : () -> ()
    %dma_start3A = arith.constant 0 : i32
    %dma_start3A_5 = arith.constant 0 : i32
    %dma_start3A_6 = arith.constant 0 : i32
    %dma_start3A_7 = arith.constant 0 : i32
    %dma_start3A_8 = arith.constant 0 : i32
    %dma_start3A_9 = tpu.memref_slice %arg6[%dma_start3A_5, %dma_start3A_6, %dma_start3A_7, %dma_start3A_8] : memref<8x2x64x32xf32, #tpu.memory_space<vmem>> -> memref<1x1x64x32xf32, #tpu.memory_space<vmem>>
    %dma_start3A_10 = tpu.memref_squeeze %dma_start3A_9 : memref<1x1x64x32xf32, #tpu.memory_space<vmem>> -> memref<64x32xf32, #tpu.memory_space<vmem>>
    %dma_start3A_11 = arith.constant 0 : i32
    %dma_start3A_12 = tpu.memref_slice %arg5[%dma_start3A, %dma_start3A_11] : memref<256x128xi32, #tpu.memory_space<vmem>> -> memref<1x64xi32, #tpu.memory_space<vmem>>
    %dma_start3A_13 = tpu.memref_squeeze %dma_start3A_12 : memref<1x64xi32, #tpu.memory_space<vmem>> -> memref<64xi32, #tpu.memory_space<vmem>>
    %dma_start3A_14 = arith.constant 0 : i32
    %dma_start3A_15 = arith.constant 0 : i32
    %dma_start3A_16 = tpu.memref_slice %arg2[%dma_start3A_14, %dma_start3A_15] : memref<1000000x32xf32, #tpu.memory_space<hbm>> -> memref<1000000x32xf32, #tpu.memory_space<hbm>>
    tpu.enqueue_indirect_dma source(%dma_start3A_16 : memref<1000000x32xf32, #tpu.memory_space<hbm>>) target(%dma_start3A_10 : memref<64x32xf32, #tpu.memory_space<vmem>>) offsets(%dma_start3A_13 : memref<64xi32, #tpu.memory_space<vmem>>) semaphore(%arg7 : memref<!tpu.dma_semaphore, #tpu.memory_space<semaphore_mem>>)
    %dma_start3A_17 = arith.constant 0 : i32
    %dma_start3A_18 = arith.constant 0 : i32
    %dma_start3A_19 = arith.constant 1 : i32
    %dma_start3A_20 = arith.constant 0 : i32
    %dma_start3A_21 = arith.constant 0 : i32
    %dma_start3A_22 = tpu.memref_slice %arg6[%dma_start3A_18, %dma_start3A_19, %dma_start3A_20, %dma_start3A_21] : memref<8x2x64x32xf32, #tpu.memory_space<vmem>> -> memref<1x1x64x32xf32, #tpu.memory_space<vmem>>
    %dma_start3A_23 = tpu.memref_squeeze %dma_start3A_22 : memref<1x1x64x32xf32, #tpu.memory_space<vmem>> -> memref<64x32xf32, #tpu.memory_space<vmem>>
    %dma_start3A_24 = arith.constant 64 : i32
    %dma_start3A_25 = tpu.memref_slice %arg5[%dma_start3A_17, %dma_start3A_24] : memref<256x128xi32, #tpu.memory_space<vmem>> -> memref<1x64xi32, #tpu.memory_space<vmem>>
    %dma_start3A_26 = tpu.memref_squeeze %dma_start3A_25 : memref<1x64xi32, #tpu.memory_space<vmem>> -> memref<64xi32, #tpu.memory_space<vmem>>
    %dma_start3A_27 = arith.constant 0 : i32
    %dma_start3A_28 = arith.constant 0 : i32
    %dma_start3A_29 = tpu.memref_slice %arg2[%dma_start3A_27, %dma_start3A_28] : memref<1000000x32xf32, #tpu.memory_space<hbm>> -> memref<1000000x32xf32, #tpu.memory_space<hbm>>
    tpu.enqueue_indirect_dma source(%dma_start3A_29 : memref<1000000x32xf32, #tpu.memory_space<hbm>>) target(%dma_start3A_23 : memref<64x32xf32, #tpu.memory_space<vmem>>) offsets(%dma_start3A_26 : memref<64xi32, #tpu.memory_space<vmem>>) semaphore(%arg7 : memref<!tpu.dma_semaphore, #tpu.memory_space<semaphore_mem>>)
    %dma_start3A_30 = arith.constant 1 : i32
    %dma_start3A_31 = arith.constant 1 : i32
    %dma_start3A_32 = arith.constant 0 : i32
    %dma_start3A_33 = arith.constant 0 : i32
    %dma_start3A_34 = arith.constant 0 : i32
    %dma_start3A_35 = tpu.memref_slice %arg6[%dma_start3A_31, %dma_start3A_32, %dma_start3A_33, %dma_start3A_34] : memref<8x2x64x32xf32, #tpu.memory_space<vmem>> -> memref<1x1x64x32xf32, #tpu.memory_space<vmem>>
    %dma_start3A_36 = tpu.memref_squeeze %dma_start3A_35 : memref<1x1x64x32xf32, #tpu.memory_space<vmem>> -> memref<64x32xf32, #tpu.memory_space<vmem>>
    %dma_start3A_37 = arith.constant 0 : i32
    %dma_start3A_38 = tpu.memref_slice %arg5[%dma_start3A_30, %dma_start3A_37] : memref<256x128xi32, #tpu.memory_space<vmem>> -> memref<1x64xi32, #tpu.memory_space<vmem>>
    %dma_start3A_39 = tpu.memref_squeeze %dma_start3A_38 : memref<1x64xi32, #tpu.memory_space<vmem>> -> memref<64xi32, #tpu.memory_space<vmem>>
    %dma_start3A_40 = arith.constant 0 : i32
    %dma_start3A_41 = arith.constant 0 : i32
    %dma_start3A_42 = tpu.memref_slice %arg2[%dma_start3A_40, %dma_start3A_41] : memref<1000000x32xf32, #tpu.memory_space<hbm>> -> memref<1000000x32xf32, #tpu.memory_space<hbm>>
    tpu.enqueue_indirect_dma source(%dma_start3A_42 : memref<1000000x32xf32, #tpu.memory_space<hbm>>) target(%dma_start3A_36 : memref<64x32xf32, #tpu.memory_space<vmem>>) offsets(%dma_start3A_39 : memref<64xi32, #tpu.memory_space<vmem>>) semaphore(%arg8 : memref<!tpu.dma_semaphore, #tpu.memory_space<semaphore_mem>>)
    %dma_start3A_43 = arith.constant 1 : i32
    %dma_start3A_44 = arith.constant 1 : i32
    %dma_start3A_45 = arith.constant 1 : i32
    %dma_start3A_46 = arith.constant 0 : i32
    %dma_start3A_47 = arith.constant 0 : i32
    %dma_start3A_48 = tpu.memref_slice %arg6[%dma_start3A_44, %dma_start3A_45, %dma_start3A_46, %dma_start3A_47] : memref<8x2x64x32xf32, #tpu.memory_space<vmem>> -> memref<1x1x64x32xf32, #tpu.memory_space<vmem>>
    %dma_start3A_49 = tpu.memref_squeeze %dma_start3A_48 : memref<1x1x64x32xf32, #tpu.memory_space<vmem>> -> memref<64x32xf32, #tpu.memory_space<vmem>>
    %dma_start3A_50 = arith.constant 64 : i32
    %dma_start3A_51 = tpu.memref_slice %arg5[%dma_start3A_43, %dma_start3A_50] : memref<256x128xi32, #tpu.memory_space<vmem>> -> memref<1x64xi32, #tpu.memory_space<vmem>>
    %dma_start3A_52 = tpu.memref_squeeze %dma_start3A_51 : memref<1x64xi32, #tpu.memory_space<vmem>> -> memref<64xi32, #tpu.memory_space<vmem>>
    %dma_start3A_53 = arith.constant 0 : i32
    %dma_start3A_54 = arith.constant 0 : i32
    %dma_start3A_55 = tpu.memref_slice %arg2[%dma_start3A_53, %dma_start3A_54] : memref<1000000x32xf32, #tpu.memory_space<hbm>> -> memref<1000000x32xf32, #tpu.memory_space<hbm>>
    tpu.enqueue_indirect_dma source(%dma_start3A_55 : memref<1000000x32xf32, #tpu.memory_space<hbm>>) target(%dma_start3A_49 : memref<64x32xf32, #tpu.memory_space<vmem>>) offsets(%dma_start3A_52 : memref<64xi32, #tpu.memory_space<vmem>>) semaphore(%arg8 : memref<!tpu.dma_semaphore, #tpu.memory_space<semaphore_mem>>)
    %dma_start3A_56 = arith.constant 2 : i32
    %dma_start3A_57 = arith.constant 2 : i32
    %dma_start3A_58 = arith.constant 0 : i32
    %dma_start3A_59 = arith.constant 0 : i32
    %dma_start3A_60 = arith.constant 0 : i32
    %dma_start3A_61 = tpu.memref_slice %arg6[%dma_start3A_57, %dma_start3A_58, %dma_start3A_59, %dma_start3A_60] : memref<8x2x64x32xf32, #tpu.memory_space<vmem>> -> memref<1x1x64x32xf32, #tpu.memory_space<vmem>>
    %dma_start3A_62 = tpu.memref_squeeze %dma_start3A_61 : memref<1x1x64x32xf32, #tpu.memory_space<vmem>> -> memref<64x32xf32, #tpu.memory_space<vmem>>
    %dma_start3A_63 = arith.constant 0 : i32
    %dma_start3A_64 = tpu.memref_slice %arg5[%dma_start3A_56, %dma_start3A_63] : memref<256x128xi32, #tpu.memory_space<vmem>> -> memref<1x64xi32, #tpu.memory_space<vmem>>
    %dma_start3A_65 = tpu.memref_squeeze %dma_start3A_64 : memref<1x64xi32, #tpu.memory_space<vmem>> -> memref<64xi32, #tpu.memory_space<vmem>>
    %dma_start3A_66 = arith.constant 0 : i32
    %dma_start3A_67 = arith.constant 0 : i32
    %dma_start3A_68 = tpu.memref_slice %arg2[%dma_start3A_66, %dma_start3A_67] : memref<1000000x32xf32, #tpu.memory_space<hbm>> -> memref<1000000x32xf32, #tpu.memory_space<hbm>>
    tpu.enqueue_indirect_dma source(%dma_start3A_68 : memref<1000000x32xf32, #tpu.memory_space<hbm>>) target(%dma_start3A_62 : memref<64x32xf32, #tpu.memory_space<vmem>>) offsets(%dma_start3A_65 : memref<64xi32, #tpu.memory_space<vmem>>) semaphore(%arg9 : memref<!tpu.dma_semaphore, #tpu.memory_space<semaphore_mem>>)
    %dma_start3A_69 = arith.constant 2 : i32
    %dma_start3A_70 = arith.constant 2 : i32
    %dma_start3A_71 = arith.constant 1 : i32
    %dma_start3A_72 = arith.constant 0 : i32
    %dma_start3A_73 = arith.constant 0 : i32
    %dma_start3A_74 = tpu.memref_slice %arg6[%dma_start3A_70, %dma_start3A_71, %dma_start3A_72, %dma_start3A_73] : memref<8x2x64x32xf32, #tpu.memory_space<vmem>> -> memref<1x1x64x32xf32, #tpu.memory_space<vmem>>
    %dma_start3A_75 = tpu.memref_squeeze %dma_start3A_74 : memref<1x1x64x32xf32, #tpu.memory_space<vmem>> -> memref<64x32xf32, #tpu.memory_space<vmem>>
    %dma_start3A_76 = arith.constant 64 : i32
    %dma_start3A_77 = tpu.memref_slice %arg5[%dma_start3A_69, %dma_start3A_76] : memref<256x128xi32, #tpu.memory_space<vmem>> -> memref<1x64xi32, #tpu.memory_space<vmem>>
    %dma_start3A_78 = tpu.memref_squeeze %dma_start3A_77 : memref<1x64xi32, #tpu.memory_space<vmem>> -> memref<64xi32, #tpu.memory_space<vmem>>
    %dma_start3A_79 = arith.constant 0 : i32
    %dma_start3A_80 = arith.constant 0 : i32
    %dma_start3A_81 = tpu.memref_slice %arg2[%dma_start3A_79, %dma_start3A_80] : memref<1000000x32xf32, #tpu.memory_space<hbm>> -> memref<1000000x32xf32, #tpu.memory_space<hbm>>
    tpu.enqueue_indirect_dma source(%dma_start3A_81 : memref<1000000x32xf32, #tpu.memory_space<hbm>>) target(%dma_start3A_75 : memref<64x32xf32, #tpu.memory_space<vmem>>) offsets(%dma_start3A_78 : memref<64xi32, #tpu.memory_space<vmem>>) semaphore(%arg9 : memref<!tpu.dma_semaphore, #tpu.memory_space<semaphore_mem>>)
    %dma_start3A_82 = arith.constant 3 : i32
    %dma_start3A_83 = arith.constant 3 : i32
    %dma_start3A_84 = arith.constant 0 : i32
    %dma_start3A_85 = arith.constant 0 : i32
    %dma_start3A_86 = arith.constant 0 : i32
    %dma_start3A_87 = tpu.memref_slice %arg6[%dma_start3A_83, %dma_start3A_84, %dma_start3A_85, %dma_start3A_86] : memref<8x2x64x32xf32, #tpu.memory_space<vmem>> -> memref<1x1x64x32xf32, #tpu.memory_space<vmem>>
    %dma_start3A_88 = tpu.memref_squeeze %dma_start3A_87 : memref<1x1x64x32xf32, #tpu.memory_space<vmem>> -> memref<64x32xf32, #tpu.memory_space<vmem>>
    %dma_start3A_89 = arith.constant 0 : i32
    %dma_start3A_90 = tpu.memref_slice %arg5[%dma_start3A_82, %dma_start3A_89] : memref<256x128xi32, #tpu.memory_space<vmem>> -> memref<1x64xi32, #tpu.memory_space<vmem>>
    %dma_start3A_91 = tpu.memref_squeeze %dma_start3A_90 : memref<1x64xi32, #tpu.memory_space<vmem>> -> memref<64xi32, #tpu.memory_space<vmem>>
    %dma_start3A_92 = arith.constant 0 : i32
    %dma_start3A_93 = arith.constant 0 : i32
    %dma_start3A_94 = tpu.memref_slice %arg2[%dma_start3A_92, %dma_start3A_93] : memref<1000000x32xf32, #tpu.memory_space<hbm>> -> memref<1000000x32xf32, #tpu.memory_space<hbm>>
    tpu.enqueue_indirect_dma source(%dma_start3A_94 : memref<1000000x32xf32, #tpu.memory_space<hbm>>) target(%dma_start3A_88 : memref<64x32xf32, #tpu.memory_space<vmem>>) offsets(%dma_start3A_91 : memref<64xi32, #tpu.memory_space<vmem>>) semaphore(%arg10 : memref<!tpu.dma_semaphore, #tpu.memory_space<semaphore_mem>>)
    %dma_start3A_95 = arith.constant 3 : i32
    %dma_start3A_96 = arith.constant 3 : i32
    %dma_start3A_97 = arith.constant 1 : i32
    %dma_start3A_98 = arith.constant 0 : i32
    %dma_start3A_99 = arith.constant 0 : i32
    %dma_start3A_100 = tpu.memref_slice %arg6[%dma_start3A_96, %dma_start3A_97, %dma_start3A_98, %dma_start3A_99] : memref<8x2x64x32xf32, #tpu.memory_space<vmem>> -> memref<1x1x64x32xf32, #tpu.memory_space<vmem>>
    %dma_start3A_101 = tpu.memref_squeeze %dma_start3A_100 : memref<1x1x64x32xf32, #tpu.memory_space<vmem>> -> memref<64x32xf32, #tpu.memory_space<vmem>>
    %dma_start3A_102 = arith.constant 64 : i32
    %dma_start3A_103 = tpu.memref_slice %arg5[%dma_start3A_95, %dma_start3A_102] : memref<256x128xi32, #tpu.memory_space<vmem>> -> memref<1x64xi32, #tpu.memory_space<vmem>>
    %dma_start3A_104 = tpu.memref_squeeze %dma_start3A_103 : memref<1x64xi32, #tpu.memory_space<vmem>> -> memref<64xi32, #tpu.memory_space<vmem>>
    %dma_start3A_105 = arith.constant 0 : i32
    %dma_start3A_106 = arith.constant 0 : i32
    %dma_start3A_107 = tpu.memref_slice %arg2[%dma_start3A_105, %dma_start3A_106] : memref<1000000x32xf32, #tpu.memory_space<hbm>> -> memref<1000000x32xf32, #tpu.memory_space<hbm>>
    tpu.enqueue_indirect_dma source(%dma_start3A_107 : memref<1000000x32xf32, #tpu.memory_space<hbm>>) target(%dma_start3A_101 : memref<64x32xf32, #tpu.memory_space<vmem>>) offsets(%dma_start3A_104 : memref<64xi32, #tpu.memory_space<vmem>>) semaphore(%arg10 : memref<!tpu.dma_semaphore, #tpu.memory_space<semaphore_mem>>)
    %dma_start3A_108 = arith.constant 4 : i32
    %dma_start3A_109 = arith.constant 4 : i32
    %dma_start3A_110 = arith.constant 0 : i32
    %dma_start3A_111 = arith.constant 0 : i32
    %dma_start3A_112 = arith.constant 0 : i32
    %dma_start3A_113 = tpu.memref_slice %arg6[%dma_start3A_109, %dma_start3A_110, %dma_start3A_111, %dma_start3A_112] : memref<8x2x64x32xf32, #tpu.memory_space<vmem>> -> memref<1x1x64x32xf32, #tpu.memory_space<vmem>>
    %dma_start3A_114 = tpu.memref_squeeze %dma_start3A_113 : memref<1x1x64x32xf32, #tpu.memory_space<vmem>> -> memref<64x32xf32, #tpu.memory_space<vmem>>
    %dma_start3A_115 = arith.constant 0 : i32
    %dma_start3A_116 = tpu.memref_slice %arg5[%dma_start3A_108, %dma_start3A_115] : memref<256x128xi32, #tpu.memory_space<vmem>> -> memref<1x64xi32, #tpu.memory_space<vmem>>
    %dma_start3A_117 = tpu.memref_squeeze %dma_start3A_116 : memref<1x64xi32, #tpu.memory_space<vmem>> -> memref<64xi32, #tpu.memory_space<vmem>>
    %dma_start3A_118 = arith.constant 0 : i32
    %dma_start3A_119 = arith.constant 0 : i32
    %dma_start3A_120 = tpu.memref_slice %arg2[%dma_start3A_118, %dma_start3A_119] : memref<1000000x32xf32, #tpu.memory_space<hbm>> -> memref<1000000x32xf32, #tpu.memory_space<hbm>>
    tpu.enqueue_indirect_dma source(%dma_start3A_120 : memref<1000000x32xf32, #tpu.memory_space<hbm>>) target(%dma_start3A_114 : memref<64x32xf32, #tpu.memory_space<vmem>>) offsets(%dma_start3A_117 : memref<64xi32, #tpu.memory_space<vmem>>) semaphore(%arg11 : memref<!tpu.dma_semaphore, #tpu.memory_space<semaphore_mem>>)
    %dma_start3A_121 = arith.constant 4 : i32
    %dma_start3A_122 = arith.constant 4 : i32
    %dma_start3A_123 = arith.constant 1 : i32
    %dma_start3A_124 = arith.constant 0 : i32
    %dma_start3A_125 = arith.constant 0 : i32
    %dma_start3A_126 = tpu.memref_slice %arg6[%dma_start3A_122, %dma_start3A_123, %dma_start3A_124, %dma_start3A_125] : memref<8x2x64x32xf32, #tpu.memory_space<vmem>> -> memref<1x1x64x32xf32, #tpu.memory_space<vmem>>
    %dma_start3A_127 = tpu.memref_squeeze %dma_start3A_126 : memref<1x1x64x32xf32, #tpu.memory_space<vmem>> -> memref<64x32xf32, #tpu.memory_space<vmem>>
    %dma_start3A_128 = arith.constant 64 : i32
    %dma_start3A_129 = tpu.memref_slice %arg5[%dma_start3A_121, %dma_start3A_128] : memref<256x128xi32, #tpu.memory_space<vmem>> -> memref<1x64xi32, #tpu.memory_space<vmem>>
    %dma_start3A_130 = tpu.memref_squeeze %dma_start3A_129 : memref<1x64xi32, #tpu.memory_space<vmem>> -> memref<64xi32, #tpu.memory_space<vmem>>
    %dma_start3A_131 = arith.constant 0 : i32
    %dma_start3A_132 = arith.constant 0 : i32
    %dma_start3A_133 = tpu.memref_slice %arg2[%dma_start3A_131, %dma_start3A_132] : memref<1000000x32xf32, #tpu.memory_space<hbm>> -> memref<1000000x32xf32, #tpu.memory_space<hbm>>
    tpu.enqueue_indirect_dma source(%dma_start3A_133 : memref<1000000x32xf32, #tpu.memory_space<hbm>>) target(%dma_start3A_127 : memref<64x32xf32, #tpu.memory_space<vmem>>) offsets(%dma_start3A_130 : memref<64xi32, #tpu.memory_space<vmem>>) semaphore(%arg11 : memref<!tpu.dma_semaphore, #tpu.memory_space<semaphore_mem>>)
    %dma_start3A_134 = arith.constant 5 : i32
    %dma_start3A_135 = arith.constant 5 : i32
    %dma_start3A_136 = arith.constant 0 : i32
    %dma_start3A_137 = arith.constant 0 : i32
    %dma_start3A_138 = arith.constant 0 : i32
    %dma_start3A_139 = tpu.memref_slice %arg6[%dma_start3A_135, %dma_start3A_136, %dma_start3A_137, %dma_start3A_138] : memref<8x2x64x32xf32, #tpu.memory_space<vmem>> -> memref<1x1x64x32xf32, #tpu.memory_space<vmem>>
    %dma_start3A_140 = tpu.memref_squeeze %dma_start3A_139 : memref<1x1x64x32xf32, #tpu.memory_space<vmem>> -> memref<64x32xf32, #tpu.memory_space<vmem>>
    %dma_start3A_141 = arith.constant 0 : i32
    %dma_start3A_142 = tpu.memref_slice %arg5[%dma_start3A_134, %dma_start3A_141] : memref<256x128xi32, #tpu.memory_space<vmem>> -> memref<1x64xi32, #tpu.memory_space<vmem>>
    %dma_start3A_143 = tpu.memref_squeeze %dma_start3A_142 : memref<1x64xi32, #tpu.memory_space<vmem>> -> memref<64xi32, #tpu.memory_space<vmem>>
    %dma_start3A_144 = arith.constant 0 : i32
    %dma_start3A_145 = arith.constant 0 : i32
    %dma_start3A_146 = tpu.memref_slice %arg2[%dma_start3A_144, %dma_start3A_145] : memref<1000000x32xf32, #tpu.memory_space<hbm>> -> memref<1000000x32xf32, #tpu.memory_space<hbm>>
    tpu.enqueue_indirect_dma source(%dma_start3A_146 : memref<1000000x32xf32, #tpu.memory_space<hbm>>) target(%dma_start3A_140 : memref<64x32xf32, #tpu.memory_space<vmem>>) offsets(%dma_start3A_143 : memref<64xi32, #tpu.memory_space<vmem>>) semaphore(%arg12 : memref<!tpu.dma_semaphore, #tpu.memory_space<semaphore_mem>>)
    %dma_start3A_147 = arith.constant 5 : i32
    %dma_start3A_148 = arith.constant 5 : i32
    %dma_start3A_149 = arith.constant 1 : i32
    %dma_start3A_150 = arith.constant 0 : i32
    %dma_start3A_151 = arith.constant 0 : i32
    %dma_start3A_152 = tpu.memref_slice %arg6[%dma_start3A_148, %dma_start3A_149, %dma_start3A_150, %dma_start3A_151] : memref<8x2x64x32xf32, #tpu.memory_space<vmem>> -> memref<1x1x64x32xf32, #tpu.memory_space<vmem>>
    %dma_start3A_153 = tpu.memref_squeeze %dma_start3A_152 : memref<1x1x64x32xf32, #tpu.memory_space<vmem>> -> memref<64x32xf32, #tpu.memory_space<vmem>>
    %dma_start3A_154 = arith.constant 64 : i32
    %dma_start3A_155 = tpu.memref_slice %arg5[%dma_start3A_147, %dma_start3A_154] : memref<256x128xi32, #tpu.memory_space<vmem>> -> memref<1x64xi32, #tpu.memory_space<vmem>>
    %dma_start3A_156 = tpu.memref_squeeze %dma_start3A_155 : memref<1x64xi32, #tpu.memory_space<vmem>> -> memref<64xi32, #tpu.memory_space<vmem>>
    %dma_start3A_157 = arith.constant 0 : i32
    %dma_start3A_158 = arith.constant 0 : i32
    %dma_start3A_159 = tpu.memref_slice %arg2[%dma_start3A_157, %dma_start3A_158] : memref<1000000x32xf32, #tpu.memory_space<hbm>> -> memref<1000000x32xf32, #tpu.memory_space<hbm>>
    tpu.enqueue_indirect_dma source(%dma_start3A_159 : memref<1000000x32xf32, #tpu.memory_space<hbm>>) target(%dma_start3A_153 : memref<64x32xf32, #tpu.memory_space<vmem>>) offsets(%dma_start3A_156 : memref<64xi32, #tpu.memory_space<vmem>>) semaphore(%arg12 : memref<!tpu.dma_semaphore, #tpu.memory_space<semaphore_mem>>)
    %dma_start3A_160 = arith.constant 6 : i32
    %dma_start3A_161 = arith.constant 6 : i32
    %dma_start3A_162 = arith.constant 0 : i32
    %dma_start3A_163 = arith.constant 0 : i32
    %dma_start3A_164 = arith.constant 0 : i32
    %dma_start3A_165 = tpu.memref_slice %arg6[%dma_start3A_161, %dma_start3A_162, %dma_start3A_163, %dma_start3A_164] : memref<8x2x64x32xf32, #tpu.memory_space<vmem>> -> memref<1x1x64x32xf32, #tpu.memory_space<vmem>>
    %dma_start3A_166 = tpu.memref_squeeze %dma_start3A_165 : memref<1x1x64x32xf32, #tpu.memory_space<vmem>> -> memref<64x32xf32, #tpu.memory_space<vmem>>
    %dma_start3A_167 = arith.constant 0 : i32
    %dma_start3A_168 = tpu.memref_slice %arg5[%dma_start3A_160, %dma_start3A_167] : memref<256x128xi32, #tpu.memory_space<vmem>> -> memref<1x64xi32, #tpu.memory_space<vmem>>
    %dma_start3A_169 = tpu.memref_squeeze %dma_start3A_168 : memref<1x64xi32, #tpu.memory_space<vmem>> -> memref<64xi32, #tpu.memory_space<vmem>>
    %dma_start3A_170 = arith.constant 0 : i32
    %dma_start3A_171 = arith.constant 0 : i32
    %dma_start3A_172 = tpu.memref_slice %arg2[%dma_start3A_170, %dma_start3A_171] : memref<1000000x32xf32, #tpu.memory_space<hbm>> -> memref<1000000x32xf32, #tpu.memory_space<hbm>>
    tpu.enqueue_indirect_dma source(%dma_start3A_172 : memref<1000000x32xf32, #tpu.memory_space<hbm>>) target(%dma_start3A_166 : memref<64x32xf32, #tpu.memory_space<vmem>>) offsets(%dma_start3A_169 : memref<64xi32, #tpu.memory_space<vmem>>) semaphore(%arg13 : memref<!tpu.dma_semaphore, #tpu.memory_space<semaphore_mem>>)
    %dma_start3A_173 = arith.constant 6 : i32
    %dma_start3A_174 = arith.constant 6 : i32
    %dma_start3A_175 = arith.constant 1 : i32
    %dma_start3A_176 = arith.constant 0 : i32
    %dma_start3A_177 = arith.constant 0 : i32
    %dma_start3A_178 = tpu.memref_slice %arg6[%dma_start3A_174, %dma_start3A_175, %dma_start3A_176, %dma_start3A_177] : memref<8x2x64x32xf32, #tpu.memory_space<vmem>> -> memref<1x1x64x32xf32, #tpu.memory_space<vmem>>
    %dma_start3A_179 = tpu.memref_squeeze %dma_start3A_178 : memref<1x1x64x32xf32, #tpu.memory_space<vmem>> -> memref<64x32xf32, #tpu.memory_space<vmem>>
    %dma_start3A_180 = arith.constant 64 : i32
    %dma_start3A_181 = tpu.memref_slice %arg5[%dma_start3A_173, %dma_start3A_180] : memref<256x128xi32, #tpu.memory_space<vmem>> -> memref<1x64xi32, #tpu.memory_space<vmem>>
    %dma_start3A_182 = tpu.memref_squeeze %dma_start3A_181 : memref<1x64xi32, #tpu.memory_space<vmem>> -> memref<64xi32, #tpu.memory_space<vmem>>
    %dma_start3A_183 = arith.constant 0 : i32
    %dma_start3A_184 = arith.constant 0 : i32
    %dma_start3A_185 = tpu.memref_slice %arg2[%dma_start3A_183, %dma_start3A_184] : memref<1000000x32xf32, #tpu.memory_space<hbm>> -> memref<1000000x32xf32, #tpu.memory_space<hbm>>
    tpu.enqueue_indirect_dma source(%dma_start3A_185 : memref<1000000x32xf32, #tpu.memory_space<hbm>>) target(%dma_start3A_179 : memref<64x32xf32, #tpu.memory_space<vmem>>) offsets(%dma_start3A_182 : memref<64xi32, #tpu.memory_space<vmem>>) semaphore(%arg13 : memref<!tpu.dma_semaphore, #tpu.memory_space<semaphore_mem>>)
    %dma_start3A_186 = arith.constant 7 : i32
    %dma_start3A_187 = arith.constant 7 : i32
    %dma_start3A_188 = arith.constant 0 : i32
    %dma_start3A_189 = arith.constant 0 : i32
    %dma_start3A_190 = arith.constant 0 : i32
    %dma_start3A_191 = tpu.memref_slice %arg6[%dma_start3A_187, %dma_start3A_188, %dma_start3A_189, %dma_start3A_190] : memref<8x2x64x32xf32, #tpu.memory_space<vmem>> -> memref<1x1x64x32xf32, #tpu.memory_space<vmem>>
    %dma_start3A_192 = tpu.memref_squeeze %dma_start3A_191 : memref<1x1x64x32xf32, #tpu.memory_space<vmem>> -> memref<64x32xf32, #tpu.memory_space<vmem>>
    %dma_start3A_193 = arith.constant 0 : i32
    %dma_start3A_194 = tpu.memref_slice %arg5[%dma_start3A_186, %dma_start3A_193] : memref<256x128xi32, #tpu.memory_space<vmem>> -> memref<1x64xi32, #tpu.memory_space<vmem>>
    %dma_start3A_195 = tpu.memref_squeeze %dma_start3A_194 : memref<1x64xi32, #tpu.memory_space<vmem>> -> memref<64xi32, #tpu.memory_space<vmem>>
    %dma_start3A_196 = arith.constant 0 : i32
    %dma_start3A_197 = arith.constant 0 : i32
    %dma_start3A_198 = tpu.memref_slice %arg2[%dma_start3A_196, %dma_start3A_197] : memref<1000000x32xf32, #tpu.memory_space<hbm>> -> memref<1000000x32xf32, #tpu.memory_space<hbm>>
    tpu.enqueue_indirect_dma source(%dma_start3A_198 : memref<1000000x32xf32, #tpu.memory_space<hbm>>) target(%dma_start3A_192 : memref<64x32xf32, #tpu.memory_space<vmem>>) offsets(%dma_start3A_195 : memref<64xi32, #tpu.memory_space<vmem>>) semaphore(%arg14 : memref<!tpu.dma_semaphore, #tpu.memory_space<semaphore_mem>>)
    %dma_start3A_199 = arith.constant 7 : i32
    %dma_start3A_200 = arith.constant 7 : i32
    %dma_start3A_201 = arith.constant 1 : i32
    %dma_start3A_202 = arith.constant 0 : i32
    %dma_start3A_203 = arith.constant 0 : i32
    %dma_start3A_204 = tpu.memref_slice %arg6[%dma_start3A_200, %dma_start3A_201, %dma_start3A_202, %dma_start3A_203] : memref<8x2x64x32xf32, #tpu.memory_space<vmem>> -> memref<1x1x64x32xf32, #tpu.memory_space<vmem>>
    %dma_start3A_205 = tpu.memref_squeeze %dma_start3A_204 : memref<1x1x64x32xf32, #tpu.memory_space<vmem>> -> memref<64x32xf32, #tpu.memory_space<vmem>>
    %dma_start3A_206 = arith.constant 64 : i32
    %dma_start3A_207 = tpu.memref_slice %arg5[%dma_start3A_199, %dma_start3A_206] : memref<256x128xi32, #tpu.memory_space<vmem>> -> memref<1x64xi32, #tpu.memory_space<vmem>>
    %dma_start3A_208 = tpu.memref_squeeze %dma_start3A_207 : memref<1x64xi32, #tpu.memory_space<vmem>> -> memref<64xi32, #tpu.memory_space<vmem>>
    %dma_start3A_209 = arith.constant 0 : i32
    %dma_start3A_210 = arith.constant 0 : i32
    %dma_start3A_211 = tpu.memref_slice %arg2[%dma_start3A_209, %dma_start3A_210] : memref<1000000x32xf32, #tpu.memory_space<hbm>> -> memref<1000000x32xf32, #tpu.memory_space<hbm>>
    tpu.enqueue_indirect_dma source(%dma_start3A_211 : memref<1000000x32xf32, #tpu.memory_space<hbm>>) target(%dma_start3A_205 : memref<64x32xf32, #tpu.memory_space<vmem>>) offsets(%dma_start3A_208 : memref<64xi32, #tpu.memory_space<vmem>>) semaphore(%arg14 : memref<!tpu.dma_semaphore, #tpu.memory_space<semaphore_mem>>)
    %scan3A = arith.constant 0 : i32
    %scan3A_212 = arith.constant 31 : i32
    %scan3A_213 = arith.addi %scan3A, %scan3A_212 : i32
    %scan3A_214 = arith.constant 1 : i32
    scf.for %scan3A_775 = %scan3A to %scan3A_213 step %scan3A_214  : i32 {
      %mul3A_776 = arith.constant 8 : i32
      %mul3A_777 = arith.muli %scan3A_775, %mul3A_776 : i32
      %add3A_778 = arith.constant 0 : i32
      %add3A_779 = arith.addi %add3A_778, %mul3A_777 : i32
      %dma_wait3A_780 = arith.constant 0 : i32
      %dma_wait3A_781 = arith.constant 0 : i32
      %dma_wait3A_782 = arith.constant 0 : i32
      %dma_wait3A_783 = arith.constant 0 : i32
      %dma_wait3A_784 = tpu.memref_slice %arg6[%dma_wait3A_780, %dma_wait3A_781, %dma_wait3A_782, %dma_wait3A_783] : memref<8x2x64x32xf32, #tpu.memory_space<vmem>> -> memref<1x1x64x32xf32, #tpu.memory_space<vmem>>
      %dma_wait3A_785 = tpu.memref_squeeze %dma_wait3A_784 : memref<1x1x64x32xf32, #tpu.memory_space<vmem>> -> memref<64x32xf32, #tpu.memory_space<vmem>>
      %dma_wait3A_786 = arith.constant 0 : i32
      %dma_wait3A_787 = arith.constant 0 : i32
      %dma_wait3A_788 = tpu.memref_slice %arg2[%dma_wait3A_786, %dma_wait3A_787] : memref<1000000x32xf32, #tpu.memory_space<hbm>> -> memref<64x32xf32, #tpu.memory_space<hbm>>
      %dma_wait3A_789 = arith.constant 0 : i32
      %dma_wait3A_790 = arith.constant 0 : i32
      %dma_wait3A_791 = tpu.memref_slice %arg6[%dma_wait3A_780, %dma_wait3A_781, %dma_wait3A_789, %dma_wait3A_790] : memref<8x2x64x32xf32, #tpu.memory_space<vmem>> -> memref<1x1x64x32xf32, #tpu.memory_space<vmem>>
      %dma_wait3A_792 = tpu.memref_squeeze %dma_wait3A_791 : memref<1x1x64x32xf32, #tpu.memory_space<vmem>> -> memref<64x32xf32, #tpu.memory_space<vmem>>
      %dma_wait3A_793 = arith.constant 0 : i32
      %dma_wait3A_794 = arith.constant 0 : i32
      %dma_wait3A_795 = tpu.memref_slice %arg2[%dma_wait3A_793, %dma_wait3A_794] : memref<1000000x32xf32, #tpu.memory_space<hbm>> -> memref<64x32xf32, #tpu.memory_space<hbm>>
      tpu.wait_dma2 semaphore(%arg7 : memref<!tpu.dma_semaphore, #tpu.memory_space<semaphore_mem>>) src(%dma_wait3A_795 : memref<64x32xf32, #tpu.memory_space<hbm>>) dst(%dma_wait3A_792 : memref<64x32xf32, #tpu.memory_space<vmem>>)
      %dma_wait3A_796 = arith.constant 0 : i32
      %dma_wait3A_797 = arith.constant 1 : i32
      %dma_wait3A_798 = arith.constant 0 : i32
      %dma_wait3A_799 = arith.constant 0 : i32
      %dma_wait3A_800 = tpu.memref_slice %arg6[%dma_wait3A_796, %dma_wait3A_797, %dma_wait3A_798, %dma_wait3A_799] : memref<8x2x64x32xf32, #tpu.memory_space<vmem>> -> memref<1x1x64x32xf32, #tpu.memory_space<vmem>>
      %dma_wait3A_801 = tpu.memref_squeeze %dma_wait3A_800 : memref<1x1x64x32xf32, #tpu.memory_space<vmem>> -> memref<64x32xf32, #tpu.memory_space<vmem>>
      %dma_wait3A_802 = arith.constant 0 : i32
      %dma_wait3A_803 = arith.constant 0 : i32
      %dma_wait3A_804 = tpu.memref_slice %arg2[%dma_wait3A_802, %dma_wait3A_803] : memref<1000000x32xf32, #tpu.memory_space<hbm>> -> memref<64x32xf32, #tpu.memory_space<hbm>>
      %dma_wait3A_805 = arith.constant 0 : i32
      %dma_wait3A_806 = arith.constant 0 : i32
      %dma_wait3A_807 = tpu.memref_slice %arg6[%dma_wait3A_796, %dma_wait3A_797, %dma_wait3A_805, %dma_wait3A_806] : memref<8x2x64x32xf32, #tpu.memory_space<vmem>> -> memref<1x1x64x32xf32, #tpu.memory_space<vmem>>
      %dma_wait3A_808 = tpu.memref_squeeze %dma_wait3A_807 : memref<1x1x64x32xf32, #tpu.memory_space<vmem>> -> memref<64x32xf32, #tpu.memory_space<vmem>>
      %dma_wait3A_809 = arith.constant 0 : i32
      %dma_wait3A_810 = arith.constant 0 : i32
      %dma_wait3A_811 = tpu.memref_slice %arg2[%dma_wait3A_809, %dma_wait3A_810] : memref<1000000x32xf32, #tpu.memory_space<hbm>> -> memref<64x32xf32, #tpu.memory_space<hbm>>
      tpu.wait_dma2 semaphore(%arg7 : memref<!tpu.dma_semaphore, #tpu.memory_space<semaphore_mem>>) src(%dma_wait3A_811 : memref<64x32xf32, #tpu.memory_space<hbm>>) dst(%dma_wait3A_808 : memref<64x32xf32, #tpu.memory_space<vmem>>)
      %add3A_812 = arith.constant 0 : i32
      %add3A_813 = arith.addi %add3A_779, %add3A_812 : i32
      %mul3A_814 = arith.constant 2 : i32
      %mul3A_815 = arith.muli %add3A_813, %mul3A_814 : i32
      %add3A_816 = arith.addi %mul3A_2, %mul3A_815 : i32
      %dma_start3A_817 = arith.constant 0 : i32
      %dma_start3A_818 = arith.constant 0 : i32
      %dma_start3A_819 = arith.constant 0 : i32
      %dma_start3A_820 = arith.constant 0 : i32
      %dma_start3A_821 = tpu.memref_slice %arg6[%dma_start3A_817, %dma_start3A_818, %dma_start3A_819, %dma_start3A_820] : memref<8x2x64x32xf32, #tpu.memory_space<vmem>> -> memref<1x2x50x32xf32, #tpu.memory_space<vmem>>
      %dma_start3A_822 = tpu.memref_squeeze %dma_start3A_821 : memref<1x2x50x32xf32, #tpu.memory_space<vmem>> -> memref<2x50x32xf32, #tpu.memory_space<vmem>>
      %dma_start3A_823 = arith.constant 0 : i32
      %dma_start3A_824 = arith.constant 0 : i32
      %dma_start3A_825 = tpu.memref_slice %arg4[%add3A_816, %dma_start3A_823, %dma_start3A_824] : memref<16384x50x32xf32, #tpu.memory_space<hbm>> -> memref<2x50x32xf32, #tpu.memory_space<hbm>>
      %dma_start3A_826 = arith.constant 0 : i32
      %dma_start3A_827 = arith.constant 0 : i32
      %dma_start3A_828 = tpu.memref_slice %arg4[%add3A_816, %dma_start3A_826, %dma_start3A_827] : memref<16384x50x32xf32, #tpu.memory_space<hbm>> -> memref<2x50x32xf32, #tpu.memory_space<hbm>>
      %dma_start3A_829 = arith.constant 0 : i32
      %dma_start3A_830 = arith.constant 0 : i32
      %dma_start3A_831 = arith.constant 0 : i32
      %dma_start3A_832 = tpu.memref_slice %arg6[%dma_start3A_817, %dma_start3A_829, %dma_start3A_830, %dma_start3A_831] : memref<8x2x64x32xf32, #tpu.memory_space<vmem>> -> memref<1x2x50x32xf32, #tpu.memory_space<vmem>>
      %dma_start3A_833 = tpu.memref_squeeze %dma_start3A_832 : memref<1x2x50x32xf32, #tpu.memory_space<vmem>> -> memref<2x50x32xf32, #tpu.memory_space<vmem>>
      tpu.enqueue_dma source(%dma_start3A_833 : memref<2x50x32xf32, #tpu.memory_space<vmem>>) target(%dma_start3A_828 : memref<2x50x32xf32, #tpu.memory_space<hbm>>) target_semaphore(%arg15 : memref<!tpu.dma_semaphore, #tpu.memory_space<semaphore_mem>>)
      %dma_wait3A_834 = arith.constant 1 : i32
      %dma_wait3A_835 = arith.constant 0 : i32
      %dma_wait3A_836 = arith.constant 0 : i32
      %dma_wait3A_837 = arith.constant 0 : i32
      %dma_wait3A_838 = tpu.memref_slice %arg6[%dma_wait3A_834, %dma_wait3A_835, %dma_wait3A_836, %dma_wait3A_837] : memref<8x2x64x32xf32, #tpu.memory_space<vmem>> -> memref<1x1x64x32xf32, #tpu.memory_space<vmem>>
      %dma_wait3A_839 = tpu.memref_squeeze %dma_wait3A_838 : memref<1x1x64x32xf32, #tpu.memory_space<vmem>> -> memref<64x32xf32, #tpu.memory_space<vmem>>
      %dma_wait3A_840 = arith.constant 0 : i32
      %dma_wait3A_841 = arith.constant 0 : i32
      %dma_wait3A_842 = tpu.memref_slice %arg2[%dma_wait3A_840, %dma_wait3A_841] : memref<1000000x32xf32, #tpu.memory_space<hbm>> -> memref<64x32xf32, #tpu.memory_space<hbm>>
      %dma_wait3A_843 = arith.constant 0 : i32
      %dma_wait3A_844 = arith.constant 0 : i32
      %dma_wait3A_845 = tpu.memref_slice %arg6[%dma_wait3A_834, %dma_wait3A_835, %dma_wait3A_843, %dma_wait3A_844] : memref<8x2x64x32xf32, #tpu.memory_space<vmem>> -> memref<1x1x64x32xf32, #tpu.memory_space<vmem>>
      %dma_wait3A_846 = tpu.memref_squeeze %dma_wait3A_845 : memref<1x1x64x32xf32, #tpu.memory_space<vmem>> -> memref<64x32xf32, #tpu.memory_space<vmem>>
      %dma_wait3A_847 = arith.constant 0 : i32
      %dma_wait3A_848 = arith.constant 0 : i32
      %dma_wait3A_849 = tpu.memref_slice %arg2[%dma_wait3A_847, %dma_wait3A_848] : memref<1000000x32xf32, #tpu.memory_space<hbm>> -> memref<64x32xf32, #tpu.memory_space<hbm>>
      tpu.wait_dma2 semaphore(%arg8 : memref<!tpu.dma_semaphore, #tpu.memory_space<semaphore_mem>>) src(%dma_wait3A_849 : memref<64x32xf32, #tpu.memory_space<hbm>>) dst(%dma_wait3A_846 : memref<64x32xf32, #tpu.memory_space<vmem>>)
      %dma_wait3A_850 = arith.constant 1 : i32
      %dma_wait3A_851 = arith.constant 1 : i32
      %dma_wait3A_852 = arith.constant 0 : i32
      %dma_wait3A_853 = arith.constant 0 : i32
      %dma_wait3A_854 = tpu.memref_slice %arg6[%dma_wait3A_850, %dma_wait3A_851, %dma_wait3A_852, %dma_wait3A_853] : memref<8x2x64x32xf32, #tpu.memory_space<vmem>> -> memref<1x1x64x32xf32, #tpu.memory_space<vmem>>
      %dma_wait3A_855 = tpu.memref_squeeze %dma_wait3A_854 : memref<1x1x64x32xf32, #tpu.memory_space<vmem>> -> memref<64x32xf32, #tpu.memory_space<vmem>>
      %dma_wait3A_856 = arith.constant 0 : i32
      %dma_wait3A_857 = arith.constant 0 : i32
      %dma_wait3A_858 = tpu.memref_slice %arg2[%dma_wait3A_856, %dma_wait3A_857] : memref<1000000x32xf32, #tpu.memory_space<hbm>> -> memref<64x32xf32, #tpu.memory_space<hbm>>
      %dma_wait3A_859 = arith.constant 0 : i32
      %dma_wait3A_860 = arith.constant 0 : i32
      %dma_wait3A_861 = tpu.memref_slice %arg6[%dma_wait3A_850, %dma_wait3A_851, %dma_wait3A_859, %dma_wait3A_860] : memref<8x2x64x32xf32, #tpu.memory_space<vmem>> -> memref<1x1x64x32xf32, #tpu.memory_space<vmem>>
      %dma_wait3A_862 = tpu.memref_squeeze %dma_wait3A_861 : memref<1x1x64x32xf32, #tpu.memory_space<vmem>> -> memref<64x32xf32, #tpu.memory_space<vmem>>
      %dma_wait3A_863 = arith.constant 0 : i32
      %dma_wait3A_864 = arith.constant 0 : i32
      %dma_wait3A_865 = tpu.memref_slice %arg2[%dma_wait3A_863, %dma_wait3A_864] : memref<1000000x32xf32, #tpu.memory_space<hbm>> -> memref<64x32xf32, #tpu.memory_space<hbm>>
      tpu.wait_dma2 semaphore(%arg8 : memref<!tpu.dma_semaphore, #tpu.memory_space<semaphore_mem>>) src(%dma_wait3A_865 : memref<64x32xf32, #tpu.memory_space<hbm>>) dst(%dma_wait3A_862 : memref<64x32xf32, #tpu.memory_space<vmem>>)
      %add3A_866 = arith.constant 1 : i32
      %add3A_867 = arith.addi %add3A_779, %add3A_866 : i32
      %mul3A_868 = arith.constant 2 : i32
      %mul3A_869 = arith.muli %add3A_867, %mul3A_868 : i32
      %add3A_870 = arith.addi %mul3A_2, %mul3A_869 : i32
      %dma_start3A_871 = arith.constant 1 : i32
      %dma_start3A_872 = arith.constant 0 : i32
      %dma_start3A_873 = arith.constant 0 : i32
      %dma_start3A_874 = arith.constant 0 : i32
      %dma_start3A_875 = tpu.memref_slice %arg6[%dma_start3A_871, %dma_start3A_872, %dma_start3A_873, %dma_start3A_874] : memref<8x2x64x32xf32, #tpu.memory_space<vmem>> -> memref<1x2x50x32xf32, #tpu.memory_space<vmem>>
      %dma_start3A_876 = tpu.memref_squeeze %dma_start3A_875 : memref<1x2x50x32xf32, #tpu.memory_space<vmem>> -> memref<2x50x32xf32, #tpu.memory_space<vmem>>
      %dma_start3A_877 = arith.constant 0 : i32
      %dma_start3A_878 = arith.constant 0 : i32
      %dma_start3A_879 = tpu.memref_slice %arg4[%add3A_870, %dma_start3A_877, %dma_start3A_878] : memref<16384x50x32xf32, #tpu.memory_space<hbm>> -> memref<2x50x32xf32, #tpu.memory_space<hbm>>
      %dma_start3A_880 = arith.constant 0 : i32
      %dma_start3A_881 = arith.constant 0 : i32
      %dma_start3A_882 = tpu.memref_slice %arg4[%add3A_870, %dma_start3A_880, %dma_start3A_881] : memref<16384x50x32xf32, #tpu.memory_space<hbm>> -> memref<2x50x32xf32, #tpu.memory_space<hbm>>
      %dma_start3A_883 = arith.constant 0 : i32
      %dma_start3A_884 = arith.constant 0 : i32
      %dma_start3A_885 = arith.constant 0 : i32
      %dma_start3A_886 = tpu.memref_slice %arg6[%dma_start3A_871, %dma_start3A_883, %dma_start3A_884, %dma_start3A_885] : memref<8x2x64x32xf32, #tpu.memory_space<vmem>> -> memref<1x2x50x32xf32, #tpu.memory_space<vmem>>
      %dma_start3A_887 = tpu.memref_squeeze %dma_start3A_886 : memref<1x2x50x32xf32, #tpu.memory_space<vmem>> -> memref<2x50x32xf32, #tpu.memory_space<vmem>>
      tpu.enqueue_dma source(%dma_start3A_887 : memref<2x50x32xf32, #tpu.memory_space<vmem>>) target(%dma_start3A_882 : memref<2x50x32xf32, #tpu.memory_space<hbm>>) target_semaphore(%arg16 : memref<!tpu.dma_semaphore, #tpu.memory_space<semaphore_mem>>)
      %dma_wait3A_888 = arith.constant 2 : i32
      %dma_wait3A_889 = arith.constant 0 : i32
      %dma_wait3A_890 = arith.constant 0 : i32
      %dma_wait3A_891 = arith.constant 0 : i32
      %dma_wait3A_892 = tpu.memref_slice %arg6[%dma_wait3A_888, %dma_wait3A_889, %dma_wait3A_890, %dma_wait3A_891] : memref<8x2x64x32xf32, #tpu.memory_space<vmem>> -> memref<1x1x64x32xf32, #tpu.memory_space<vmem>>
      %dma_wait3A_893 = tpu.memref_squeeze %dma_wait3A_892 : memref<1x1x64x32xf32, #tpu.memory_space<vmem>> -> memref<64x32xf32, #tpu.memory_space<vmem>>
      %dma_wait3A_894 = arith.constant 0 : i32
      %dma_wait3A_895 = arith.constant 0 : i32
      %dma_wait3A_896 = tpu.memref_slice %arg2[%dma_wait3A_894, %dma_wait3A_895] : memref<1000000x32xf32, #tpu.memory_space<hbm>> -> memref<64x32xf32, #tpu.memory_space<hbm>>
      %dma_wait3A_897 = arith.constant 0 : i32
      %dma_wait3A_898 = arith.constant 0 : i32
      %dma_wait3A_899 = tpu.memref_slice %arg6[%dma_wait3A_888, %dma_wait3A_889, %dma_wait3A_897, %dma_wait3A_898] : memref<8x2x64x32xf32, #tpu.memory_space<vmem>> -> memref<1x1x64x32xf32, #tpu.memory_space<vmem>>
      %dma_wait3A_900 = tpu.memref_squeeze %dma_wait3A_899 : memref<1x1x64x32xf32, #tpu.memory_space<vmem>> -> memref<64x32xf32, #tpu.memory_space<vmem>>
      %dma_wait3A_901 = arith.constant 0 : i32
      %dma_wait3A_902 = arith.constant 0 : i32
      %dma_wait3A_903 = tpu.memref_slice %arg2[%dma_wait3A_901, %dma_wait3A_902] : memref<1000000x32xf32, #tpu.memory_space<hbm>> -> memref<64x32xf32, #tpu.memory_space<hbm>>
      tpu.wait_dma2 semaphore(%arg9 : memref<!tpu.dma_semaphore, #tpu.memory_space<semaphore_mem>>) src(%dma_wait3A_903 : memref<64x32xf32, #tpu.memory_space<hbm>>) dst(%dma_wait3A_900 : memref<64x32xf32, #tpu.memory_space<vmem>>)
      %dma_wait3A_904 = arith.constant 2 : i32
      %dma_wait3A_905 = arith.constant 1 : i32
      %dma_wait3A_906 = arith.constant 0 : i32
      %dma_wait3A_907 = arith.constant 0 : i32
      %dma_wait3A_908 = tpu.memref_slice %arg6[%dma_wait3A_904, %dma_wait3A_905, %dma_wait3A_906, %dma_wait3A_907] : memref<8x2x64x32xf32, #tpu.memory_space<vmem>> -> memref<1x1x64x32xf32, #tpu.memory_space<vmem>>
      %dma_wait3A_909 = tpu.memref_squeeze %dma_wait3A_908 : memref<1x1x64x32xf32, #tpu.memory_space<vmem>> -> memref<64x32xf32, #tpu.memory_space<vmem>>
      %dma_wait3A_910 = arith.constant 0 : i32
      %dma_wait3A_911 = arith.constant 0 : i32
      %dma_wait3A_912 = tpu.memref_slice %arg2[%dma_wait3A_910, %dma_wait3A_911] : memref<1000000x32xf32, #tpu.memory_space<hbm>> -> memref<64x32xf32, #tpu.memory_space<hbm>>
      %dma_wait3A_913 = arith.constant 0 : i32
      %dma_wait3A_914 = arith.constant 0 : i32
      %dma_wait3A_915 = tpu.memref_slice %arg6[%dma_wait3A_904, %dma_wait3A_905, %dma_wait3A_913, %dma_wait3A_914] : memref<8x2x64x32xf32, #tpu.memory_space<vmem>> -> memref<1x1x64x32xf32, #tpu.memory_space<vmem>>
      %dma_wait3A_916 = tpu.memref_squeeze %dma_wait3A_915 : memref<1x1x64x32xf32, #tpu.memory_space<vmem>> -> memref<64x32xf32, #tpu.memory_space<vmem>>
      %dma_wait3A_917 = arith.constant 0 : i32
      %dma_wait3A_918 = arith.constant 0 : i32
      %dma_wait3A_919 = tpu.memref_slice %arg2[%dma_wait3A_917, %dma_wait3A_918] : memref<1000000x32xf32, #tpu.memory_space<hbm>> -> memref<64x32xf32, #tpu.memory_space<hbm>>
      tpu.wait_dma2 semaphore(%arg9 : memref<!tpu.dma_semaphore, #tpu.memory_space<semaphore_mem>>) src(%dma_wait3A_919 : memref<64x32xf32, #tpu.memory_space<hbm>>) dst(%dma_wait3A_916 : memref<64x32xf32, #tpu.memory_space<vmem>>)
      %add3A_920 = arith.constant 2 : i32
      %add3A_921 = arith.addi %add3A_779, %add3A_920 : i32
      %mul3A_922 = arith.constant 2 : i32
      %mul3A_923 = arith.muli %add3A_921, %mul3A_922 : i32
      %add3A_924 = arith.addi %mul3A_2, %mul3A_923 : i32
      %dma_start3A_925 = arith.constant 2 : i32
      %dma_start3A_926 = arith.constant 0 : i32
      %dma_start3A_927 = arith.constant 0 : i32
      %dma_start3A_928 = arith.constant 0 : i32
      %dma_start3A_929 = tpu.memref_slice %arg6[%dma_start3A_925, %dma_start3A_926, %dma_start3A_927, %dma_start3A_928] : memref<8x2x64x32xf32, #tpu.memory_space<vmem>> -> memref<1x2x50x32xf32, #tpu.memory_space<vmem>>
      %dma_start3A_930 = tpu.memref_squeeze %dma_start3A_929 : memref<1x2x50x32xf32, #tpu.memory_space<vmem>> -> memref<2x50x32xf32, #tpu.memory_space<vmem>>
      %dma_start3A_931 = arith.constant 0 : i32
      %dma_start3A_932 = arith.constant 0 : i32
      %dma_start3A_933 = tpu.memref_slice %arg4[%add3A_924, %dma_start3A_931, %dma_start3A_932] : memref<16384x50x32xf32, #tpu.memory_space<hbm>> -> memref<2x50x32xf32, #tpu.memory_space<hbm>>
      %dma_start3A_934 = arith.constant 0 : i32
      %dma_start3A_935 = arith.constant 0 : i32
      %dma_start3A_936 = tpu.memref_slice %arg4[%add3A_924, %dma_start3A_934, %dma_start3A_935] : memref<16384x50x32xf32, #tpu.memory_space<hbm>> -> memref<2x50x32xf32, #tpu.memory_space<hbm>>
      %dma_start3A_937 = arith.constant 0 : i32
      %dma_start3A_938 = arith.constant 0 : i32
      %dma_start3A_939 = arith.constant 0 : i32
      %dma_start3A_940 = tpu.memref_slice %arg6[%dma_start3A_925, %dma_start3A_937, %dma_start3A_938, %dma_start3A_939] : memref<8x2x64x32xf32, #tpu.memory_space<vmem>> -> memref<1x2x50x32xf32, #tpu.memory_space<vmem>>
      %dma_start3A_941 = tpu.memref_squeeze %dma_start3A_940 : memref<1x2x50x32xf32, #tpu.memory_space<vmem>> -> memref<2x50x32xf32, #tpu.memory_space<vmem>>
      tpu.enqueue_dma source(%dma_start3A_941 : memref<2x50x32xf32, #tpu.memory_space<vmem>>) target(%dma_start3A_936 : memref<2x50x32xf32, #tpu.memory_space<hbm>>) target_semaphore(%arg17 : memref<!tpu.dma_semaphore, #tpu.memory_space<semaphore_mem>>)
      %dma_wait3A_942 = arith.constant 3 : i32
      %dma_wait3A_943 = arith.constant 0 : i32
      %dma_wait3A_944 = arith.constant 0 : i32
      %dma_wait3A_945 = arith.constant 0 : i32
      %dma_wait3A_946 = tpu.memref_slice %arg6[%dma_wait3A_942, %dma_wait3A_943, %dma_wait3A_944, %dma_wait3A_945] : memref<8x2x64x32xf32, #tpu.memory_space<vmem>> -> memref<1x1x64x32xf32, #tpu.memory_space<vmem>>
      %dma_wait3A_947 = tpu.memref_squeeze %dma_wait3A_946 : memref<1x1x64x32xf32, #tpu.memory_space<vmem>> -> memref<64x32xf32, #tpu.memory_space<vmem>>
      %dma_wait3A_948 = arith.constant 0 : i32
      %dma_wait3A_949 = arith.constant 0 : i32
      %dma_wait3A_950 = tpu.memref_slice %arg2[%dma_wait3A_948, %dma_wait3A_949] : memref<1000000x32xf32, #tpu.memory_space<hbm>> -> memref<64x32xf32, #tpu.memory_space<hbm>>
      %dma_wait3A_951 = arith.constant 0 : i32
      %dma_wait3A_952 = arith.constant 0 : i32
      %dma_wait3A_953 = tpu.memref_slice %arg6[%dma_wait3A_942, %dma_wait3A_943, %dma_wait3A_951, %dma_wait3A_952] : memref<8x2x64x32xf32, #tpu.memory_space<vmem>> -> memref<1x1x64x32xf32, #tpu.memory_space<vmem>>
      %dma_wait3A_954 = tpu.memref_squeeze %dma_wait3A_953 : memref<1x1x64x32xf32, #tpu.memory_space<vmem>> -> memref<64x32xf32, #tpu.memory_space<vmem>>
      %dma_wait3A_955 = arith.constant 0 : i32
      %dma_wait3A_956 = arith.constant 0 : i32
      %dma_wait3A_957 = tpu.memref_slice %arg2[%dma_wait3A_955, %dma_wait3A_956] : memref<1000000x32xf32, #tpu.memory_space<hbm>> -> memref<64x32xf32, #tpu.memory_space<hbm>>
      tpu.wait_dma2 semaphore(%arg10 : memref<!tpu.dma_semaphore, #tpu.memory_space<semaphore_mem>>) src(%dma_wait3A_957 : memref<64x32xf32, #tpu.memory_space<hbm>>) dst(%dma_wait3A_954 : memref<64x32xf32, #tpu.memory_space<vmem>>)
      %dma_wait3A_958 = arith.constant 3 : i32
      %dma_wait3A_959 = arith.constant 1 : i32
      %dma_wait3A_960 = arith.constant 0 : i32
      %dma_wait3A_961 = arith.constant 0 : i32
      %dma_wait3A_962 = tpu.memref_slice %arg6[%dma_wait3A_958, %dma_wait3A_959, %dma_wait3A_960, %dma_wait3A_961] : memref<8x2x64x32xf32, #tpu.memory_space<vmem>> -> memref<1x1x64x32xf32, #tpu.memory_space<vmem>>
      %dma_wait3A_963 = tpu.memref_squeeze %dma_wait3A_962 : memref<1x1x64x32xf32, #tpu.memory_space<vmem>> -> memref<64x32xf32, #tpu.memory_space<vmem>>
      %dma_wait3A_964 = arith.constant 0 : i32
      %dma_wait3A_965 = arith.constant 0 : i32
      %dma_wait3A_966 = tpu.memref_slice %arg2[%dma_wait3A_964, %dma_wait3A_965] : memref<1000000x32xf32, #tpu.memory_space<hbm>> -> memref<64x32xf32, #tpu.memory_space<hbm>>
      %dma_wait3A_967 = arith.constant 0 : i32
      %dma_wait3A_968 = arith.constant 0 : i32
      %dma_wait3A_969 = tpu.memref_slice %arg6[%dma_wait3A_958, %dma_wait3A_959, %dma_wait3A_967, %dma_wait3A_968] : memref<8x2x64x32xf32, #tpu.memory_space<vmem>> -> memref<1x1x64x32xf32, #tpu.memory_space<vmem>>
      %dma_wait3A_970 = tpu.memref_squeeze %dma_wait3A_969 : memref<1x1x64x32xf32, #tpu.memory_space<vmem>> -> memref<64x32xf32, #tpu.memory_space<vmem>>
      %dma_wait3A_971 = arith.constant 0 : i32
      %dma_wait3A_972 = arith.constant 0 : i32
      %dma_wait3A_973 = tpu.memref_slice %arg2[%dma_wait3A_971, %dma_wait3A_972] : memref<1000000x32xf32, #tpu.memory_space<hbm>> -> memref<64x32xf32, #tpu.memory_space<hbm>>
      tpu.wait_dma2 semaphore(%arg10 : memref<!tpu.dma_semaphore, #tpu.memory_space<semaphore_mem>>) src(%dma_wait3A_973 : memref<64x32xf32, #tpu.memory_space<hbm>>) dst(%dma_wait3A_970 : memref<64x32xf32, #tpu.memory_space<vmem>>)
      %add3A_974 = arith.constant 3 : i32
      %add3A_975 = arith.addi %add3A_779, %add3A_974 : i32
      %mul3A_976 = arith.constant 2 : i32
      %mul3A_977 = arith.muli %add3A_975, %mul3A_976 : i32
      %add3A_978 = arith.addi %mul3A_2, %mul3A_977 : i32
      %dma_start3A_979 = arith.constant 3 : i32
      %dma_start3A_980 = arith.constant 0 : i32
      %dma_start3A_981 = arith.constant 0 : i32
      %dma_start3A_982 = arith.constant 0 : i32
      %dma_start3A_983 = tpu.memref_slice %arg6[%dma_start3A_979, %dma_start3A_980, %dma_start3A_981, %dma_start3A_982] : memref<8x2x64x32xf32, #tpu.memory_space<vmem>> -> memref<1x2x50x32xf32, #tpu.memory_space<vmem>>
      %dma_start3A_984 = tpu.memref_squeeze %dma_start3A_983 : memref<1x2x50x32xf32, #tpu.memory_space<vmem>> -> memref<2x50x32xf32, #tpu.memory_space<vmem>>
      %dma_start3A_985 = arith.constant 0 : i32
      %dma_start3A_986 = arith.constant 0 : i32
      %dma_start3A_987 = tpu.memref_slice %arg4[%add3A_978, %dma_start3A_985, %dma_start3A_986] : memref<16384x50x32xf32, #tpu.memory_space<hbm>> -> memref<2x50x32xf32, #tpu.memory_space<hbm>>
      %dma_start3A_988 = arith.constant 0 : i32
      %dma_start3A_989 = arith.constant 0 : i32
      %dma_start3A_990 = tpu.memref_slice %arg4[%add3A_978, %dma_start3A_988, %dma_start3A_989] : memref<16384x50x32xf32, #tpu.memory_space<hbm>> -> memref<2x50x32xf32, #tpu.memory_space<hbm>>
      %dma_start3A_991 = arith.constant 0 : i32
      %dma_start3A_992 = arith.constant 0 : i32
      %dma_start3A_993 = arith.constant 0 : i32
      %dma_start3A_994 = tpu.memref_slice %arg6[%dma_start3A_979, %dma_start3A_991, %dma_start3A_992, %dma_start3A_993] : memref<8x2x64x32xf32, #tpu.memory_space<vmem>> -> memref<1x2x50x32xf32, #tpu.memory_space<vmem>>
      %dma_start3A_995 = tpu.memref_squeeze %dma_start3A_994 : memref<1x2x50x32xf32, #tpu.memory_space<vmem>> -> memref<2x50x32xf32, #tpu.memory_space<vmem>>
      tpu.enqueue_dma source(%dma_start3A_995 : memref<2x50x32xf32, #tpu.memory_space<vmem>>) target(%dma_start3A_990 : memref<2x50x32xf32, #tpu.memory_space<hbm>>) target_semaphore(%arg18 : memref<!tpu.dma_semaphore, #tpu.memory_space<semaphore_mem>>)
      %dma_wait3A_996 = arith.constant 4 : i32
      %dma_wait3A_997 = arith.constant 0 : i32
      %dma_wait3A_998 = arith.constant 0 : i32
      %dma_wait3A_999 = arith.constant 0 : i32
      %dma_wait3A_1000 = tpu.memref_slice %arg6[%dma_wait3A_996, %dma_wait3A_997, %dma_wait3A_998, %dma_wait3A_999] : memref<8x2x64x32xf32, #tpu.memory_space<vmem>> -> memref<1x1x64x32xf32, #tpu.memory_space<vmem>>
      %dma_wait3A_1001 = tpu.memref_squeeze %dma_wait3A_1000 : memref<1x1x64x32xf32, #tpu.memory_space<vmem>> -> memref<64x32xf32, #tpu.memory_space<vmem>>
      %dma_wait3A_1002 = arith.constant 0 : i32
      %dma_wait3A_1003 = arith.constant 0 : i32
      %dma_wait3A_1004 = tpu.memref_slice %arg2[%dma_wait3A_1002, %dma_wait3A_1003] : memref<1000000x32xf32, #tpu.memory_space<hbm>> -> memref<64x32xf32, #tpu.memory_space<hbm>>
      %dma_wait3A_1005 = arith.constant 0 : i32
      %dma_wait3A_1006 = arith.constant 0 : i32
      %dma_wait3A_1007 = tpu.memref_slice %arg6[%dma_wait3A_996, %dma_wait3A_997, %dma_wait3A_1005, %dma_wait3A_1006] : memref<8x2x64x32xf32, #tpu.memory_space<vmem>> -> memref<1x1x64x32xf32, #tpu.memory_space<vmem>>
      %dma_wait3A_1008 = tpu.memref_squeeze %dma_wait3A_1007 : memref<1x1x64x32xf32, #tpu.memory_space<vmem>> -> memref<64x32xf32, #tpu.memory_space<vmem>>
      %dma_wait3A_1009 = arith.constant 0 : i32
      %dma_wait3A_1010 = arith.constant 0 : i32
      %dma_wait3A_1011 = tpu.memref_slice %arg2[%dma_wait3A_1009, %dma_wait3A_1010] : memref<1000000x32xf32, #tpu.memory_space<hbm>> -> memref<64x32xf32, #tpu.memory_space<hbm>>
      tpu.wait_dma2 semaphore(%arg11 : memref<!tpu.dma_semaphore, #tpu.memory_space<semaphore_mem>>) src(%dma_wait3A_1011 : memref<64x32xf32, #tpu.memory_space<hbm>>) dst(%dma_wait3A_1008 : memref<64x32xf32, #tpu.memory_space<vmem>>)
      %dma_wait3A_1012 = arith.constant 4 : i32
      %dma_wait3A_1013 = arith.constant 1 : i32
      %dma_wait3A_1014 = arith.constant 0 : i32
      %dma_wait3A_1015 = arith.constant 0 : i32
      %dma_wait3A_1016 = tpu.memref_slice %arg6[%dma_wait3A_1012, %dma_wait3A_1013, %dma_wait3A_1014, %dma_wait3A_1015] : memref<8x2x64x32xf32, #tpu.memory_space<vmem>> -> memref<1x1x64x32xf32, #tpu.memory_space<vmem>>
      %dma_wait3A_1017 = tpu.memref_squeeze %dma_wait3A_1016 : memref<1x1x64x32xf32, #tpu.memory_space<vmem>> -> memref<64x32xf32, #tpu.memory_space<vmem>>
      %dma_wait3A_1018 = arith.constant 0 : i32
      %dma_wait3A_1019 = arith.constant 0 : i32
      %dma_wait3A_1020 = tpu.memref_slice %arg2[%dma_wait3A_1018, %dma_wait3A_1019] : memref<1000000x32xf32, #tpu.memory_space<hbm>> -> memref<64x32xf32, #tpu.memory_space<hbm>>
      %dma_wait3A_1021 = arith.constant 0 : i32
      %dma_wait3A_1022 = arith.constant 0 : i32
      %dma_wait3A_1023 = tpu.memref_slice %arg6[%dma_wait3A_1012, %dma_wait3A_1013, %dma_wait3A_1021, %dma_wait3A_1022] : memref<8x2x64x32xf32, #tpu.memory_space<vmem>> -> memref<1x1x64x32xf32, #tpu.memory_space<vmem>>
      %dma_wait3A_1024 = tpu.memref_squeeze %dma_wait3A_1023 : memref<1x1x64x32xf32, #tpu.memory_space<vmem>> -> memref<64x32xf32, #tpu.memory_space<vmem>>
      %dma_wait3A_1025 = arith.constant 0 : i32
      %dma_wait3A_1026 = arith.constant 0 : i32
      %dma_wait3A_1027 = tpu.memref_slice %arg2[%dma_wait3A_1025, %dma_wait3A_1026] : memref<1000000x32xf32, #tpu.memory_space<hbm>> -> memref<64x32xf32, #tpu.memory_space<hbm>>
      tpu.wait_dma2 semaphore(%arg11 : memref<!tpu.dma_semaphore, #tpu.memory_space<semaphore_mem>>) src(%dma_wait3A_1027 : memref<64x32xf32, #tpu.memory_space<hbm>>) dst(%dma_wait3A_1024 : memref<64x32xf32, #tpu.memory_space<vmem>>)
      %add3A_1028 = arith.constant 4 : i32
      %add3A_1029 = arith.addi %add3A_779, %add3A_1028 : i32
      %mul3A_1030 = arith.constant 2 : i32
      %mul3A_1031 = arith.muli %add3A_1029, %mul3A_1030 : i32
      %add3A_1032 = arith.addi %mul3A_2, %mul3A_1031 : i32
      %dma_start3A_1033 = arith.constant 4 : i32
      %dma_start3A_1034 = arith.constant 0 : i32
      %dma_start3A_1035 = arith.constant 0 : i32
      %dma_start3A_1036 = arith.constant 0 : i32
      %dma_start3A_1037 = tpu.memref_slice %arg6[%dma_start3A_1033, %dma_start3A_1034, %dma_start3A_1035, %dma_start3A_1036] : memref<8x2x64x32xf32, #tpu.memory_space<vmem>> -> memref<1x2x50x32xf32, #tpu.memory_space<vmem>>
      %dma_start3A_1038 = tpu.memref_squeeze %dma_start3A_1037 : memref<1x2x50x32xf32, #tpu.memory_space<vmem>> -> memref<2x50x32xf32, #tpu.memory_space<vmem>>
      %dma_start3A_1039 = arith.constant 0 : i32
      %dma_start3A_1040 = arith.constant 0 : i32
      %dma_start3A_1041 = tpu.memref_slice %arg4[%add3A_1032, %dma_start3A_1039, %dma_start3A_1040] : memref<16384x50x32xf32, #tpu.memory_space<hbm>> -> memref<2x50x32xf32, #tpu.memory_space<hbm>>
      %dma_start3A_1042 = arith.constant 0 : i32
      %dma_start3A_1043 = arith.constant 0 : i32
      %dma_start3A_1044 = tpu.memref_slice %arg4[%add3A_1032, %dma_start3A_1042, %dma_start3A_1043] : memref<16384x50x32xf32, #tpu.memory_space<hbm>> -> memref<2x50x32xf32, #tpu.memory_space<hbm>>
      %dma_start3A_1045 = arith.constant 0 : i32
      %dma_start3A_1046 = arith.constant 0 : i32
      %dma_start3A_1047 = arith.constant 0 : i32
      %dma_start3A_1048 = tpu.memref_slice %arg6[%dma_start3A_1033, %dma_start3A_1045, %dma_start3A_1046, %dma_start3A_1047] : memref<8x2x64x32xf32, #tpu.memory_space<vmem>> -> memref<1x2x50x32xf32, #tpu.memory_space<vmem>>
      %dma_start3A_1049 = tpu.memref_squeeze %dma_start3A_1048 : memref<1x2x50x32xf32, #tpu.memory_space<vmem>> -> memref<2x50x32xf32, #tpu.memory_space<vmem>>
      tpu.enqueue_dma source(%dma_start3A_1049 : memref<2x50x32xf32, #tpu.memory_space<vmem>>) target(%dma_start3A_1044 : memref<2x50x32xf32, #tpu.memory_space<hbm>>) target_semaphore(%arg19 : memref<!tpu.dma_semaphore, #tpu.memory_space<semaphore_mem>>)
      %dma_wait3A_1050 = arith.constant 5 : i32
      %dma_wait3A_1051 = arith.constant 0 : i32
      %dma_wait3A_1052 = arith.constant 0 : i32
      %dma_wait3A_1053 = arith.constant 0 : i32
      %dma_wait3A_1054 = tpu.memref_slice %arg6[%dma_wait3A_1050, %dma_wait3A_1051, %dma_wait3A_1052, %dma_wait3A_1053] : memref<8x2x64x32xf32, #tpu.memory_space<vmem>> -> memref<1x1x64x32xf32, #tpu.memory_space<vmem>>
      %dma_wait3A_1055 = tpu.memref_squeeze %dma_wait3A_1054 : memref<1x1x64x32xf32, #tpu.memory_space<vmem>> -> memref<64x32xf32, #tpu.memory_space<vmem>>
      %dma_wait3A_1056 = arith.constant 0 : i32
      %dma_wait3A_1057 = arith.constant 0 : i32
      %dma_wait3A_1058 = tpu.memref_slice %arg2[%dma_wait3A_1056, %dma_wait3A_1057] : memref<1000000x32xf32, #tpu.memory_space<hbm>> -> memref<64x32xf32, #tpu.memory_space<hbm>>
      %dma_wait3A_1059 = arith.constant 0 : i32
      %dma_wait3A_1060 = arith.constant 0 : i32
      %dma_wait3A_1061 = tpu.memref_slice %arg6[%dma_wait3A_1050, %dma_wait3A_1051, %dma_wait3A_1059, %dma_wait3A_1060] : memref<8x2x64x32xf32, #tpu.memory_space<vmem>> -> memref<1x1x64x32xf32, #tpu.memory_space<vmem>>
      %dma_wait3A_1062 = tpu.memref_squeeze %dma_wait3A_1061 : memref<1x1x64x32xf32, #tpu.memory_space<vmem>> -> memref<64x32xf32, #tpu.memory_space<vmem>>
      %dma_wait3A_1063 = arith.constant 0 : i32
      %dma_wait3A_1064 = arith.constant 0 : i32
      %dma_wait3A_1065 = tpu.memref_slice %arg2[%dma_wait3A_1063, %dma_wait3A_1064] : memref<1000000x32xf32, #tpu.memory_space<hbm>> -> memref<64x32xf32, #tpu.memory_space<hbm>>
      tpu.wait_dma2 semaphore(%arg12 : memref<!tpu.dma_semaphore, #tpu.memory_space<semaphore_mem>>) src(%dma_wait3A_1065 : memref<64x32xf32, #tpu.memory_space<hbm>>) dst(%dma_wait3A_1062 : memref<64x32xf32, #tpu.memory_space<vmem>>)
      %dma_wait3A_1066 = arith.constant 5 : i32
      %dma_wait3A_1067 = arith.constant 1 : i32
      %dma_wait3A_1068 = arith.constant 0 : i32
      %dma_wait3A_1069 = arith.constant 0 : i32
      %dma_wait3A_1070 = tpu.memref_slice %arg6[%dma_wait3A_1066, %dma_wait3A_1067, %dma_wait3A_1068, %dma_wait3A_1069] : memref<8x2x64x32xf32, #tpu.memory_space<vmem>> -> memref<1x1x64x32xf32, #tpu.memory_space<vmem>>
      %dma_wait3A_1071 = tpu.memref_squeeze %dma_wait3A_1070 : memref<1x1x64x32xf32, #tpu.memory_space<vmem>> -> memref<64x32xf32, #tpu.memory_space<vmem>>
      %dma_wait3A_1072 = arith.constant 0 : i32
      %dma_wait3A_1073 = arith.constant 0 : i32
      %dma_wait3A_1074 = tpu.memref_slice %arg2[%dma_wait3A_1072, %dma_wait3A_1073] : memref<1000000x32xf32, #tpu.memory_space<hbm>> -> memref<64x32xf32, #tpu.memory_space<hbm>>
      %dma_wait3A_1075 = arith.constant 0 : i32
      %dma_wait3A_1076 = arith.constant 0 : i32
      %dma_wait3A_1077 = tpu.memref_slice %arg6[%dma_wait3A_1066, %dma_wait3A_1067, %dma_wait3A_1075, %dma_wait3A_1076] : memref<8x2x64x32xf32, #tpu.memory_space<vmem>> -> memref<1x1x64x32xf32, #tpu.memory_space<vmem>>
      %dma_wait3A_1078 = tpu.memref_squeeze %dma_wait3A_1077 : memref<1x1x64x32xf32, #tpu.memory_space<vmem>> -> memref<64x32xf32, #tpu.memory_space<vmem>>
      %dma_wait3A_1079 = arith.constant 0 : i32
      %dma_wait3A_1080 = arith.constant 0 : i32
      %dma_wait3A_1081 = tpu.memref_slice %arg2[%dma_wait3A_1079, %dma_wait3A_1080] : memref<1000000x32xf32, #tpu.memory_space<hbm>> -> memref<64x32xf32, #tpu.memory_space<hbm>>
      tpu.wait_dma2 semaphore(%arg12 : memref<!tpu.dma_semaphore, #tpu.memory_space<semaphore_mem>>) src(%dma_wait3A_1081 : memref<64x32xf32, #tpu.memory_space<hbm>>) dst(%dma_wait3A_1078 : memref<64x32xf32, #tpu.memory_space<vmem>>)
      %add3A_1082 = arith.constant 5 : i32
      %add3A_1083 = arith.addi %add3A_779, %add3A_1082 : i32
      %mul3A_1084 = arith.constant 2 : i32
      %mul3A_1085 = arith.muli %add3A_1083, %mul3A_1084 : i32
      %add3A_1086 = arith.addi %mul3A_2, %mul3A_1085 : i32
      %dma_start3A_1087 = arith.constant 5 : i32
      %dma_start3A_1088 = arith.constant 0 : i32
      %dma_start3A_1089 = arith.constant 0 : i32
      %dma_start3A_1090 = arith.constant 0 : i32
      %dma_start3A_1091 = tpu.memref_slice %arg6[%dma_start3A_1087, %dma_start3A_1088, %dma_start3A_1089, %dma_start3A_1090] : memref<8x2x64x32xf32, #tpu.memory_space<vmem>> -> memref<1x2x50x32xf32, #tpu.memory_space<vmem>>
      %dma_start3A_1092 = tpu.memref_squeeze %dma_start3A_1091 : memref<1x2x50x32xf32, #tpu.memory_space<vmem>> -> memref<2x50x32xf32, #tpu.memory_space<vmem>>
      %dma_start3A_1093 = arith.constant 0 : i32
      %dma_start3A_1094 = arith.constant 0 : i32
      %dma_start3A_1095 = tpu.memref_slice %arg4[%add3A_1086, %dma_start3A_1093, %dma_start3A_1094] : memref<16384x50x32xf32, #tpu.memory_space<hbm>> -> memref<2x50x32xf32, #tpu.memory_space<hbm>>
      %dma_start3A_1096 = arith.constant 0 : i32
      %dma_start3A_1097 = arith.constant 0 : i32
      %dma_start3A_1098 = tpu.memref_slice %arg4[%add3A_1086, %dma_start3A_1096, %dma_start3A_1097] : memref<16384x50x32xf32, #tpu.memory_space<hbm>> -> memref<2x50x32xf32, #tpu.memory_space<hbm>>
      %dma_start3A_1099 = arith.constant 0 : i32
      %dma_start3A_1100 = arith.constant 0 : i32
      %dma_start3A_1101 = arith.constant 0 : i32
      %dma_start3A_1102 = tpu.memref_slice %arg6[%dma_start3A_1087, %dma_start3A_1099, %dma_start3A_1100, %dma_start3A_1101] : memref<8x2x64x32xf32, #tpu.memory_space<vmem>> -> memref<1x2x50x32xf32, #tpu.memory_space<vmem>>
      %dma_start3A_1103 = tpu.memref_squeeze %dma_start3A_1102 : memref<1x2x50x32xf32, #tpu.memory_space<vmem>> -> memref<2x50x32xf32, #tpu.memory_space<vmem>>
      tpu.enqueue_dma source(%dma_start3A_1103 : memref<2x50x32xf32, #tpu.memory_space<vmem>>) target(%dma_start3A_1098 : memref<2x50x32xf32, #tpu.memory_space<hbm>>) target_semaphore(%arg20 : memref<!tpu.dma_semaphore, #tpu.memory_space<semaphore_mem>>)
      %dma_wait3A_1104 = arith.constant 6 : i32
      %dma_wait3A_1105 = arith.constant 0 : i32
      %dma_wait3A_1106 = arith.constant 0 : i32
      %dma_wait3A_1107 = arith.constant 0 : i32
      %dma_wait3A_1108 = tpu.memref_slice %arg6[%dma_wait3A_1104, %dma_wait3A_1105, %dma_wait3A_1106, %dma_wait3A_1107] : memref<8x2x64x32xf32, #tpu.memory_space<vmem>> -> memref<1x1x64x32xf32, #tpu.memory_space<vmem>>
      %dma_wait3A_1109 = tpu.memref_squeeze %dma_wait3A_1108 : memref<1x1x64x32xf32, #tpu.memory_space<vmem>> -> memref<64x32xf32, #tpu.memory_space<vmem>>
      %dma_wait3A_1110 = arith.constant 0 : i32
      %dma_wait3A_1111 = arith.constant 0 : i32
      %dma_wait3A_1112 = tpu.memref_slice %arg2[%dma_wait3A_1110, %dma_wait3A_1111] : memref<1000000x32xf32, #tpu.memory_space<hbm>> -> memref<64x32xf32, #tpu.memory_space<hbm>>
      %dma_wait3A_1113 = arith.constant 0 : i32
      %dma_wait3A_1114 = arith.constant 0 : i32
      %dma_wait3A_1115 = tpu.memref_slice %arg6[%dma_wait3A_1104, %dma_wait3A_1105, %dma_wait3A_1113, %dma_wait3A_1114] : memref<8x2x64x32xf32, #tpu.memory_space<vmem>> -> memref<1x1x64x32xf32, #tpu.memory_space<vmem>>
      %dma_wait3A_1116 = tpu.memref_squeeze %dma_wait3A_1115 : memref<1x1x64x32xf32, #tpu.memory_space<vmem>> -> memref<64x32xf32, #tpu.memory_space<vmem>>
      %dma_wait3A_1117 = arith.constant 0 : i32
      %dma_wait3A_1118 = arith.constant 0 : i32
      %dma_wait3A_1119 = tpu.memref_slice %arg2[%dma_wait3A_1117, %dma_wait3A_1118] : memref<1000000x32xf32, #tpu.memory_space<hbm>> -> memref<64x32xf32, #tpu.memory_space<hbm>>
      tpu.wait_dma2 semaphore(%arg13 : memref<!tpu.dma_semaphore, #tpu.memory_space<semaphore_mem>>) src(%dma_wait3A_1119 : memref<64x32xf32, #tpu.memory_space<hbm>>) dst(%dma_wait3A_1116 : memref<64x32xf32, #tpu.memory_space<vmem>>)
      %dma_wait3A_1120 = arith.constant 6 : i32
      %dma_wait3A_1121 = arith.constant 1 : i32
      %dma_wait3A_1122 = arith.constant 0 : i32
      %dma_wait3A_1123 = arith.constant 0 : i32
      %dma_wait3A_1124 = tpu.memref_slice %arg6[%dma_wait3A_1120, %dma_wait3A_1121, %dma_wait3A_1122, %dma_wait3A_1123] : memref<8x2x64x32xf32, #tpu.memory_space<vmem>> -> memref<1x1x64x32xf32, #tpu.memory_space<vmem>>
      %dma_wait3A_1125 = tpu.memref_squeeze %dma_wait3A_1124 : memref<1x1x64x32xf32, #tpu.memory_space<vmem>> -> memref<64x32xf32, #tpu.memory_space<vmem>>
      %dma_wait3A_1126 = arith.constant 0 : i32
      %dma_wait3A_1127 = arith.constant 0 : i32
      %dma_wait3A_1128 = tpu.memref_slice %arg2[%dma_wait3A_1126, %dma_wait3A_1127] : memref<1000000x32xf32, #tpu.memory_space<hbm>> -> memref<64x32xf32, #tpu.memory_space<hbm>>
      %dma_wait3A_1129 = arith.constant 0 : i32
      %dma_wait3A_1130 = arith.constant 0 : i32
      %dma_wait3A_1131 = tpu.memref_slice %arg6[%dma_wait3A_1120, %dma_wait3A_1121, %dma_wait3A_1129, %dma_wait3A_1130] : memref<8x2x64x32xf32, #tpu.memory_space<vmem>> -> memref<1x1x64x32xf32, #tpu.memory_space<vmem>>
      %dma_wait3A_1132 = tpu.memref_squeeze %dma_wait3A_1131 : memref<1x1x64x32xf32, #tpu.memory_space<vmem>> -> memref<64x32xf32, #tpu.memory_space<vmem>>
      %dma_wait3A_1133 = arith.constant 0 : i32
      %dma_wait3A_1134 = arith.constant 0 : i32
      %dma_wait3A_1135 = tpu.memref_slice %arg2[%dma_wait3A_1133, %dma_wait3A_1134] : memref<1000000x32xf32, #tpu.memory_space<hbm>> -> memref<64x32xf32, #tpu.memory_space<hbm>>
      tpu.wait_dma2 semaphore(%arg13 : memref<!tpu.dma_semaphore, #tpu.memory_space<semaphore_mem>>) src(%dma_wait3A_1135 : memref<64x32xf32, #tpu.memory_space<hbm>>) dst(%dma_wait3A_1132 : memref<64x32xf32, #tpu.memory_space<vmem>>)
      %add3A_1136 = arith.constant 6 : i32
      %add3A_1137 = arith.addi %add3A_779, %add3A_1136 : i32
      %mul3A_1138 = arith.constant 2 : i32
      %mul3A_1139 = arith.muli %add3A_1137, %mul3A_1138 : i32
      %add3A_1140 = arith.addi %mul3A_2, %mul3A_1139 : i32
      %dma_start3A_1141 = arith.constant 6 : i32
      %dma_start3A_1142 = arith.constant 0 : i32
      %dma_start3A_1143 = arith.constant 0 : i32
      %dma_start3A_1144 = arith.constant 0 : i32
      %dma_start3A_1145 = tpu.memref_slice %arg6[%dma_start3A_1141, %dma_start3A_1142, %dma_start3A_1143, %dma_start3A_1144] : memref<8x2x64x32xf32, #tpu.memory_space<vmem>> -> memref<1x2x50x32xf32, #tpu.memory_space<vmem>>
      %dma_start3A_1146 = tpu.memref_squeeze %dma_start3A_1145 : memref<1x2x50x32xf32, #tpu.memory_space<vmem>> -> memref<2x50x32xf32, #tpu.memory_space<vmem>>
      %dma_start3A_1147 = arith.constant 0 : i32
      %dma_start3A_1148 = arith.constant 0 : i32
      %dma_start3A_1149 = tpu.memref_slice %arg4[%add3A_1140, %dma_start3A_1147, %dma_start3A_1148] : memref<16384x50x32xf32, #tpu.memory_space<hbm>> -> memref<2x50x32xf32, #tpu.memory_space<hbm>>
      %dma_start3A_1150 = arith.constant 0 : i32
      %dma_start3A_1151 = arith.constant 0 : i32
      %dma_start3A_1152 = tpu.memref_slice %arg4[%add3A_1140, %dma_start3A_1150, %dma_start3A_1151] : memref<16384x50x32xf32, #tpu.memory_space<hbm>> -> memref<2x50x32xf32, #tpu.memory_space<hbm>>
      %dma_start3A_1153 = arith.constant 0 : i32
      %dma_start3A_1154 = arith.constant 0 : i32
      %dma_start3A_1155 = arith.constant 0 : i32
      %dma_start3A_1156 = tpu.memref_slice %arg6[%dma_start3A_1141, %dma_start3A_1153, %dma_start3A_1154, %dma_start3A_1155] : memref<8x2x64x32xf32, #tpu.memory_space<vmem>> -> memref<1x2x50x32xf32, #tpu.memory_space<vmem>>
      %dma_start3A_1157 = tpu.memref_squeeze %dma_start3A_1156 : memref<1x2x50x32xf32, #tpu.memory_space<vmem>> -> memref<2x50x32xf32, #tpu.memory_space<vmem>>
      tpu.enqueue_dma source(%dma_start3A_1157 : memref<2x50x32xf32, #tpu.memory_space<vmem>>) target(%dma_start3A_1152 : memref<2x50x32xf32, #tpu.memory_space<hbm>>) target_semaphore(%arg21 : memref<!tpu.dma_semaphore, #tpu.memory_space<semaphore_mem>>)
      %dma_wait3A_1158 = arith.constant 7 : i32
      %dma_wait3A_1159 = arith.constant 0 : i32
      %dma_wait3A_1160 = arith.constant 0 : i32
      %dma_wait3A_1161 = arith.constant 0 : i32
      %dma_wait3A_1162 = tpu.memref_slice %arg6[%dma_wait3A_1158, %dma_wait3A_1159, %dma_wait3A_1160, %dma_wait3A_1161] : memref<8x2x64x32xf32, #tpu.memory_space<vmem>> -> memref<1x1x64x32xf32, #tpu.memory_space<vmem>>
      %dma_wait3A_1163 = tpu.memref_squeeze %dma_wait3A_1162 : memref<1x1x64x32xf32, #tpu.memory_space<vmem>> -> memref<64x32xf32, #tpu.memory_space<vmem>>
      %dma_wait3A_1164 = arith.constant 0 : i32
      %dma_wait3A_1165 = arith.constant 0 : i32
      %dma_wait3A_1166 = tpu.memref_slice %arg2[%dma_wait3A_1164, %dma_wait3A_1165] : memref<1000000x32xf32, #tpu.memory_space<hbm>> -> memref<64x32xf32, #tpu.memory_space<hbm>>
      %dma_wait3A_1167 = arith.constant 0 : i32
      %dma_wait3A_1168 = arith.constant 0 : i32
      %dma_wait3A_1169 = tpu.memref_slice %arg6[%dma_wait3A_1158, %dma_wait3A_1159, %dma_wait3A_1167, %dma_wait3A_1168] : memref<8x2x64x32xf32, #tpu.memory_space<vmem>> -> memref<1x1x64x32xf32, #tpu.memory_space<vmem>>
      %dma_wait3A_1170 = tpu.memref_squeeze %dma_wait3A_1169 : memref<1x1x64x32xf32, #tpu.memory_space<vmem>> -> memref<64x32xf32, #tpu.memory_space<vmem>>
      %dma_wait3A_1171 = arith.constant 0 : i32
      %dma_wait3A_1172 = arith.constant 0 : i32
      %dma_wait3A_1173 = tpu.memref_slice %arg2[%dma_wait3A_1171, %dma_wait3A_1172] : memref<1000000x32xf32, #tpu.memory_space<hbm>> -> memref<64x32xf32, #tpu.memory_space<hbm>>
      tpu.wait_dma2 semaphore(%arg14 : memref<!tpu.dma_semaphore, #tpu.memory_space<semaphore_mem>>) src(%dma_wait3A_1173 : memref<64x32xf32, #tpu.memory_space<hbm>>) dst(%dma_wait3A_1170 : memref<64x32xf32, #tpu.memory_space<vmem>>)
      %dma_wait3A_1174 = arith.constant 7 : i32
      %dma_wait3A_1175 = arith.constant 1 : i32
      %dma_wait3A_1176 = arith.constant 0 : i32
      %dma_wait3A_1177 = arith.constant 0 : i32
      %dma_wait3A_1178 = tpu.memref_slice %arg6[%dma_wait3A_1174, %dma_wait3A_1175, %dma_wait3A_1176, %dma_wait3A_1177] : memref<8x2x64x32xf32, #tpu.memory_space<vmem>> -> memref<1x1x64x32xf32, #tpu.memory_space<vmem>>
      %dma_wait3A_1179 = tpu.memref_squeeze %dma_wait3A_1178 : memref<1x1x64x32xf32, #tpu.memory_space<vmem>> -> memref<64x32xf32, #tpu.memory_space<vmem>>
      %dma_wait3A_1180 = arith.constant 0 : i32
      %dma_wait3A_1181 = arith.constant 0 : i32
      %dma_wait3A_1182 = tpu.memref_slice %arg2[%dma_wait3A_1180, %dma_wait3A_1181] : memref<1000000x32xf32, #tpu.memory_space<hbm>> -> memref<64x32xf32, #tpu.memory_space<hbm>>
      %dma_wait3A_1183 = arith.constant 0 : i32
      %dma_wait3A_1184 = arith.constant 0 : i32
      %dma_wait3A_1185 = tpu.memref_slice %arg6[%dma_wait3A_1174, %dma_wait3A_1175, %dma_wait3A_1183, %dma_wait3A_1184] : memref<8x2x64x32xf32, #tpu.memory_space<vmem>> -> memref<1x1x64x32xf32, #tpu.memory_space<vmem>>
      %dma_wait3A_1186 = tpu.memref_squeeze %dma_wait3A_1185 : memref<1x1x64x32xf32, #tpu.memory_space<vmem>> -> memref<64x32xf32, #tpu.memory_space<vmem>>
      %dma_wait3A_1187 = arith.constant 0 : i32
      %dma_wait3A_1188 = arith.constant 0 : i32
      %dma_wait3A_1189 = tpu.memref_slice %arg2[%dma_wait3A_1187, %dma_wait3A_1188] : memref<1000000x32xf32, #tpu.memory_space<hbm>> -> memref<64x32xf32, #tpu.memory_space<hbm>>
      tpu.wait_dma2 semaphore(%arg14 : memref<!tpu.dma_semaphore, #tpu.memory_space<semaphore_mem>>) src(%dma_wait3A_1189 : memref<64x32xf32, #tpu.memory_space<hbm>>) dst(%dma_wait3A_1186 : memref<64x32xf32, #tpu.memory_space<vmem>>)
      %add3A_1190 = arith.constant 7 : i32
      %add3A_1191 = arith.addi %add3A_779, %add3A_1190 : i32
      %mul3A_1192 = arith.constant 2 : i32
      %mul3A_1193 = arith.muli %add3A_1191, %mul3A_1192 : i32
      %add3A_1194 = arith.addi %mul3A_2, %mul3A_1193 : i32
      %dma_start3A_1195 = arith.constant 7 : i32
      %dma_start3A_1196 = arith.constant 0 : i32
      %dma_start3A_1197 = arith.constant 0 : i32
      %dma_start3A_1198 = arith.constant 0 : i32
      %dma_start3A_1199 = tpu.memref_slice %arg6[%dma_start3A_1195, %dma_start3A_1196, %dma_start3A_1197, %dma_start3A_1198] : memref<8x2x64x32xf32, #tpu.memory_space<vmem>> -> memref<1x2x50x32xf32, #tpu.memory_space<vmem>>
      %dma_start3A_1200 = tpu.memref_squeeze %dma_start3A_1199 : memref<1x2x50x32xf32, #tpu.memory_space<vmem>> -> memref<2x50x32xf32, #tpu.memory_space<vmem>>
      %dma_start3A_1201 = arith.constant 0 : i32
      %dma_start3A_1202 = arith.constant 0 : i32
      %dma_start3A_1203 = tpu.memref_slice %arg4[%add3A_1194, %dma_start3A_1201, %dma_start3A_1202] : memref<16384x50x32xf32, #tpu.memory_space<hbm>> -> memref<2x50x32xf32, #tpu.memory_space<hbm>>
      %dma_start3A_1204 = arith.constant 0 : i32
      %dma_start3A_1205 = arith.constant 0 : i32
      %dma_start3A_1206 = tpu.memref_slice %arg4[%add3A_1194, %dma_start3A_1204, %dma_start3A_1205] : memref<16384x50x32xf32, #tpu.memory_space<hbm>> -> memref<2x50x32xf32, #tpu.memory_space<hbm>>
      %dma_start3A_1207 = arith.constant 0 : i32
      %dma_start3A_1208 = arith.constant 0 : i32
      %dma_start3A_1209 = arith.constant 0 : i32
      %dma_start3A_1210 = tpu.memref_slice %arg6[%dma_start3A_1195, %dma_start3A_1207, %dma_start3A_1208, %dma_start3A_1209] : memref<8x2x64x32xf32, #tpu.memory_space<vmem>> -> memref<1x2x50x32xf32, #tpu.memory_space<vmem>>
      %dma_start3A_1211 = tpu.memref_squeeze %dma_start3A_1210 : memref<1x2x50x32xf32, #tpu.memory_space<vmem>> -> memref<2x50x32xf32, #tpu.memory_space<vmem>>
      tpu.enqueue_dma source(%dma_start3A_1211 : memref<2x50x32xf32, #tpu.memory_space<vmem>>) target(%dma_start3A_1206 : memref<2x50x32xf32, #tpu.memory_space<hbm>>) target_semaphore(%arg22 : memref<!tpu.dma_semaphore, #tpu.memory_space<semaphore_mem>>)
      %dma_wait3A_1212 = arith.constant 0 : i32
      %dma_wait3A_1213 = arith.constant 0 : i32
      %dma_wait3A_1214 = arith.constant 0 : i32
      %dma_wait3A_1215 = arith.constant 0 : i32
      %dma_wait3A_1216 = tpu.memref_slice %arg6[%dma_wait3A_1212, %dma_wait3A_1213, %dma_wait3A_1214, %dma_wait3A_1215] : memref<8x2x64x32xf32, #tpu.memory_space<vmem>> -> memref<1x2x50x32xf32, #tpu.memory_space<vmem>>
      %dma_wait3A_1217 = tpu.memref_squeeze %dma_wait3A_1216 : memref<1x2x50x32xf32, #tpu.memory_space<vmem>> -> memref<2x50x32xf32, #tpu.memory_space<vmem>>
      %dma_wait3A_1218 = arith.constant 0 : i32
      %dma_wait3A_1219 = arith.constant 0 : i32
      %dma_wait3A_1220 = arith.constant 0 : i32
      %dma_wait3A_1221 = tpu.memref_slice %arg4[%dma_wait3A_1218, %dma_wait3A_1219, %dma_wait3A_1220] : memref<16384x50x32xf32, #tpu.memory_space<hbm>> -> memref<2x50x32xf32, #tpu.memory_space<hbm>>
      %dma_wait3A_1222 = arith.constant 0 : i32
      %dma_wait3A_1223 = arith.constant 0 : i32
      %dma_wait3A_1224 = arith.constant 0 : i32
      %dma_wait3A_1225 = tpu.memref_slice %arg4[%dma_wait3A_1222, %dma_wait3A_1223, %dma_wait3A_1224] : memref<16384x50x32xf32, #tpu.memory_space<hbm>> -> memref<2x50x32xf32, #tpu.memory_space<hbm>>
      %dma_wait3A_1226 = arith.constant 0 : i32
      %dma_wait3A_1227 = arith.constant 0 : i32
      %dma_wait3A_1228 = arith.constant 0 : i32
      %dma_wait3A_1229 = tpu.memref_slice %arg6[%dma_wait3A_1212, %dma_wait3A_1226, %dma_wait3A_1227, %dma_wait3A_1228] : memref<8x2x64x32xf32, #tpu.memory_space<vmem>> -> memref<1x2x50x32xf32, #tpu.memory_space<vmem>>
      %dma_wait3A_1230 = tpu.memref_squeeze %dma_wait3A_1229 : memref<1x2x50x32xf32, #tpu.memory_space<vmem>> -> memref<2x50x32xf32, #tpu.memory_space<vmem>>
      tpu.wait_dma2 semaphore(%arg15 : memref<!tpu.dma_semaphore, #tpu.memory_space<semaphore_mem>>) src(%dma_wait3A_1230 : memref<2x50x32xf32, #tpu.memory_space<vmem>>) dst(%dma_wait3A_1225 : memref<2x50x32xf32, #tpu.memory_space<hbm>>)
      %add3A_1231 = arith.constant 0 : i32
      %add3A_1232 = arith.addi %add3A_779, %add3A_1231 : i32
      %add3A_1233 = arith.constant 8 : i32
      %add3A_1234 = arith.addi %add3A_1232, %add3A_1233 : i32
      %dma_start3A_1235 = arith.constant 0 : i32
      %dma_start3A_1236 = arith.constant 0 : i32
      %dma_start3A_1237 = arith.constant 0 : i32
      %dma_start3A_1238 = arith.constant 0 : i32
      %dma_start3A_1239 = tpu.memref_slice %arg6[%dma_start3A_1235, %dma_start3A_1236, %dma_start3A_1237, %dma_start3A_1238] : memref<8x2x64x32xf32, #tpu.memory_space<vmem>> -> memref<1x1x64x32xf32, #tpu.memory_space<vmem>>
      %dma_start3A_1240 = tpu.memref_squeeze %dma_start3A_1239 : memref<1x1x64x32xf32, #tpu.memory_space<vmem>> -> memref<64x32xf32, #tpu.memory_space<vmem>>
      %dma_start3A_1241 = arith.constant 0 : i32
      %dma_start3A_1242 = tpu.memref_slice %arg5[%add3A_1234, %dma_start3A_1241] : memref<256x128xi32, #tpu.memory_space<vmem>> -> memref<1x64xi32, #tpu.memory_space<vmem>>
      %dma_start3A_1243 = tpu.memref_squeeze %dma_start3A_1242 : memref<1x64xi32, #tpu.memory_space<vmem>> -> memref<64xi32, #tpu.memory_space<vmem>>
      %dma_start3A_1244 = arith.constant 0 : i32
      %dma_start3A_1245 = arith.constant 0 : i32
      %dma_start3A_1246 = tpu.memref_slice %arg2[%dma_start3A_1244, %dma_start3A_1245] : memref<1000000x32xf32, #tpu.memory_space<hbm>> -> memref<1000000x32xf32, #tpu.memory_space<hbm>>
      tpu.enqueue_indirect_dma source(%dma_start3A_1246 : memref<1000000x32xf32, #tpu.memory_space<hbm>>) target(%dma_start3A_1240 : memref<64x32xf32, #tpu.memory_space<vmem>>) offsets(%dma_start3A_1243 : memref<64xi32, #tpu.memory_space<vmem>>) semaphore(%arg7 : memref<!tpu.dma_semaphore, #tpu.memory_space<semaphore_mem>>)
      %dma_start3A_1247 = arith.constant 0 : i32
      %dma_start3A_1248 = arith.constant 1 : i32
      %dma_start3A_1249 = arith.constant 0 : i32
      %dma_start3A_1250 = arith.constant 0 : i32
      %dma_start3A_1251 = tpu.memref_slice %arg6[%dma_start3A_1247, %dma_start3A_1248, %dma_start3A_1249, %dma_start3A_1250] : memref<8x2x64x32xf32, #tpu.memory_space<vmem>> -> memref<1x1x64x32xf32, #tpu.memory_space<vmem>>
      %dma_start3A_1252 = tpu.memref_squeeze %dma_start3A_1251 : memref<1x1x64x32xf32, #tpu.memory_space<vmem>> -> memref<64x32xf32, #tpu.memory_space<vmem>>
      %dma_start3A_1253 = arith.constant 64 : i32
      %dma_start3A_1254 = tpu.memref_slice %arg5[%add3A_1234, %dma_start3A_1253] : memref<256x128xi32, #tpu.memory_space<vmem>> -> memref<1x64xi32, #tpu.memory_space<vmem>>
      %dma_start3A_1255 = tpu.memref_squeeze %dma_start3A_1254 : memref<1x64xi32, #tpu.memory_space<vmem>> -> memref<64xi32, #tpu.memory_space<vmem>>
      %dma_start3A_1256 = arith.constant 0 : i32
      %dma_start3A_1257 = arith.constant 0 : i32
      %dma_start3A_1258 = tpu.memref_slice %arg2[%dma_start3A_1256, %dma_start3A_1257] : memref<1000000x32xf32, #tpu.memory_space<hbm>> -> memref<1000000x32xf32, #tpu.memory_space<hbm>>
      tpu.enqueue_indirect_dma source(%dma_start3A_1258 : memref<1000000x32xf32, #tpu.memory_space<hbm>>) target(%dma_start3A_1252 : memref<64x32xf32, #tpu.memory_space<vmem>>) offsets(%dma_start3A_1255 : memref<64xi32, #tpu.memory_space<vmem>>) semaphore(%arg7 : memref<!tpu.dma_semaphore, #tpu.memory_space<semaphore_mem>>)
      %dma_wait3A_1259 = arith.constant 1 : i32
      %dma_wait3A_1260 = arith.constant 0 : i32
      %dma_wait3A_1261 = arith.constant 0 : i32
      %dma_wait3A_1262 = arith.constant 0 : i32
      %dma_wait3A_1263 = tpu.memref_slice %arg6[%dma_wait3A_1259, %dma_wait3A_1260, %dma_wait3A_1261, %dma_wait3A_1262] : memref<8x2x64x32xf32, #tpu.memory_space<vmem>> -> memref<1x2x50x32xf32, #tpu.memory_space<vmem>>
      %dma_wait3A_1264 = tpu.memref_squeeze %dma_wait3A_1263 : memref<1x2x50x32xf32, #tpu.memory_space<vmem>> -> memref<2x50x32xf32, #tpu.memory_space<vmem>>
      %dma_wait3A_1265 = arith.constant 0 : i32
      %dma_wait3A_1266 = arith.constant 0 : i32
      %dma_wait3A_1267 = arith.constant 0 : i32
      %dma_wait3A_1268 = tpu.memref_slice %arg4[%dma_wait3A_1265, %dma_wait3A_1266, %dma_wait3A_1267] : memref<16384x50x32xf32, #tpu.memory_space<hbm>> -> memref<2x50x32xf32, #tpu.memory_space<hbm>>
      %dma_wait3A_1269 = arith.constant 0 : i32
      %dma_wait3A_1270 = arith.constant 0 : i32
      %dma_wait3A_1271 = arith.constant 0 : i32
      %dma_wait3A_1272 = tpu.memref_slice %arg4[%dma_wait3A_1269, %dma_wait3A_1270, %dma_wait3A_1271] : memref<16384x50x32xf32, #tpu.memory_space<hbm>> -> memref<2x50x32xf32, #tpu.memory_space<hbm>>
      %dma_wait3A_1273 = arith.constant 0 : i32
      %dma_wait3A_1274 = arith.constant 0 : i32
      %dma_wait3A_1275 = arith.constant 0 : i32
      %dma_wait3A_1276 = tpu.memref_slice %arg6[%dma_wait3A_1259, %dma_wait3A_1273, %dma_wait3A_1274, %dma_wait3A_1275] : memref<8x2x64x32xf32, #tpu.memory_space<vmem>> -> memref<1x2x50x32xf32, #tpu.memory_space<vmem>>
      %dma_wait3A_1277 = tpu.memref_squeeze %dma_wait3A_1276 : memref<1x2x50x32xf32, #tpu.memory_space<vmem>> -> memref<2x50x32xf32, #tpu.memory_space<vmem>>
      tpu.wait_dma2 semaphore(%arg16 : memref<!tpu.dma_semaphore, #tpu.memory_space<semaphore_mem>>) src(%dma_wait3A_1277 : memref<2x50x32xf32, #tpu.memory_space<vmem>>) dst(%dma_wait3A_1272 : memref<2x50x32xf32, #tpu.memory_space<hbm>>)
      %add3A_1278 = arith.constant 1 : i32
      %add3A_1279 = arith.addi %add3A_779, %add3A_1278 : i32
      %add3A_1280 = arith.constant 8 : i32
      %add3A_1281 = arith.addi %add3A_1279, %add3A_1280 : i32
      %dma_start3A_1282 = arith.constant 1 : i32
      %dma_start3A_1283 = arith.constant 0 : i32
      %dma_start3A_1284 = arith.constant 0 : i32
      %dma_start3A_1285 = arith.constant 0 : i32
      %dma_start3A_1286 = tpu.memref_slice %arg6[%dma_start3A_1282, %dma_start3A_1283, %dma_start3A_1284, %dma_start3A_1285] : memref<8x2x64x32xf32, #tpu.memory_space<vmem>> -> memref<1x1x64x32xf32, #tpu.memory_space<vmem>>
      %dma_start3A_1287 = tpu.memref_squeeze %dma_start3A_1286 : memref<1x1x64x32xf32, #tpu.memory_space<vmem>> -> memref<64x32xf32, #tpu.memory_space<vmem>>
      %dma_start3A_1288 = arith.constant 0 : i32
      %dma_start3A_1289 = tpu.memref_slice %arg5[%add3A_1281, %dma_start3A_1288] : memref<256x128xi32, #tpu.memory_space<vmem>> -> memref<1x64xi32, #tpu.memory_space<vmem>>
      %dma_start3A_1290 = tpu.memref_squeeze %dma_start3A_1289 : memref<1x64xi32, #tpu.memory_space<vmem>> -> memref<64xi32, #tpu.memory_space<vmem>>
      %dma_start3A_1291 = arith.constant 0 : i32
      %dma_start3A_1292 = arith.constant 0 : i32
      %dma_start3A_1293 = tpu.memref_slice %arg2[%dma_start3A_1291, %dma_start3A_1292] : memref<1000000x32xf32, #tpu.memory_space<hbm>> -> memref<1000000x32xf32, #tpu.memory_space<hbm>>
      tpu.enqueue_indirect_dma source(%dma_start3A_1293 : memref<1000000x32xf32, #tpu.memory_space<hbm>>) target(%dma_start3A_1287 : memref<64x32xf32, #tpu.memory_space<vmem>>) offsets(%dma_start3A_1290 : memref<64xi32, #tpu.memory_space<vmem>>) semaphore(%arg8 : memref<!tpu.dma_semaphore, #tpu.memory_space<semaphore_mem>>)
      %dma_start3A_1294 = arith.constant 1 : i32
      %dma_start3A_1295 = arith.constant 1 : i32
      %dma_start3A_1296 = arith.constant 0 : i32
      %dma_start3A_1297 = arith.constant 0 : i32
      %dma_start3A_1298 = tpu.memref_slice %arg6[%dma_start3A_1294, %dma_start3A_1295, %dma_start3A_1296, %dma_start3A_1297] : memref<8x2x64x32xf32, #tpu.memory_space<vmem>> -> memref<1x1x64x32xf32, #tpu.memory_space<vmem>>
      %dma_start3A_1299 = tpu.memref_squeeze %dma_start3A_1298 : memref<1x1x64x32xf32, #tpu.memory_space<vmem>> -> memref<64x32xf32, #tpu.memory_space<vmem>>
      %dma_start3A_1300 = arith.constant 64 : i32
      %dma_start3A_1301 = tpu.memref_slice %arg5[%add3A_1281, %dma_start3A_1300] : memref<256x128xi32, #tpu.memory_space<vmem>> -> memref<1x64xi32, #tpu.memory_space<vmem>>
      %dma_start3A_1302 = tpu.memref_squeeze %dma_start3A_1301 : memref<1x64xi32, #tpu.memory_space<vmem>> -> memref<64xi32, #tpu.memory_space<vmem>>
      %dma_start3A_1303 = arith.constant 0 : i32
      %dma_start3A_1304 = arith.constant 0 : i32
      %dma_start3A_1305 = tpu.memref_slice %arg2[%dma_start3A_1303, %dma_start3A_1304] : memref<1000000x32xf32, #tpu.memory_space<hbm>> -> memref<1000000x32xf32, #tpu.memory_space<hbm>>
      tpu.enqueue_indirect_dma source(%dma_start3A_1305 : memref<1000000x32xf32, #tpu.memory_space<hbm>>) target(%dma_start3A_1299 : memref<64x32xf32, #tpu.memory_space<vmem>>) offsets(%dma_start3A_1302 : memref<64xi32, #tpu.memory_space<vmem>>) semaphore(%arg8 : memref<!tpu.dma_semaphore, #tpu.memory_space<semaphore_mem>>)
      %dma_wait3A_1306 = arith.constant 2 : i32
      %dma_wait3A_1307 = arith.constant 0 : i32
      %dma_wait3A_1308 = arith.constant 0 : i32
      %dma_wait3A_1309 = arith.constant 0 : i32
      %dma_wait3A_1310 = tpu.memref_slice %arg6[%dma_wait3A_1306, %dma_wait3A_1307, %dma_wait3A_1308, %dma_wait3A_1309] : memref<8x2x64x32xf32, #tpu.memory_space<vmem>> -> memref<1x2x50x32xf32, #tpu.memory_space<vmem>>
      %dma_wait3A_1311 = tpu.memref_squeeze %dma_wait3A_1310 : memref<1x2x50x32xf32, #tpu.memory_space<vmem>> -> memref<2x50x32xf32, #tpu.memory_space<vmem>>
      %dma_wait3A_1312 = arith.constant 0 : i32
      %dma_wait3A_1313 = arith.constant 0 : i32
      %dma_wait3A_1314 = arith.constant 0 : i32
      %dma_wait3A_1315 = tpu.memref_slice %arg4[%dma_wait3A_1312, %dma_wait3A_1313, %dma_wait3A_1314] : memref<16384x50x32xf32, #tpu.memory_space<hbm>> -> memref<2x50x32xf32, #tpu.memory_space<hbm>>
      %dma_wait3A_1316 = arith.constant 0 : i32
      %dma_wait3A_1317 = arith.constant 0 : i32
      %dma_wait3A_1318 = arith.constant 0 : i32
      %dma_wait3A_1319 = tpu.memref_slice %arg4[%dma_wait3A_1316, %dma_wait3A_1317, %dma_wait3A_1318] : memref<16384x50x32xf32, #tpu.memory_space<hbm>> -> memref<2x50x32xf32, #tpu.memory_space<hbm>>
      %dma_wait3A_1320 = arith.constant 0 : i32
      %dma_wait3A_1321 = arith.constant 0 : i32
      %dma_wait3A_1322 = arith.constant 0 : i32
      %dma_wait3A_1323 = tpu.memref_slice %arg6[%dma_wait3A_1306, %dma_wait3A_1320, %dma_wait3A_1321, %dma_wait3A_1322] : memref<8x2x64x32xf32, #tpu.memory_space<vmem>> -> memref<1x2x50x32xf32, #tpu.memory_space<vmem>>
      %dma_wait3A_1324 = tpu.memref_squeeze %dma_wait3A_1323 : memref<1x2x50x32xf32, #tpu.memory_space<vmem>> -> memref<2x50x32xf32, #tpu.memory_space<vmem>>
      tpu.wait_dma2 semaphore(%arg17 : memref<!tpu.dma_semaphore, #tpu.memory_space<semaphore_mem>>) src(%dma_wait3A_1324 : memref<2x50x32xf32, #tpu.memory_space<vmem>>) dst(%dma_wait3A_1319 : memref<2x50x32xf32, #tpu.memory_space<hbm>>)
      %add3A_1325 = arith.constant 2 : i32
      %add3A_1326 = arith.addi %add3A_779, %add3A_1325 : i32
      %add3A_1327 = arith.constant 8 : i32
      %add3A_1328 = arith.addi %add3A_1326, %add3A_1327 : i32
      %dma_start3A_1329 = arith.constant 2 : i32
      %dma_start3A_1330 = arith.constant 0 : i32
      %dma_start3A_1331 = arith.constant 0 : i32
      %dma_start3A_1332 = arith.constant 0 : i32
      %dma_start3A_1333 = tpu.memref_slice %arg6[%dma_start3A_1329, %dma_start3A_1330, %dma_start3A_1331, %dma_start3A_1332] : memref<8x2x64x32xf32, #tpu.memory_space<vmem>> -> memref<1x1x64x32xf32, #tpu.memory_space<vmem>>
      %dma_start3A_1334 = tpu.memref_squeeze %dma_start3A_1333 : memref<1x1x64x32xf32, #tpu.memory_space<vmem>> -> memref<64x32xf32, #tpu.memory_space<vmem>>
      %dma_start3A_1335 = arith.constant 0 : i32
      %dma_start3A_1336 = tpu.memref_slice %arg5[%add3A_1328, %dma_start3A_1335] : memref<256x128xi32, #tpu.memory_space<vmem>> -> memref<1x64xi32, #tpu.memory_space<vmem>>
      %dma_start3A_1337 = tpu.memref_squeeze %dma_start3A_1336 : memref<1x64xi32, #tpu.memory_space<vmem>> -> memref<64xi32, #tpu.memory_space<vmem>>
      %dma_start3A_1338 = arith.constant 0 : i32
      %dma_start3A_1339 = arith.constant 0 : i32
      %dma_start3A_1340 = tpu.memref_slice %arg2[%dma_start3A_1338, %dma_start3A_1339] : memref<1000000x32xf32, #tpu.memory_space<hbm>> -> memref<1000000x32xf32, #tpu.memory_space<hbm>>
      tpu.enqueue_indirect_dma source(%dma_start3A_1340 : memref<1000000x32xf32, #tpu.memory_space<hbm>>) target(%dma_start3A_1334 : memref<64x32xf32, #tpu.memory_space<vmem>>) offsets(%dma_start3A_1337 : memref<64xi32, #tpu.memory_space<vmem>>) semaphore(%arg9 : memref<!tpu.dma_semaphore, #tpu.memory_space<semaphore_mem>>)
      %dma_start3A_1341 = arith.constant 2 : i32
      %dma_start3A_1342 = arith.constant 1 : i32
      %dma_start3A_1343 = arith.constant 0 : i32
      %dma_start3A_1344 = arith.constant 0 : i32
      %dma_start3A_1345 = tpu.memref_slice %arg6[%dma_start3A_1341, %dma_start3A_1342, %dma_start3A_1343, %dma_start3A_1344] : memref<8x2x64x32xf32, #tpu.memory_space<vmem>> -> memref<1x1x64x32xf32, #tpu.memory_space<vmem>>
      %dma_start3A_1346 = tpu.memref_squeeze %dma_start3A_1345 : memref<1x1x64x32xf32, #tpu.memory_space<vmem>> -> memref<64x32xf32, #tpu.memory_space<vmem>>
      %dma_start3A_1347 = arith.constant 64 : i32
      %dma_start3A_1348 = tpu.memref_slice %arg5[%add3A_1328, %dma_start3A_1347] : memref<256x128xi32, #tpu.memory_space<vmem>> -> memref<1x64xi32, #tpu.memory_space<vmem>>
      %dma_start3A_1349 = tpu.memref_squeeze %dma_start3A_1348 : memref<1x64xi32, #tpu.memory_space<vmem>> -> memref<64xi32, #tpu.memory_space<vmem>>
      %dma_start3A_1350 = arith.constant 0 : i32
      %dma_start3A_1351 = arith.constant 0 : i32
      %dma_start3A_1352 = tpu.memref_slice %arg2[%dma_start3A_1350, %dma_start3A_1351] : memref<1000000x32xf32, #tpu.memory_space<hbm>> -> memref<1000000x32xf32, #tpu.memory_space<hbm>>
      tpu.enqueue_indirect_dma source(%dma_start3A_1352 : memref<1000000x32xf32, #tpu.memory_space<hbm>>) target(%dma_start3A_1346 : memref<64x32xf32, #tpu.memory_space<vmem>>) offsets(%dma_start3A_1349 : memref<64xi32, #tpu.memory_space<vmem>>) semaphore(%arg9 : memref<!tpu.dma_semaphore, #tpu.memory_space<semaphore_mem>>)
      %dma_wait3A_1353 = arith.constant 3 : i32
      %dma_wait3A_1354 = arith.constant 0 : i32
      %dma_wait3A_1355 = arith.constant 0 : i32
      %dma_wait3A_1356 = arith.constant 0 : i32
      %dma_wait3A_1357 = tpu.memref_slice %arg6[%dma_wait3A_1353, %dma_wait3A_1354, %dma_wait3A_1355, %dma_wait3A_1356] : memref<8x2x64x32xf32, #tpu.memory_space<vmem>> -> memref<1x2x50x32xf32, #tpu.memory_space<vmem>>
      %dma_wait3A_1358 = tpu.memref_squeeze %dma_wait3A_1357 : memref<1x2x50x32xf32, #tpu.memory_space<vmem>> -> memref<2x50x32xf32, #tpu.memory_space<vmem>>
      %dma_wait3A_1359 = arith.constant 0 : i32
      %dma_wait3A_1360 = arith.constant 0 : i32
      %dma_wait3A_1361 = arith.constant 0 : i32
      %dma_wait3A_1362 = tpu.memref_slice %arg4[%dma_wait3A_1359, %dma_wait3A_1360, %dma_wait3A_1361] : memref<16384x50x32xf32, #tpu.memory_space<hbm>> -> memref<2x50x32xf32, #tpu.memory_space<hbm>>
      %dma_wait3A_1363 = arith.constant 0 : i32
      %dma_wait3A_1364 = arith.constant 0 : i32
      %dma_wait3A_1365 = arith.constant 0 : i32
      %dma_wait3A_1366 = tpu.memref_slice %arg4[%dma_wait3A_1363, %dma_wait3A_1364, %dma_wait3A_1365] : memref<16384x50x32xf32, #tpu.memory_space<hbm>> -> memref<2x50x32xf32, #tpu.memory_space<hbm>>
      %dma_wait3A_1367 = arith.constant 0 : i32
      %dma_wait3A_1368 = arith.constant 0 : i32
      %dma_wait3A_1369 = arith.constant 0 : i32
      %dma_wait3A_1370 = tpu.memref_slice %arg6[%dma_wait3A_1353, %dma_wait3A_1367, %dma_wait3A_1368, %dma_wait3A_1369] : memref<8x2x64x32xf32, #tpu.memory_space<vmem>> -> memref<1x2x50x32xf32, #tpu.memory_space<vmem>>
      %dma_wait3A_1371 = tpu.memref_squeeze %dma_wait3A_1370 : memref<1x2x50x32xf32, #tpu.memory_space<vmem>> -> memref<2x50x32xf32, #tpu.memory_space<vmem>>
      tpu.wait_dma2 semaphore(%arg18 : memref<!tpu.dma_semaphore, #tpu.memory_space<semaphore_mem>>) src(%dma_wait3A_1371 : memref<2x50x32xf32, #tpu.memory_space<vmem>>) dst(%dma_wait3A_1366 : memref<2x50x32xf32, #tpu.memory_space<hbm>>)
      %add3A_1372 = arith.constant 3 : i32
      %add3A_1373 = arith.addi %add3A_779, %add3A_1372 : i32
      %add3A_1374 = arith.constant 8 : i32
      %add3A_1375 = arith.addi %add3A_1373, %add3A_1374 : i32
      %dma_start3A_1376 = arith.constant 3 : i32
      %dma_start3A_1377 = arith.constant 0 : i32
      %dma_start3A_1378 = arith.constant 0 : i32
      %dma_start3A_1379 = arith.constant 0 : i32
      %dma_start3A_1380 = tpu.memref_slice %arg6[%dma_start3A_1376, %dma_start3A_1377, %dma_start3A_1378, %dma_start3A_1379] : memref<8x2x64x32xf32, #tpu.memory_space<vmem>> -> memref<1x1x64x32xf32, #tpu.memory_space<vmem>>
      %dma_start3A_1381 = tpu.memref_squeeze %dma_start3A_1380 : memref<1x1x64x32xf32, #tpu.memory_space<vmem>> -> memref<64x32xf32, #tpu.memory_space<vmem>>
      %dma_start3A_1382 = arith.constant 0 : i32
      %dma_start3A_1383 = tpu.memref_slice %arg5[%add3A_1375, %dma_start3A_1382] : memref<256x128xi32, #tpu.memory_space<vmem>> -> memref<1x64xi32, #tpu.memory_space<vmem>>
      %dma_start3A_1384 = tpu.memref_squeeze %dma_start3A_1383 : memref<1x64xi32, #tpu.memory_space<vmem>> -> memref<64xi32, #tpu.memory_space<vmem>>
      %dma_start3A_1385 = arith.constant 0 : i32
      %dma_start3A_1386 = arith.constant 0 : i32
      %dma_start3A_1387 = tpu.memref_slice %arg2[%dma_start3A_1385, %dma_start3A_1386] : memref<1000000x32xf32, #tpu.memory_space<hbm>> -> memref<1000000x32xf32, #tpu.memory_space<hbm>>
      tpu.enqueue_indirect_dma source(%dma_start3A_1387 : memref<1000000x32xf32, #tpu.memory_space<hbm>>) target(%dma_start3A_1381 : memref<64x32xf32, #tpu.memory_space<vmem>>) offsets(%dma_start3A_1384 : memref<64xi32, #tpu.memory_space<vmem>>) semaphore(%arg10 : memref<!tpu.dma_semaphore, #tpu.memory_space<semaphore_mem>>)
      %dma_start3A_1388 = arith.constant 3 : i32
      %dma_start3A_1389 = arith.constant 1 : i32
      %dma_start3A_1390 = arith.constant 0 : i32
      %dma_start3A_1391 = arith.constant 0 : i32
      %dma_start3A_1392 = tpu.memref_slice %arg6[%dma_start3A_1388, %dma_start3A_1389, %dma_start3A_1390, %dma_start3A_1391] : memref<8x2x64x32xf32, #tpu.memory_space<vmem>> -> memref<1x1x64x32xf32, #tpu.memory_space<vmem>>
      %dma_start3A_1393 = tpu.memref_squeeze %dma_start3A_1392 : memref<1x1x64x32xf32, #tpu.memory_space<vmem>> -> memref<64x32xf32, #tpu.memory_space<vmem>>
      %dma_start3A_1394 = arith.constant 64 : i32
      %dma_start3A_1395 = tpu.memref_slice %arg5[%add3A_1375, %dma_start3A_1394] : memref<256x128xi32, #tpu.memory_space<vmem>> -> memref<1x64xi32, #tpu.memory_space<vmem>>
      %dma_start3A_1396 = tpu.memref_squeeze %dma_start3A_1395 : memref<1x64xi32, #tpu.memory_space<vmem>> -> memref<64xi32, #tpu.memory_space<vmem>>
      %dma_start3A_1397 = arith.constant 0 : i32
      %dma_start3A_1398 = arith.constant 0 : i32
      %dma_start3A_1399 = tpu.memref_slice %arg2[%dma_start3A_1397, %dma_start3A_1398] : memref<1000000x32xf32, #tpu.memory_space<hbm>> -> memref<1000000x32xf32, #tpu.memory_space<hbm>>
      tpu.enqueue_indirect_dma source(%dma_start3A_1399 : memref<1000000x32xf32, #tpu.memory_space<hbm>>) target(%dma_start3A_1393 : memref<64x32xf32, #tpu.memory_space<vmem>>) offsets(%dma_start3A_1396 : memref<64xi32, #tpu.memory_space<vmem>>) semaphore(%arg10 : memref<!tpu.dma_semaphore, #tpu.memory_space<semaphore_mem>>)
      %dma_wait3A_1400 = arith.constant 4 : i32
      %dma_wait3A_1401 = arith.constant 0 : i32
      %dma_wait3A_1402 = arith.constant 0 : i32
      %dma_wait3A_1403 = arith.constant 0 : i32
      %dma_wait3A_1404 = tpu.memref_slice %arg6[%dma_wait3A_1400, %dma_wait3A_1401, %dma_wait3A_1402, %dma_wait3A_1403] : memref<8x2x64x32xf32, #tpu.memory_space<vmem>> -> memref<1x2x50x32xf32, #tpu.memory_space<vmem>>
      %dma_wait3A_1405 = tpu.memref_squeeze %dma_wait3A_1404 : memref<1x2x50x32xf32, #tpu.memory_space<vmem>> -> memref<2x50x32xf32, #tpu.memory_space<vmem>>
      %dma_wait3A_1406 = arith.constant 0 : i32
      %dma_wait3A_1407 = arith.constant 0 : i32
      %dma_wait3A_1408 = arith.constant 0 : i32
      %dma_wait3A_1409 = tpu.memref_slice %arg4[%dma_wait3A_1406, %dma_wait3A_1407, %dma_wait3A_1408] : memref<16384x50x32xf32, #tpu.memory_space<hbm>> -> memref<2x50x32xf32, #tpu.memory_space<hbm>>
      %dma_wait3A_1410 = arith.constant 0 : i32
      %dma_wait3A_1411 = arith.constant 0 : i32
      %dma_wait3A_1412 = arith.constant 0 : i32
      %dma_wait3A_1413 = tpu.memref_slice %arg4[%dma_wait3A_1410, %dma_wait3A_1411, %dma_wait3A_1412] : memref<16384x50x32xf32, #tpu.memory_space<hbm>> -> memref<2x50x32xf32, #tpu.memory_space<hbm>>
      %dma_wait3A_1414 = arith.constant 0 : i32
      %dma_wait3A_1415 = arith.constant 0 : i32
      %dma_wait3A_1416 = arith.constant 0 : i32
      %dma_wait3A_1417 = tpu.memref_slice %arg6[%dma_wait3A_1400, %dma_wait3A_1414, %dma_wait3A_1415, %dma_wait3A_1416] : memref<8x2x64x32xf32, #tpu.memory_space<vmem>> -> memref<1x2x50x32xf32, #tpu.memory_space<vmem>>
      %dma_wait3A_1418 = tpu.memref_squeeze %dma_wait3A_1417 : memref<1x2x50x32xf32, #tpu.memory_space<vmem>> -> memref<2x50x32xf32, #tpu.memory_space<vmem>>
      tpu.wait_dma2 semaphore(%arg19 : memref<!tpu.dma_semaphore, #tpu.memory_space<semaphore_mem>>) src(%dma_wait3A_1418 : memref<2x50x32xf32, #tpu.memory_space<vmem>>) dst(%dma_wait3A_1413 : memref<2x50x32xf32, #tpu.memory_space<hbm>>)
      %add3A_1419 = arith.constant 4 : i32
      %add3A_1420 = arith.addi %add3A_779, %add3A_1419 : i32
      %add3A_1421 = arith.constant 8 : i32
      %add3A_1422 = arith.addi %add3A_1420, %add3A_1421 : i32
      %dma_start3A_1423 = arith.constant 4 : i32
      %dma_start3A_1424 = arith.constant 0 : i32
      %dma_start3A_1425 = arith.constant 0 : i32
      %dma_start3A_1426 = arith.constant 0 : i32
      %dma_start3A_1427 = tpu.memref_slice %arg6[%dma_start3A_1423, %dma_start3A_1424, %dma_start3A_1425, %dma_start3A_1426] : memref<8x2x64x32xf32, #tpu.memory_space<vmem>> -> memref<1x1x64x32xf32, #tpu.memory_space<vmem>>
      %dma_start3A_1428 = tpu.memref_squeeze %dma_start3A_1427 : memref<1x1x64x32xf32, #tpu.memory_space<vmem>> -> memref<64x32xf32, #tpu.memory_space<vmem>>
      %dma_start3A_1429 = arith.constant 0 : i32
      %dma_start3A_1430 = tpu.memref_slice %arg5[%add3A_1422, %dma_start3A_1429] : memref<256x128xi32, #tpu.memory_space<vmem>> -> memref<1x64xi32, #tpu.memory_space<vmem>>
      %dma_start3A_1431 = tpu.memref_squeeze %dma_start3A_1430 : memref<1x64xi32, #tpu.memory_space<vmem>> -> memref<64xi32, #tpu.memory_space<vmem>>
      %dma_start3A_1432 = arith.constant 0 : i32
      %dma_start3A_1433 = arith.constant 0 : i32
      %dma_start3A_1434 = tpu.memref_slice %arg2[%dma_start3A_1432, %dma_start3A_1433] : memref<1000000x32xf32, #tpu.memory_space<hbm>> -> memref<1000000x32xf32, #tpu.memory_space<hbm>>
      tpu.enqueue_indirect_dma source(%dma_start3A_1434 : memref<1000000x32xf32, #tpu.memory_space<hbm>>) target(%dma_start3A_1428 : memref<64x32xf32, #tpu.memory_space<vmem>>) offsets(%dma_start3A_1431 : memref<64xi32, #tpu.memory_space<vmem>>) semaphore(%arg11 : memref<!tpu.dma_semaphore, #tpu.memory_space<semaphore_mem>>)
      %dma_start3A_1435 = arith.constant 4 : i32
      %dma_start3A_1436 = arith.constant 1 : i32
      %dma_start3A_1437 = arith.constant 0 : i32
      %dma_start3A_1438 = arith.constant 0 : i32
      %dma_start3A_1439 = tpu.memref_slice %arg6[%dma_start3A_1435, %dma_start3A_1436, %dma_start3A_1437, %dma_start3A_1438] : memref<8x2x64x32xf32, #tpu.memory_space<vmem>> -> memref<1x1x64x32xf32, #tpu.memory_space<vmem>>
      %dma_start3A_1440 = tpu.memref_squeeze %dma_start3A_1439 : memref<1x1x64x32xf32, #tpu.memory_space<vmem>> -> memref<64x32xf32, #tpu.memory_space<vmem>>
      %dma_start3A_1441 = arith.constant 64 : i32
      %dma_start3A_1442 = tpu.memref_slice %arg5[%add3A_1422, %dma_start3A_1441] : memref<256x128xi32, #tpu.memory_space<vmem>> -> memref<1x64xi32, #tpu.memory_space<vmem>>
      %dma_start3A_1443 = tpu.memref_squeeze %dma_start3A_1442 : memref<1x64xi32, #tpu.memory_space<vmem>> -> memref<64xi32, #tpu.memory_space<vmem>>
      %dma_start3A_1444 = arith.constant 0 : i32
      %dma_start3A_1445 = arith.constant 0 : i32
      %dma_start3A_1446 = tpu.memref_slice %arg2[%dma_start3A_1444, %dma_start3A_1445] : memref<1000000x32xf32, #tpu.memory_space<hbm>> -> memref<1000000x32xf32, #tpu.memory_space<hbm>>
      tpu.enqueue_indirect_dma source(%dma_start3A_1446 : memref<1000000x32xf32, #tpu.memory_space<hbm>>) target(%dma_start3A_1440 : memref<64x32xf32, #tpu.memory_space<vmem>>) offsets(%dma_start3A_1443 : memref<64xi32, #tpu.memory_space<vmem>>) semaphore(%arg11 : memref<!tpu.dma_semaphore, #tpu.memory_space<semaphore_mem>>)
      %dma_wait3A_1447 = arith.constant 5 : i32
      %dma_wait3A_1448 = arith.constant 0 : i32
      %dma_wait3A_1449 = arith.constant 0 : i32
      %dma_wait3A_1450 = arith.constant 0 : i32
      %dma_wait3A_1451 = tpu.memref_slice %arg6[%dma_wait3A_1447, %dma_wait3A_1448, %dma_wait3A_1449, %dma_wait3A_1450] : memref<8x2x64x32xf32, #tpu.memory_space<vmem>> -> memref<1x2x50x32xf32, #tpu.memory_space<vmem>>
      %dma_wait3A_1452 = tpu.memref_squeeze %dma_wait3A_1451 : memref<1x2x50x32xf32, #tpu.memory_space<vmem>> -> memref<2x50x32xf32, #tpu.memory_space<vmem>>
      %dma_wait3A_1453 = arith.constant 0 : i32
      %dma_wait3A_1454 = arith.constant 0 : i32
      %dma_wait3A_1455 = arith.constant 0 : i32
      %dma_wait3A_1456 = tpu.memref_slice %arg4[%dma_wait3A_1453, %dma_wait3A_1454, %dma_wait3A_1455] : memref<16384x50x32xf32, #tpu.memory_space<hbm>> -> memref<2x50x32xf32, #tpu.memory_space<hbm>>
      %dma_wait3A_1457 = arith.constant 0 : i32
      %dma_wait3A_1458 = arith.constant 0 : i32
      %dma_wait3A_1459 = arith.constant 0 : i32
      %dma_wait3A_1460 = tpu.memref_slice %arg4[%dma_wait3A_1457, %dma_wait3A_1458, %dma_wait3A_1459] : memref<16384x50x32xf32, #tpu.memory_space<hbm>> -> memref<2x50x32xf32, #tpu.memory_space<hbm>>
      %dma_wait3A_1461 = arith.constant 0 : i32
      %dma_wait3A_1462 = arith.constant 0 : i32
      %dma_wait3A_1463 = arith.constant 0 : i32
      %dma_wait3A_1464 = tpu.memref_slice %arg6[%dma_wait3A_1447, %dma_wait3A_1461, %dma_wait3A_1462, %dma_wait3A_1463] : memref<8x2x64x32xf32, #tpu.memory_space<vmem>> -> memref<1x2x50x32xf32, #tpu.memory_space<vmem>>
      %dma_wait3A_1465 = tpu.memref_squeeze %dma_wait3A_1464 : memref<1x2x50x32xf32, #tpu.memory_space<vmem>> -> memref<2x50x32xf32, #tpu.memory_space<vmem>>
      tpu.wait_dma2 semaphore(%arg20 : memref<!tpu.dma_semaphore, #tpu.memory_space<semaphore_mem>>) src(%dma_wait3A_1465 : memref<2x50x32xf32, #tpu.memory_space<vmem>>) dst(%dma_wait3A_1460 : memref<2x50x32xf32, #tpu.memory_space<hbm>>)
      %add3A_1466 = arith.constant 5 : i32
      %add3A_1467 = arith.addi %add3A_779, %add3A_1466 : i32
      %add3A_1468 = arith.constant 8 : i32
      %add3A_1469 = arith.addi %add3A_1467, %add3A_1468 : i32
      %dma_start3A_1470 = arith.constant 5 : i32
      %dma_start3A_1471 = arith.constant 0 : i32
      %dma_start3A_1472 = arith.constant 0 : i32
      %dma_start3A_1473 = arith.constant 0 : i32
      %dma_start3A_1474 = tpu.memref_slice %arg6[%dma_start3A_1470, %dma_start3A_1471, %dma_start3A_1472, %dma_start3A_1473] : memref<8x2x64x32xf32, #tpu.memory_space<vmem>> -> memref<1x1x64x32xf32, #tpu.memory_space<vmem>>
      %dma_start3A_1475 = tpu.memref_squeeze %dma_start3A_1474 : memref<1x1x64x32xf32, #tpu.memory_space<vmem>> -> memref<64x32xf32, #tpu.memory_space<vmem>>
      %dma_start3A_1476 = arith.constant 0 : i32
      %dma_start3A_1477 = tpu.memref_slice %arg5[%add3A_1469, %dma_start3A_1476] : memref<256x128xi32, #tpu.memory_space<vmem>> -> memref<1x64xi32, #tpu.memory_space<vmem>>
      %dma_start3A_1478 = tpu.memref_squeeze %dma_start3A_1477 : memref<1x64xi32, #tpu.memory_space<vmem>> -> memref<64xi32, #tpu.memory_space<vmem>>
      %dma_start3A_1479 = arith.constant 0 : i32
      %dma_start3A_1480 = arith.constant 0 : i32
      %dma_start3A_1481 = tpu.memref_slice %arg2[%dma_start3A_1479, %dma_start3A_1480] : memref<1000000x32xf32, #tpu.memory_space<hbm>> -> memref<1000000x32xf32, #tpu.memory_space<hbm>>
      tpu.enqueue_indirect_dma source(%dma_start3A_1481 : memref<1000000x32xf32, #tpu.memory_space<hbm>>) target(%dma_start3A_1475 : memref<64x32xf32, #tpu.memory_space<vmem>>) offsets(%dma_start3A_1478 : memref<64xi32, #tpu.memory_space<vmem>>) semaphore(%arg12 : memref<!tpu.dma_semaphore, #tpu.memory_space<semaphore_mem>>)
      %dma_start3A_1482 = arith.constant 5 : i32
      %dma_start3A_1483 = arith.constant 1 : i32
      %dma_start3A_1484 = arith.constant 0 : i32
      %dma_start3A_1485 = arith.constant 0 : i32
      %dma_start3A_1486 = tpu.memref_slice %arg6[%dma_start3A_1482, %dma_start3A_1483, %dma_start3A_1484, %dma_start3A_1485] : memref<8x2x64x32xf32, #tpu.memory_space<vmem>> -> memref<1x1x64x32xf32, #tpu.memory_space<vmem>>
      %dma_start3A_1487 = tpu.memref_squeeze %dma_start3A_1486 : memref<1x1x64x32xf32, #tpu.memory_space<vmem>> -> memref<64x32xf32, #tpu.memory_space<vmem>>
      %dma_start3A_1488 = arith.constant 64 : i32
      %dma_start3A_1489 = tpu.memref_slice %arg5[%add3A_1469, %dma_start3A_1488] : memref<256x128xi32, #tpu.memory_space<vmem>> -> memref<1x64xi32, #tpu.memory_space<vmem>>
      %dma_start3A_1490 = tpu.memref_squeeze %dma_start3A_1489 : memref<1x64xi32, #tpu.memory_space<vmem>> -> memref<64xi32, #tpu.memory_space<vmem>>
      %dma_start3A_1491 = arith.constant 0 : i32
      %dma_start3A_1492 = arith.constant 0 : i32
      %dma_start3A_1493 = tpu.memref_slice %arg2[%dma_start3A_1491, %dma_start3A_1492] : memref<1000000x32xf32, #tpu.memory_space<hbm>> -> memref<1000000x32xf32, #tpu.memory_space<hbm>>
      tpu.enqueue_indirect_dma source(%dma_start3A_1493 : memref<1000000x32xf32, #tpu.memory_space<hbm>>) target(%dma_start3A_1487 : memref<64x32xf32, #tpu.memory_space<vmem>>) offsets(%dma_start3A_1490 : memref<64xi32, #tpu.memory_space<vmem>>) semaphore(%arg12 : memref<!tpu.dma_semaphore, #tpu.memory_space<semaphore_mem>>)
      %dma_wait3A_1494 = arith.constant 6 : i32
      %dma_wait3A_1495 = arith.constant 0 : i32
      %dma_wait3A_1496 = arith.constant 0 : i32
      %dma_wait3A_1497 = arith.constant 0 : i32
      %dma_wait3A_1498 = tpu.memref_slice %arg6[%dma_wait3A_1494, %dma_wait3A_1495, %dma_wait3A_1496, %dma_wait3A_1497] : memref<8x2x64x32xf32, #tpu.memory_space<vmem>> -> memref<1x2x50x32xf32, #tpu.memory_space<vmem>>
      %dma_wait3A_1499 = tpu.memref_squeeze %dma_wait3A_1498 : memref<1x2x50x32xf32, #tpu.memory_space<vmem>> -> memref<2x50x32xf32, #tpu.memory_space<vmem>>
      %dma_wait3A_1500 = arith.constant 0 : i32
      %dma_wait3A_1501 = arith.constant 0 : i32
      %dma_wait3A_1502 = arith.constant 0 : i32
      %dma_wait3A_1503 = tpu.memref_slice %arg4[%dma_wait3A_1500, %dma_wait3A_1501, %dma_wait3A_1502] : memref<16384x50x32xf32, #tpu.memory_space<hbm>> -> memref<2x50x32xf32, #tpu.memory_space<hbm>>
      %dma_wait3A_1504 = arith.constant 0 : i32
      %dma_wait3A_1505 = arith.constant 0 : i32
      %dma_wait3A_1506 = arith.constant 0 : i32
      %dma_wait3A_1507 = tpu.memref_slice %arg4[%dma_wait3A_1504, %dma_wait3A_1505, %dma_wait3A_1506] : memref<16384x50x32xf32, #tpu.memory_space<hbm>> -> memref<2x50x32xf32, #tpu.memory_space<hbm>>
      %dma_wait3A_1508 = arith.constant 0 : i32
      %dma_wait3A_1509 = arith.constant 0 : i32
      %dma_wait3A_1510 = arith.constant 0 : i32
      %dma_wait3A_1511 = tpu.memref_slice %arg6[%dma_wait3A_1494, %dma_wait3A_1508, %dma_wait3A_1509, %dma_wait3A_1510] : memref<8x2x64x32xf32, #tpu.memory_space<vmem>> -> memref<1x2x50x32xf32, #tpu.memory_space<vmem>>
      %dma_wait3A_1512 = tpu.memref_squeeze %dma_wait3A_1511 : memref<1x2x50x32xf32, #tpu.memory_space<vmem>> -> memref<2x50x32xf32, #tpu.memory_space<vmem>>
      tpu.wait_dma2 semaphore(%arg21 : memref<!tpu.dma_semaphore, #tpu.memory_space<semaphore_mem>>) src(%dma_wait3A_1512 : memref<2x50x32xf32, #tpu.memory_space<vmem>>) dst(%dma_wait3A_1507 : memref<2x50x32xf32, #tpu.memory_space<hbm>>)
      %add3A_1513 = arith.constant 6 : i32
      %add3A_1514 = arith.addi %add3A_779, %add3A_1513 : i32
      %add3A_1515 = arith.constant 8 : i32
      %add3A_1516 = arith.addi %add3A_1514, %add3A_1515 : i32
      %dma_start3A_1517 = arith.constant 6 : i32
      %dma_start3A_1518 = arith.constant 0 : i32
      %dma_start3A_1519 = arith.constant 0 : i32
      %dma_start3A_1520 = arith.constant 0 : i32
      %dma_start3A_1521 = tpu.memref_slice %arg6[%dma_start3A_1517, %dma_start3A_1518, %dma_start3A_1519, %dma_start3A_1520] : memref<8x2x64x32xf32, #tpu.memory_space<vmem>> -> memref<1x1x64x32xf32, #tpu.memory_space<vmem>>
      %dma_start3A_1522 = tpu.memref_squeeze %dma_start3A_1521 : memref<1x1x64x32xf32, #tpu.memory_space<vmem>> -> memref<64x32xf32, #tpu.memory_space<vmem>>
      %dma_start3A_1523 = arith.constant 0 : i32
      %dma_start3A_1524 = tpu.memref_slice %arg5[%add3A_1516, %dma_start3A_1523] : memref<256x128xi32, #tpu.memory_space<vmem>> -> memref<1x64xi32, #tpu.memory_space<vmem>>
      %dma_start3A_1525 = tpu.memref_squeeze %dma_start3A_1524 : memref<1x64xi32, #tpu.memory_space<vmem>> -> memref<64xi32, #tpu.memory_space<vmem>>
      %dma_start3A_1526 = arith.constant 0 : i32
      %dma_start3A_1527 = arith.constant 0 : i32
      %dma_start3A_1528 = tpu.memref_slice %arg2[%dma_start3A_1526, %dma_start3A_1527] : memref<1000000x32xf32, #tpu.memory_space<hbm>> -> memref<1000000x32xf32, #tpu.memory_space<hbm>>
      tpu.enqueue_indirect_dma source(%dma_start3A_1528 : memref<1000000x32xf32, #tpu.memory_space<hbm>>) target(%dma_start3A_1522 : memref<64x32xf32, #tpu.memory_space<vmem>>) offsets(%dma_start3A_1525 : memref<64xi32, #tpu.memory_space<vmem>>) semaphore(%arg13 : memref<!tpu.dma_semaphore, #tpu.memory_space<semaphore_mem>>)
      %dma_start3A_1529 = arith.constant 6 : i32
      %dma_start3A_1530 = arith.constant 1 : i32
      %dma_start3A_1531 = arith.constant 0 : i32
      %dma_start3A_1532 = arith.constant 0 : i32
      %dma_start3A_1533 = tpu.memref_slice %arg6[%dma_start3A_1529, %dma_start3A_1530, %dma_start3A_1531, %dma_start3A_1532] : memref<8x2x64x32xf32, #tpu.memory_space<vmem>> -> memref<1x1x64x32xf32, #tpu.memory_space<vmem>>
      %dma_start3A_1534 = tpu.memref_squeeze %dma_start3A_1533 : memref<1x1x64x32xf32, #tpu.memory_space<vmem>> -> memref<64x32xf32, #tpu.memory_space<vmem>>
      %dma_start3A_1535 = arith.constant 64 : i32
      %dma_start3A_1536 = tpu.memref_slice %arg5[%add3A_1516, %dma_start3A_1535] : memref<256x128xi32, #tpu.memory_space<vmem>> -> memref<1x64xi32, #tpu.memory_space<vmem>>
      %dma_start3A_1537 = tpu.memref_squeeze %dma_start3A_1536 : memref<1x64xi32, #tpu.memory_space<vmem>> -> memref<64xi32, #tpu.memory_space<vmem>>
      %dma_start3A_1538 = arith.constant 0 : i32
      %dma_start3A_1539 = arith.constant 0 : i32
      %dma_start3A_1540 = tpu.memref_slice %arg2[%dma_start3A_1538, %dma_start3A_1539] : memref<1000000x32xf32, #tpu.memory_space<hbm>> -> memref<1000000x32xf32, #tpu.memory_space<hbm>>
      tpu.enqueue_indirect_dma source(%dma_start3A_1540 : memref<1000000x32xf32, #tpu.memory_space<hbm>>) target(%dma_start3A_1534 : memref<64x32xf32, #tpu.memory_space<vmem>>) offsets(%dma_start3A_1537 : memref<64xi32, #tpu.memory_space<vmem>>) semaphore(%arg13 : memref<!tpu.dma_semaphore, #tpu.memory_space<semaphore_mem>>)
      %dma_wait3A_1541 = arith.constant 7 : i32
      %dma_wait3A_1542 = arith.constant 0 : i32
      %dma_wait3A_1543 = arith.constant 0 : i32
      %dma_wait3A_1544 = arith.constant 0 : i32
      %dma_wait3A_1545 = tpu.memref_slice %arg6[%dma_wait3A_1541, %dma_wait3A_1542, %dma_wait3A_1543, %dma_wait3A_1544] : memref<8x2x64x32xf32, #tpu.memory_space<vmem>> -> memref<1x2x50x32xf32, #tpu.memory_space<vmem>>
      %dma_wait3A_1546 = tpu.memref_squeeze %dma_wait3A_1545 : memref<1x2x50x32xf32, #tpu.memory_space<vmem>> -> memref<2x50x32xf32, #tpu.memory_space<vmem>>
      %dma_wait3A_1547 = arith.constant 0 : i32
      %dma_wait3A_1548 = arith.constant 0 : i32
      %dma_wait3A_1549 = arith.constant 0 : i32
      %dma_wait3A_1550 = tpu.memref_slice %arg4[%dma_wait3A_1547, %dma_wait3A_1548, %dma_wait3A_1549] : memref<16384x50x32xf32, #tpu.memory_space<hbm>> -> memref<2x50x32xf32, #tpu.memory_space<hbm>>
      %dma_wait3A_1551 = arith.constant 0 : i32
      %dma_wait3A_1552 = arith.constant 0 : i32
      %dma_wait3A_1553 = arith.constant 0 : i32
      %dma_wait3A_1554 = tpu.memref_slice %arg4[%dma_wait3A_1551, %dma_wait3A_1552, %dma_wait3A_1553] : memref<16384x50x32xf32, #tpu.memory_space<hbm>> -> memref<2x50x32xf32, #tpu.memory_space<hbm>>
      %dma_wait3A_1555 = arith.constant 0 : i32
      %dma_wait3A_1556 = arith.constant 0 : i32
      %dma_wait3A_1557 = arith.constant 0 : i32
      %dma_wait3A_1558 = tpu.memref_slice %arg6[%dma_wait3A_1541, %dma_wait3A_1555, %dma_wait3A_1556, %dma_wait3A_1557] : memref<8x2x64x32xf32, #tpu.memory_space<vmem>> -> memref<1x2x50x32xf32, #tpu.memory_space<vmem>>
      %dma_wait3A_1559 = tpu.memref_squeeze %dma_wait3A_1558 : memref<1x2x50x32xf32, #tpu.memory_space<vmem>> -> memref<2x50x32xf32, #tpu.memory_space<vmem>>
      tpu.wait_dma2 semaphore(%arg22 : memref<!tpu.dma_semaphore, #tpu.memory_space<semaphore_mem>>) src(%dma_wait3A_1559 : memref<2x50x32xf32, #tpu.memory_space<vmem>>) dst(%dma_wait3A_1554 : memref<2x50x32xf32, #tpu.memory_space<hbm>>)
      %add3A_1560 = arith.constant 7 : i32
      %add3A_1561 = arith.addi %add3A_779, %add3A_1560 : i32
      %add3A_1562 = arith.constant 8 : i32
      %add3A_1563 = arith.addi %add3A_1561, %add3A_1562 : i32
      %dma_start3A_1564 = arith.constant 7 : i32
      %dma_start3A_1565 = arith.constant 0 : i32
      %dma_start3A_1566 = arith.constant 0 : i32
      %dma_start3A_1567 = arith.constant 0 : i32
      %dma_start3A_1568 = tpu.memref_slice %arg6[%dma_start3A_1564, %dma_start3A_1565, %dma_start3A_1566, %dma_start3A_1567] : memref<8x2x64x32xf32, #tpu.memory_space<vmem>> -> memref<1x1x64x32xf32, #tpu.memory_space<vmem>>
      %dma_start3A_1569 = tpu.memref_squeeze %dma_start3A_1568 : memref<1x1x64x32xf32, #tpu.memory_space<vmem>> -> memref<64x32xf32, #tpu.memory_space<vmem>>
      %dma_start3A_1570 = arith.constant 0 : i32
      %dma_start3A_1571 = tpu.memref_slice %arg5[%add3A_1563, %dma_start3A_1570] : memref<256x128xi32, #tpu.memory_space<vmem>> -> memref<1x64xi32, #tpu.memory_space<vmem>>
      %dma_start3A_1572 = tpu.memref_squeeze %dma_start3A_1571 : memref<1x64xi32, #tpu.memory_space<vmem>> -> memref<64xi32, #tpu.memory_space<vmem>>
      %dma_start3A_1573 = arith.constant 0 : i32
      %dma_start3A_1574 = arith.constant 0 : i32
      %dma_start3A_1575 = tpu.memref_slice %arg2[%dma_start3A_1573, %dma_start3A_1574] : memref<1000000x32xf32, #tpu.memory_space<hbm>> -> memref<1000000x32xf32, #tpu.memory_space<hbm>>
      tpu.enqueue_indirect_dma source(%dma_start3A_1575 : memref<1000000x32xf32, #tpu.memory_space<hbm>>) target(%dma_start3A_1569 : memref<64x32xf32, #tpu.memory_space<vmem>>) offsets(%dma_start3A_1572 : memref<64xi32, #tpu.memory_space<vmem>>) semaphore(%arg14 : memref<!tpu.dma_semaphore, #tpu.memory_space<semaphore_mem>>)
      %dma_start3A_1576 = arith.constant 7 : i32
      %dma_start3A_1577 = arith.constant 1 : i32
      %dma_start3A_1578 = arith.constant 0 : i32
      %dma_start3A_1579 = arith.constant 0 : i32
      %dma_start3A_1580 = tpu.memref_slice %arg6[%dma_start3A_1576, %dma_start3A_1577, %dma_start3A_1578, %dma_start3A_1579] : memref<8x2x64x32xf32, #tpu.memory_space<vmem>> -> memref<1x1x64x32xf32, #tpu.memory_space<vmem>>
      %dma_start3A_1581 = tpu.memref_squeeze %dma_start3A_1580 : memref<1x1x64x32xf32, #tpu.memory_space<vmem>> -> memref<64x32xf32, #tpu.memory_space<vmem>>
      %dma_start3A_1582 = arith.constant 64 : i32
      %dma_start3A_1583 = tpu.memref_slice %arg5[%add3A_1563, %dma_start3A_1582] : memref<256x128xi32, #tpu.memory_space<vmem>> -> memref<1x64xi32, #tpu.memory_space<vmem>>
      %dma_start3A_1584 = tpu.memref_squeeze %dma_start3A_1583 : memref<1x64xi32, #tpu.memory_space<vmem>> -> memref<64xi32, #tpu.memory_space<vmem>>
      %dma_start3A_1585 = arith.constant 0 : i32
      %dma_start3A_1586 = arith.constant 0 : i32
      %dma_start3A_1587 = tpu.memref_slice %arg2[%dma_start3A_1585, %dma_start3A_1586] : memref<1000000x32xf32, #tpu.memory_space<hbm>> -> memref<1000000x32xf32, #tpu.memory_space<hbm>>
      tpu.enqueue_indirect_dma source(%dma_start3A_1587 : memref<1000000x32xf32, #tpu.memory_space<hbm>>) target(%dma_start3A_1581 : memref<64x32xf32, #tpu.memory_space<vmem>>) offsets(%dma_start3A_1584 : memref<64xi32, #tpu.memory_space<vmem>>) semaphore(%arg14 : memref<!tpu.dma_semaphore, #tpu.memory_space<semaphore_mem>>)
    }
    %scan3A_215 = arith.constant 31 : i32
    %dma_wait3A = arith.constant 0 : i32
    %dma_wait3A_216 = arith.constant 0 : i32
    %dma_wait3A_217 = arith.constant 0 : i32
    %dma_wait3A_218 = arith.constant 0 : i32
    %dma_wait3A_219 = tpu.memref_slice %arg6[%dma_wait3A, %dma_wait3A_216, %dma_wait3A_217, %dma_wait3A_218] : memref<8x2x64x32xf32, #tpu.memory_space<vmem>> -> memref<1x1x64x32xf32, #tpu.memory_space<vmem>>
    %dma_wait3A_220 = tpu.memref_squeeze %dma_wait3A_219 : memref<1x1x64x32xf32, #tpu.memory_space<vmem>> -> memref<64x32xf32, #tpu.memory_space<vmem>>
    %dma_wait3A_221 = arith.constant 0 : i32
    %dma_wait3A_222 = arith.constant 0 : i32
    %dma_wait3A_223 = tpu.memref_slice %arg2[%dma_wait3A_221, %dma_wait3A_222] : memref<1000000x32xf32, #tpu.memory_space<hbm>> -> memref<64x32xf32, #tpu.memory_space<hbm>>
    %dma_wait3A_224 = arith.constant 0 : i32
    %dma_wait3A_225 = arith.constant 0 : i32
    %dma_wait3A_226 = tpu.memref_slice %arg6[%dma_wait3A, %dma_wait3A_216, %dma_wait3A_224, %dma_wait3A_225] : memref<8x2x64x32xf32, #tpu.memory_space<vmem>> -> memref<1x1x64x32xf32, #tpu.memory_space<vmem>>
    %dma_wait3A_227 = tpu.memref_squeeze %dma_wait3A_226 : memref<1x1x64x32xf32, #tpu.memory_space<vmem>> -> memref<64x32xf32, #tpu.memory_space<vmem>>
    %dma_wait3A_228 = arith.constant 0 : i32
    %dma_wait3A_229 = arith.constant 0 : i32
    %dma_wait3A_230 = tpu.memref_slice %arg2[%dma_wait3A_228, %dma_wait3A_229] : memref<1000000x32xf32, #tpu.memory_space<hbm>> -> memref<64x32xf32, #tpu.memory_space<hbm>>
    tpu.wait_dma2 semaphore(%arg7 : memref<!tpu.dma_semaphore, #tpu.memory_space<semaphore_mem>>) src(%dma_wait3A_230 : memref<64x32xf32, #tpu.memory_space<hbm>>) dst(%dma_wait3A_227 : memref<64x32xf32, #tpu.memory_space<vmem>>)
    %dma_wait3A_231 = arith.constant 0 : i32
    %dma_wait3A_232 = arith.constant 1 : i32
    %dma_wait3A_233 = arith.constant 0 : i32
    %dma_wait3A_234 = arith.constant 0 : i32
    %dma_wait3A_235 = tpu.memref_slice %arg6[%dma_wait3A_231, %dma_wait3A_232, %dma_wait3A_233, %dma_wait3A_234] : memref<8x2x64x32xf32, #tpu.memory_space<vmem>> -> memref<1x1x64x32xf32, #tpu.memory_space<vmem>>
    %dma_wait3A_236 = tpu.memref_squeeze %dma_wait3A_235 : memref<1x1x64x32xf32, #tpu.memory_space<vmem>> -> memref<64x32xf32, #tpu.memory_space<vmem>>
    %dma_wait3A_237 = arith.constant 0 : i32
    %dma_wait3A_238 = arith.constant 0 : i32
    %dma_wait3A_239 = tpu.memref_slice %arg2[%dma_wait3A_237, %dma_wait3A_238] : memref<1000000x32xf32, #tpu.memory_space<hbm>> -> memref<64x32xf32, #tpu.memory_space<hbm>>
    %dma_wait3A_240 = arith.constant 0 : i32
    %dma_wait3A_241 = arith.constant 0 : i32
    %dma_wait3A_242 = tpu.memref_slice %arg6[%dma_wait3A_231, %dma_wait3A_232, %dma_wait3A_240, %dma_wait3A_241] : memref<8x2x64x32xf32, #tpu.memory_space<vmem>> -> memref<1x1x64x32xf32, #tpu.memory_space<vmem>>
    %dma_wait3A_243 = tpu.memref_squeeze %dma_wait3A_242 : memref<1x1x64x32xf32, #tpu.memory_space<vmem>> -> memref<64x32xf32, #tpu.memory_space<vmem>>
    %dma_wait3A_244 = arith.constant 0 : i32
    %dma_wait3A_245 = arith.constant 0 : i32
    %dma_wait3A_246 = tpu.memref_slice %arg2[%dma_wait3A_244, %dma_wait3A_245] : memref<1000000x32xf32, #tpu.memory_space<hbm>> -> memref<64x32xf32, #tpu.memory_space<hbm>>
    tpu.wait_dma2 semaphore(%arg7 : memref<!tpu.dma_semaphore, #tpu.memory_space<semaphore_mem>>) src(%dma_wait3A_246 : memref<64x32xf32, #tpu.memory_space<hbm>>) dst(%dma_wait3A_243 : memref<64x32xf32, #tpu.memory_space<vmem>>)
    %add3A_247 = arith.constant 496 : i32
    %add3A_248 = arith.addi %mul3A_2, %add3A_247 : i32
    %dma_start3A_249 = arith.constant 0 : i32
    %dma_start3A_250 = arith.constant 0 : i32
    %dma_start3A_251 = arith.constant 0 : i32
    %dma_start3A_252 = arith.constant 0 : i32
    %dma_start3A_253 = tpu.memref_slice %arg6[%dma_start3A_249, %dma_start3A_250, %dma_start3A_251, %dma_start3A_252] : memref<8x2x64x32xf32, #tpu.memory_space<vmem>> -> memref<1x2x50x32xf32, #tpu.memory_space<vmem>>
    %dma_start3A_254 = tpu.memref_squeeze %dma_start3A_253 : memref<1x2x50x32xf32, #tpu.memory_space<vmem>> -> memref<2x50x32xf32, #tpu.memory_space<vmem>>
    %dma_start3A_255 = arith.constant 0 : i32
    %dma_start3A_256 = arith.constant 0 : i32
    %dma_start3A_257 = tpu.memref_slice %arg4[%add3A_248, %dma_start3A_255, %dma_start3A_256] : memref<16384x50x32xf32, #tpu.memory_space<hbm>> -> memref<2x50x32xf32, #tpu.memory_space<hbm>>
    %dma_start3A_258 = arith.constant 0 : i32
    %dma_start3A_259 = arith.constant 0 : i32
    %dma_start3A_260 = tpu.memref_slice %arg4[%add3A_248, %dma_start3A_258, %dma_start3A_259] : memref<16384x50x32xf32, #tpu.memory_space<hbm>> -> memref<2x50x32xf32, #tpu.memory_space<hbm>>
    %dma_start3A_261 = arith.constant 0 : i32
    %dma_start3A_262 = arith.constant 0 : i32
    %dma_start3A_263 = arith.constant 0 : i32
    %dma_start3A_264 = tpu.memref_slice %arg6[%dma_start3A_249, %dma_start3A_261, %dma_start3A_262, %dma_start3A_263] : memref<8x2x64x32xf32, #tpu.memory_space<vmem>> -> memref<1x2x50x32xf32, #tpu.memory_space<vmem>>
    %dma_start3A_265 = tpu.memref_squeeze %dma_start3A_264 : memref<1x2x50x32xf32, #tpu.memory_space<vmem>> -> memref<2x50x32xf32, #tpu.memory_space<vmem>>
    tpu.enqueue_dma source(%dma_start3A_265 : memref<2x50x32xf32, #tpu.memory_space<vmem>>) target(%dma_start3A_260 : memref<2x50x32xf32, #tpu.memory_space<hbm>>) target_semaphore(%arg15 : memref<!tpu.dma_semaphore, #tpu.memory_space<semaphore_mem>>)
    %dma_wait3A_266 = arith.constant 1 : i32
    %dma_wait3A_267 = arith.constant 0 : i32
    %dma_wait3A_268 = arith.constant 0 : i32
    %dma_wait3A_269 = arith.constant 0 : i32
    %dma_wait3A_270 = tpu.memref_slice %arg6[%dma_wait3A_266, %dma_wait3A_267, %dma_wait3A_268, %dma_wait3A_269] : memref<8x2x64x32xf32, #tpu.memory_space<vmem>> -> memref<1x1x64x32xf32, #tpu.memory_space<vmem>>
    %dma_wait3A_271 = tpu.memref_squeeze %dma_wait3A_270 : memref<1x1x64x32xf32, #tpu.memory_space<vmem>> -> memref<64x32xf32, #tpu.memory_space<vmem>>
    %dma_wait3A_272 = arith.constant 0 : i32
    %dma_wait3A_273 = arith.constant 0 : i32
    %dma_wait3A_274 = tpu.memref_slice %arg2[%dma_wait3A_272, %dma_wait3A_273] : memref<1000000x32xf32, #tpu.memory_space<hbm>> -> memref<64x32xf32, #tpu.memory_space<hbm>>
    %dma_wait3A_275 = arith.constant 0 : i32
    %dma_wait3A_276 = arith.constant 0 : i32
    %dma_wait3A_277 = tpu.memref_slice %arg6[%dma_wait3A_266, %dma_wait3A_267, %dma_wait3A_275, %dma_wait3A_276] : memref<8x2x64x32xf32, #tpu.memory_space<vmem>> -> memref<1x1x64x32xf32, #tpu.memory_space<vmem>>
    %dma_wait3A_278 = tpu.memref_squeeze %dma_wait3A_277 : memref<1x1x64x32xf32, #tpu.memory_space<vmem>> -> memref<64x32xf32, #tpu.memory_space<vmem>>
    %dma_wait3A_279 = arith.constant 0 : i32
    %dma_wait3A_280 = arith.constant 0 : i32
    %dma_wait3A_281 = tpu.memref_slice %arg2[%dma_wait3A_279, %dma_wait3A_280] : memref<1000000x32xf32, #tpu.memory_space<hbm>> -> memref<64x32xf32, #tpu.memory_space<hbm>>
    tpu.wait_dma2 semaphore(%arg8 : memref<!tpu.dma_semaphore, #tpu.memory_space<semaphore_mem>>) src(%dma_wait3A_281 : memref<64x32xf32, #tpu.memory_space<hbm>>) dst(%dma_wait3A_278 : memref<64x32xf32, #tpu.memory_space<vmem>>)
    %dma_wait3A_282 = arith.constant 1 : i32
    %dma_wait3A_283 = arith.constant 1 : i32
    %dma_wait3A_284 = arith.constant 0 : i32
    %dma_wait3A_285 = arith.constant 0 : i32
    %dma_wait3A_286 = tpu.memref_slice %arg6[%dma_wait3A_282, %dma_wait3A_283, %dma_wait3A_284, %dma_wait3A_285] : memref<8x2x64x32xf32, #tpu.memory_space<vmem>> -> memref<1x1x64x32xf32, #tpu.memory_space<vmem>>
    %dma_wait3A_287 = tpu.memref_squeeze %dma_wait3A_286 : memref<1x1x64x32xf32, #tpu.memory_space<vmem>> -> memref<64x32xf32, #tpu.memory_space<vmem>>
    %dma_wait3A_288 = arith.constant 0 : i32
    %dma_wait3A_289 = arith.constant 0 : i32
    %dma_wait3A_290 = tpu.memref_slice %arg2[%dma_wait3A_288, %dma_wait3A_289] : memref<1000000x32xf32, #tpu.memory_space<hbm>> -> memref<64x32xf32, #tpu.memory_space<hbm>>
    %dma_wait3A_291 = arith.constant 0 : i32
    %dma_wait3A_292 = arith.constant 0 : i32
    %dma_wait3A_293 = tpu.memref_slice %arg6[%dma_wait3A_282, %dma_wait3A_283, %dma_wait3A_291, %dma_wait3A_292] : memref<8x2x64x32xf32, #tpu.memory_space<vmem>> -> memref<1x1x64x32xf32, #tpu.memory_space<vmem>>
    %dma_wait3A_294 = tpu.memref_squeeze %dma_wait3A_293 : memref<1x1x64x32xf32, #tpu.memory_space<vmem>> -> memref<64x32xf32, #tpu.memory_space<vmem>>
    %dma_wait3A_295 = arith.constant 0 : i32
    %dma_wait3A_296 = arith.constant 0 : i32
    %dma_wait3A_297 = tpu.memref_slice %arg2[%dma_wait3A_295, %dma_wait3A_296] : memref<1000000x32xf32, #tpu.memory_space<hbm>> -> memref<64x32xf32, #tpu.memory_space<hbm>>
    tpu.wait_dma2 semaphore(%arg8 : memref<!tpu.dma_semaphore, #tpu.memory_space<semaphore_mem>>) src(%dma_wait3A_297 : memref<64x32xf32, #tpu.memory_space<hbm>>) dst(%dma_wait3A_294 : memref<64x32xf32, #tpu.memory_space<vmem>>)
    %add3A_298 = arith.constant 498 : i32
    %add3A_299 = arith.addi %mul3A_2, %add3A_298 : i32
    %dma_start3A_300 = arith.constant 1 : i32
    %dma_start3A_301 = arith.constant 0 : i32
    %dma_start3A_302 = arith.constant 0 : i32
    %dma_start3A_303 = arith.constant 0 : i32
    %dma_start3A_304 = tpu.memref_slice %arg6[%dma_start3A_300, %dma_start3A_301, %dma_start3A_302, %dma_start3A_303] : memref<8x2x64x32xf32, #tpu.memory_space<vmem>> -> memref<1x2x50x32xf32, #tpu.memory_space<vmem>>
    %dma_start3A_305 = tpu.memref_squeeze %dma_start3A_304 : memref<1x2x50x32xf32, #tpu.memory_space<vmem>> -> memref<2x50x32xf32, #tpu.memory_space<vmem>>
    %dma_start3A_306 = arith.constant 0 : i32
    %dma_start3A_307 = arith.constant 0 : i32
    %dma_start3A_308 = tpu.memref_slice %arg4[%add3A_299, %dma_start3A_306, %dma_start3A_307] : memref<16384x50x32xf32, #tpu.memory_space<hbm>> -> memref<2x50x32xf32, #tpu.memory_space<hbm>>
    %dma_start3A_309 = arith.constant 0 : i32
    %dma_start3A_310 = arith.constant 0 : i32
    %dma_start3A_311 = tpu.memref_slice %arg4[%add3A_299, %dma_start3A_309, %dma_start3A_310] : memref<16384x50x32xf32, #tpu.memory_space<hbm>> -> memref<2x50x32xf32, #tpu.memory_space<hbm>>
    %dma_start3A_312 = arith.constant 0 : i32
    %dma_start3A_313 = arith.constant 0 : i32
    %dma_start3A_314 = arith.constant 0 : i32
    %dma_start3A_315 = tpu.memref_slice %arg6[%dma_start3A_300, %dma_start3A_312, %dma_start3A_313, %dma_start3A_314] : memref<8x2x64x32xf32, #tpu.memory_space<vmem>> -> memref<1x2x50x32xf32, #tpu.memory_space<vmem>>
    %dma_start3A_316 = tpu.memref_squeeze %dma_start3A_315 : memref<1x2x50x32xf32, #tpu.memory_space<vmem>> -> memref<2x50x32xf32, #tpu.memory_space<vmem>>
    tpu.enqueue_dma source(%dma_start3A_316 : memref<2x50x32xf32, #tpu.memory_space<vmem>>) target(%dma_start3A_311 : memref<2x50x32xf32, #tpu.memory_space<hbm>>) target_semaphore(%arg16 : memref<!tpu.dma_semaphore, #tpu.memory_space<semaphore_mem>>)
    %dma_wait3A_317 = arith.constant 2 : i32
    %dma_wait3A_318 = arith.constant 0 : i32
    %dma_wait3A_319 = arith.constant 0 : i32
    %dma_wait3A_320 = arith.constant 0 : i32
    %dma_wait3A_321 = tpu.memref_slice %arg6[%dma_wait3A_317, %dma_wait3A_318, %dma_wait3A_319, %dma_wait3A_320] : memref<8x2x64x32xf32, #tpu.memory_space<vmem>> -> memref<1x1x64x32xf32, #tpu.memory_space<vmem>>
    %dma_wait3A_322 = tpu.memref_squeeze %dma_wait3A_321 : memref<1x1x64x32xf32, #tpu.memory_space<vmem>> -> memref<64x32xf32, #tpu.memory_space<vmem>>
    %dma_wait3A_323 = arith.constant 0 : i32
    %dma_wait3A_324 = arith.constant 0 : i32
    %dma_wait3A_325 = tpu.memref_slice %arg2[%dma_wait3A_323, %dma_wait3A_324] : memref<1000000x32xf32, #tpu.memory_space<hbm>> -> memref<64x32xf32, #tpu.memory_space<hbm>>
    %dma_wait3A_326 = arith.constant 0 : i32
    %dma_wait3A_327 = arith.constant 0 : i32
    %dma_wait3A_328 = tpu.memref_slice %arg6[%dma_wait3A_317, %dma_wait3A_318, %dma_wait3A_326, %dma_wait3A_327] : memref<8x2x64x32xf32, #tpu.memory_space<vmem>> -> memref<1x1x64x32xf32, #tpu.memory_space<vmem>>
    %dma_wait3A_329 = tpu.memref_squeeze %dma_wait3A_328 : memref<1x1x64x32xf32, #tpu.memory_space<vmem>> -> memref<64x32xf32, #tpu.memory_space<vmem>>
    %dma_wait3A_330 = arith.constant 0 : i32
    %dma_wait3A_331 = arith.constant 0 : i32
    %dma_wait3A_332 = tpu.memref_slice %arg2[%dma_wait3A_330, %dma_wait3A_331] : memref<1000000x32xf32, #tpu.memory_space<hbm>> -> memref<64x32xf32, #tpu.memory_space<hbm>>
    tpu.wait_dma2 semaphore(%arg9 : memref<!tpu.dma_semaphore, #tpu.memory_space<semaphore_mem>>) src(%dma_wait3A_332 : memref<64x32xf32, #tpu.memory_space<hbm>>) dst(%dma_wait3A_329 : memref<64x32xf32, #tpu.memory_space<vmem>>)
    %dma_wait3A_333 = arith.constant 2 : i32
    %dma_wait3A_334 = arith.constant 1 : i32
    %dma_wait3A_335 = arith.constant 0 : i32
    %dma_wait3A_336 = arith.constant 0 : i32
    %dma_wait3A_337 = tpu.memref_slice %arg6[%dma_wait3A_333, %dma_wait3A_334, %dma_wait3A_335, %dma_wait3A_336] : memref<8x2x64x32xf32, #tpu.memory_space<vmem>> -> memref<1x1x64x32xf32, #tpu.memory_space<vmem>>
    %dma_wait3A_338 = tpu.memref_squeeze %dma_wait3A_337 : memref<1x1x64x32xf32, #tpu.memory_space<vmem>> -> memref<64x32xf32, #tpu.memory_space<vmem>>
    %dma_wait3A_339 = arith.constant 0 : i32
    %dma_wait3A_340 = arith.constant 0 : i32
    %dma_wait3A_341 = tpu.memref_slice %arg2[%dma_wait3A_339, %dma_wait3A_340] : memref<1000000x32xf32, #tpu.memory_space<hbm>> -> memref<64x32xf32, #tpu.memory_space<hbm>>
    %dma_wait3A_342 = arith.constant 0 : i32
    %dma_wait3A_343 = arith.constant 0 : i32
    %dma_wait3A_344 = tpu.memref_slice %arg6[%dma_wait3A_333, %dma_wait3A_334, %dma_wait3A_342, %dma_wait3A_343] : memref<8x2x64x32xf32, #tpu.memory_space<vmem>> -> memref<1x1x64x32xf32, #tpu.memory_space<vmem>>
    %dma_wait3A_345 = tpu.memref_squeeze %dma_wait3A_344 : memref<1x1x64x32xf32, #tpu.memory_space<vmem>> -> memref<64x32xf32, #tpu.memory_space<vmem>>
    %dma_wait3A_346 = arith.constant 0 : i32
    %dma_wait3A_347 = arith.constant 0 : i32
    %dma_wait3A_348 = tpu.memref_slice %arg2[%dma_wait3A_346, %dma_wait3A_347] : memref<1000000x32xf32, #tpu.memory_space<hbm>> -> memref<64x32xf32, #tpu.memory_space<hbm>>
    tpu.wait_dma2 semaphore(%arg9 : memref<!tpu.dma_semaphore, #tpu.memory_space<semaphore_mem>>) src(%dma_wait3A_348 : memref<64x32xf32, #tpu.memory_space<hbm>>) dst(%dma_wait3A_345 : memref<64x32xf32, #tpu.memory_space<vmem>>)
    %add3A_349 = arith.constant 500 : i32
    %add3A_350 = arith.addi %mul3A_2, %add3A_349 : i32
    %dma_start3A_351 = arith.constant 2 : i32
    %dma_start3A_352 = arith.constant 0 : i32
    %dma_start3A_353 = arith.constant 0 : i32
    %dma_start3A_354 = arith.constant 0 : i32
    %dma_start3A_355 = tpu.memref_slice %arg6[%dma_start3A_351, %dma_start3A_352, %dma_start3A_353, %dma_start3A_354] : memref<8x2x64x32xf32, #tpu.memory_space<vmem>> -> memref<1x2x50x32xf32, #tpu.memory_space<vmem>>
    %dma_start3A_356 = tpu.memref_squeeze %dma_start3A_355 : memref<1x2x50x32xf32, #tpu.memory_space<vmem>> -> memref<2x50x32xf32, #tpu.memory_space<vmem>>
    %dma_start3A_357 = arith.constant 0 : i32
    %dma_start3A_358 = arith.constant 0 : i32
    %dma_start3A_359 = tpu.memref_slice %arg4[%add3A_350, %dma_start3A_357, %dma_start3A_358] : memref<16384x50x32xf32, #tpu.memory_space<hbm>> -> memref<2x50x32xf32, #tpu.memory_space<hbm>>
    %dma_start3A_360 = arith.constant 0 : i32
    %dma_start3A_361 = arith.constant 0 : i32
    %dma_start3A_362 = tpu.memref_slice %arg4[%add3A_350, %dma_start3A_360, %dma_start3A_361] : memref<16384x50x32xf32, #tpu.memory_space<hbm>> -> memref<2x50x32xf32, #tpu.memory_space<hbm>>
    %dma_start3A_363 = arith.constant 0 : i32
    %dma_start3A_364 = arith.constant 0 : i32
    %dma_start3A_365 = arith.constant 0 : i32
    %dma_start3A_366 = tpu.memref_slice %arg6[%dma_start3A_351, %dma_start3A_363, %dma_start3A_364, %dma_start3A_365] : memref<8x2x64x32xf32, #tpu.memory_space<vmem>> -> memref<1x2x50x32xf32, #tpu.memory_space<vmem>>
    %dma_start3A_367 = tpu.memref_squeeze %dma_start3A_366 : memref<1x2x50x32xf32, #tpu.memory_space<vmem>> -> memref<2x50x32xf32, #tpu.memory_space<vmem>>
    tpu.enqueue_dma source(%dma_start3A_367 : memref<2x50x32xf32, #tpu.memory_space<vmem>>) target(%dma_start3A_362 : memref<2x50x32xf32, #tpu.memory_space<hbm>>) target_semaphore(%arg17 : memref<!tpu.dma_semaphore, #tpu.memory_space<semaphore_mem>>)
    %dma_wait3A_368 = arith.constant 3 : i32
    %dma_wait3A_369 = arith.constant 0 : i32
    %dma_wait3A_370 = arith.constant 0 : i32
    %dma_wait3A_371 = arith.constant 0 : i32
    %dma_wait3A_372 = tpu.memref_slice %arg6[%dma_wait3A_368, %dma_wait3A_369, %dma_wait3A_370, %dma_wait3A_371] : memref<8x2x64x32xf32, #tpu.memory_space<vmem>> -> memref<1x1x64x32xf32, #tpu.memory_space<vmem>>
    %dma_wait3A_373 = tpu.memref_squeeze %dma_wait3A_372 : memref<1x1x64x32xf32, #tpu.memory_space<vmem>> -> memref<64x32xf32, #tpu.memory_space<vmem>>
    %dma_wait3A_374 = arith.constant 0 : i32
    %dma_wait3A_375 = arith.constant 0 : i32
    %dma_wait3A_376 = tpu.memref_slice %arg2[%dma_wait3A_374, %dma_wait3A_375] : memref<1000000x32xf32, #tpu.memory_space<hbm>> -> memref<64x32xf32, #tpu.memory_space<hbm>>
    %dma_wait3A_377 = arith.constant 0 : i32
    %dma_wait3A_378 = arith.constant 0 : i32
    %dma_wait3A_379 = tpu.memref_slice %arg6[%dma_wait3A_368, %dma_wait3A_369, %dma_wait3A_377, %dma_wait3A_378] : memref<8x2x64x32xf32, #tpu.memory_space<vmem>> -> memref<1x1x64x32xf32, #tpu.memory_space<vmem>>
    %dma_wait3A_380 = tpu.memref_squeeze %dma_wait3A_379 : memref<1x1x64x32xf32, #tpu.memory_space<vmem>> -> memref<64x32xf32, #tpu.memory_space<vmem>>
    %dma_wait3A_381 = arith.constant 0 : i32
    %dma_wait3A_382 = arith.constant 0 : i32
    %dma_wait3A_383 = tpu.memref_slice %arg2[%dma_wait3A_381, %dma_wait3A_382] : memref<1000000x32xf32, #tpu.memory_space<hbm>> -> memref<64x32xf32, #tpu.memory_space<hbm>>
    tpu.wait_dma2 semaphore(%arg10 : memref<!tpu.dma_semaphore, #tpu.memory_space<semaphore_mem>>) src(%dma_wait3A_383 : memref<64x32xf32, #tpu.memory_space<hbm>>) dst(%dma_wait3A_380 : memref<64x32xf32, #tpu.memory_space<vmem>>)
    %dma_wait3A_384 = arith.constant 3 : i32
    %dma_wait3A_385 = arith.constant 1 : i32
    %dma_wait3A_386 = arith.constant 0 : i32
    %dma_wait3A_387 = arith.constant 0 : i32
    %dma_wait3A_388 = tpu.memref_slice %arg6[%dma_wait3A_384, %dma_wait3A_385, %dma_wait3A_386, %dma_wait3A_387] : memref<8x2x64x32xf32, #tpu.memory_space<vmem>> -> memref<1x1x64x32xf32, #tpu.memory_space<vmem>>
    %dma_wait3A_389 = tpu.memref_squeeze %dma_wait3A_388 : memref<1x1x64x32xf32, #tpu.memory_space<vmem>> -> memref<64x32xf32, #tpu.memory_space<vmem>>
    %dma_wait3A_390 = arith.constant 0 : i32
    %dma_wait3A_391 = arith.constant 0 : i32
    %dma_wait3A_392 = tpu.memref_slice %arg2[%dma_wait3A_390, %dma_wait3A_391] : memref<1000000x32xf32, #tpu.memory_space<hbm>> -> memref<64x32xf32, #tpu.memory_space<hbm>>
    %dma_wait3A_393 = arith.constant 0 : i32
    %dma_wait3A_394 = arith.constant 0 : i32
    %dma_wait3A_395 = tpu.memref_slice %arg6[%dma_wait3A_384, %dma_wait3A_385, %dma_wait3A_393, %dma_wait3A_394] : memref<8x2x64x32xf32, #tpu.memory_space<vmem>> -> memref<1x1x64x32xf32, #tpu.memory_space<vmem>>
    %dma_wait3A_396 = tpu.memref_squeeze %dma_wait3A_395 : memref<1x1x64x32xf32, #tpu.memory_space<vmem>> -> memref<64x32xf32, #tpu.memory_space<vmem>>
    %dma_wait3A_397 = arith.constant 0 : i32
    %dma_wait3A_398 = arith.constant 0 : i32
    %dma_wait3A_399 = tpu.memref_slice %arg2[%dma_wait3A_397, %dma_wait3A_398] : memref<1000000x32xf32, #tpu.memory_space<hbm>> -> memref<64x32xf32, #tpu.memory_space<hbm>>
    tpu.wait_dma2 semaphore(%arg10 : memref<!tpu.dma_semaphore, #tpu.memory_space<semaphore_mem>>) src(%dma_wait3A_399 : memref<64x32xf32, #tpu.memory_space<hbm>>) dst(%dma_wait3A_396 : memref<64x32xf32, #tpu.memory_space<vmem>>)
    %add3A_400 = arith.constant 502 : i32
    %add3A_401 = arith.addi %mul3A_2, %add3A_400 : i32
    %dma_start3A_402 = arith.constant 3 : i32
    %dma_start3A_403 = arith.constant 0 : i32
    %dma_start3A_404 = arith.constant 0 : i32
    %dma_start3A_405 = arith.constant 0 : i32
    %dma_start3A_406 = tpu.memref_slice %arg6[%dma_start3A_402, %dma_start3A_403, %dma_start3A_404, %dma_start3A_405] : memref<8x2x64x32xf32, #tpu.memory_space<vmem>> -> memref<1x2x50x32xf32, #tpu.memory_space<vmem>>
    %dma_start3A_407 = tpu.memref_squeeze %dma_start3A_406 : memref<1x2x50x32xf32, #tpu.memory_space<vmem>> -> memref<2x50x32xf32, #tpu.memory_space<vmem>>
    %dma_start3A_408 = arith.constant 0 : i32
    %dma_start3A_409 = arith.constant 0 : i32
    %dma_start3A_410 = tpu.memref_slice %arg4[%add3A_401, %dma_start3A_408, %dma_start3A_409] : memref<16384x50x32xf32, #tpu.memory_space<hbm>> -> memref<2x50x32xf32, #tpu.memory_space<hbm>>
    %dma_start3A_411 = arith.constant 0 : i32
    %dma_start3A_412 = arith.constant 0 : i32
    %dma_start3A_413 = tpu.memref_slice %arg4[%add3A_401, %dma_start3A_411, %dma_start3A_412] : memref<16384x50x32xf32, #tpu.memory_space<hbm>> -> memref<2x50x32xf32, #tpu.memory_space<hbm>>
    %dma_start3A_414 = arith.constant 0 : i32
    %dma_start3A_415 = arith.constant 0 : i32
    %dma_start3A_416 = arith.constant 0 : i32
    %dma_start3A_417 = tpu.memref_slice %arg6[%dma_start3A_402, %dma_start3A_414, %dma_start3A_415, %dma_start3A_416] : memref<8x2x64x32xf32, #tpu.memory_space<vmem>> -> memref<1x2x50x32xf32, #tpu.memory_space<vmem>>
    %dma_start3A_418 = tpu.memref_squeeze %dma_start3A_417 : memref<1x2x50x32xf32, #tpu.memory_space<vmem>> -> memref<2x50x32xf32, #tpu.memory_space<vmem>>
    tpu.enqueue_dma source(%dma_start3A_418 : memref<2x50x32xf32, #tpu.memory_space<vmem>>) target(%dma_start3A_413 : memref<2x50x32xf32, #tpu.memory_space<hbm>>) target_semaphore(%arg18 : memref<!tpu.dma_semaphore, #tpu.memory_space<semaphore_mem>>)
    %dma_wait3A_419 = arith.constant 4 : i32
    %dma_wait3A_420 = arith.constant 0 : i32
    %dma_wait3A_421 = arith.constant 0 : i32
    %dma_wait3A_422 = arith.constant 0 : i32
    %dma_wait3A_423 = tpu.memref_slice %arg6[%dma_wait3A_419, %dma_wait3A_420, %dma_wait3A_421, %dma_wait3A_422] : memref<8x2x64x32xf32, #tpu.memory_space<vmem>> -> memref<1x1x64x32xf32, #tpu.memory_space<vmem>>
    %dma_wait3A_424 = tpu.memref_squeeze %dma_wait3A_423 : memref<1x1x64x32xf32, #tpu.memory_space<vmem>> -> memref<64x32xf32, #tpu.memory_space<vmem>>
    %dma_wait3A_425 = arith.constant 0 : i32
    %dma_wait3A_426 = arith.constant 0 : i32
    %dma_wait3A_427 = tpu.memref_slice %arg2[%dma_wait3A_425, %dma_wait3A_426] : memref<1000000x32xf32, #tpu.memory_space<hbm>> -> memref<64x32xf32, #tpu.memory_space<hbm>>
    %dma_wait3A_428 = arith.constant 0 : i32
    %dma_wait3A_429 = arith.constant 0 : i32
    %dma_wait3A_430 = tpu.memref_slice %arg6[%dma_wait3A_419, %dma_wait3A_420, %dma_wait3A_428, %dma_wait3A_429] : memref<8x2x64x32xf32, #tpu.memory_space<vmem>> -> memref<1x1x64x32xf32, #tpu.memory_space<vmem>>
    %dma_wait3A_431 = tpu.memref_squeeze %dma_wait3A_430 : memref<1x1x64x32xf32, #tpu.memory_space<vmem>> -> memref<64x32xf32, #tpu.memory_space<vmem>>
    %dma_wait3A_432 = arith.constant 0 : i32
    %dma_wait3A_433 = arith.constant 0 : i32
    %dma_wait3A_434 = tpu.memref_slice %arg2[%dma_wait3A_432, %dma_wait3A_433] : memref<1000000x32xf32, #tpu.memory_space<hbm>> -> memref<64x32xf32, #tpu.memory_space<hbm>>
    tpu.wait_dma2 semaphore(%arg11 : memref<!tpu.dma_semaphore, #tpu.memory_space<semaphore_mem>>) src(%dma_wait3A_434 : memref<64x32xf32, #tpu.memory_space<hbm>>) dst(%dma_wait3A_431 : memref<64x32xf32, #tpu.memory_space<vmem>>)
    %dma_wait3A_435 = arith.constant 4 : i32
    %dma_wait3A_436 = arith.constant 1 : i32
    %dma_wait3A_437 = arith.constant 0 : i32
    %dma_wait3A_438 = arith.constant 0 : i32
    %dma_wait3A_439 = tpu.memref_slice %arg6[%dma_wait3A_435, %dma_wait3A_436, %dma_wait3A_437, %dma_wait3A_438] : memref<8x2x64x32xf32, #tpu.memory_space<vmem>> -> memref<1x1x64x32xf32, #tpu.memory_space<vmem>>
    %dma_wait3A_440 = tpu.memref_squeeze %dma_wait3A_439 : memref<1x1x64x32xf32, #tpu.memory_space<vmem>> -> memref<64x32xf32, #tpu.memory_space<vmem>>
    %dma_wait3A_441 = arith.constant 0 : i32
    %dma_wait3A_442 = arith.constant 0 : i32
    %dma_wait3A_443 = tpu.memref_slice %arg2[%dma_wait3A_441, %dma_wait3A_442] : memref<1000000x32xf32, #tpu.memory_space<hbm>> -> memref<64x32xf32, #tpu.memory_space<hbm>>
    %dma_wait3A_444 = arith.constant 0 : i32
    %dma_wait3A_445 = arith.constant 0 : i32
    %dma_wait3A_446 = tpu.memref_slice %arg6[%dma_wait3A_435, %dma_wait3A_436, %dma_wait3A_444, %dma_wait3A_445] : memref<8x2x64x32xf32, #tpu.memory_space<vmem>> -> memref<1x1x64x32xf32, #tpu.memory_space<vmem>>
    %dma_wait3A_447 = tpu.memref_squeeze %dma_wait3A_446 : memref<1x1x64x32xf32, #tpu.memory_space<vmem>> -> memref<64x32xf32, #tpu.memory_space<vmem>>
    %dma_wait3A_448 = arith.constant 0 : i32
    %dma_wait3A_449 = arith.constant 0 : i32
    %dma_wait3A_450 = tpu.memref_slice %arg2[%dma_wait3A_448, %dma_wait3A_449] : memref<1000000x32xf32, #tpu.memory_space<hbm>> -> memref<64x32xf32, #tpu.memory_space<hbm>>
    tpu.wait_dma2 semaphore(%arg11 : memref<!tpu.dma_semaphore, #tpu.memory_space<semaphore_mem>>) src(%dma_wait3A_450 : memref<64x32xf32, #tpu.memory_space<hbm>>) dst(%dma_wait3A_447 : memref<64x32xf32, #tpu.memory_space<vmem>>)
    %add3A_451 = arith.constant 504 : i32
    %add3A_452 = arith.addi %mul3A_2, %add3A_451 : i32
    %dma_start3A_453 = arith.constant 4 : i32
    %dma_start3A_454 = arith.constant 0 : i32
    %dma_start3A_455 = arith.constant 0 : i32
    %dma_start3A_456 = arith.constant 0 : i32
    %dma_start3A_457 = tpu.memref_slice %arg6[%dma_start3A_453, %dma_start3A_454, %dma_start3A_455, %dma_start3A_456] : memref<8x2x64x32xf32, #tpu.memory_space<vmem>> -> memref<1x2x50x32xf32, #tpu.memory_space<vmem>>
    %dma_start3A_458 = tpu.memref_squeeze %dma_start3A_457 : memref<1x2x50x32xf32, #tpu.memory_space<vmem>> -> memref<2x50x32xf32, #tpu.memory_space<vmem>>
    %dma_start3A_459 = arith.constant 0 : i32
    %dma_start3A_460 = arith.constant 0 : i32
    %dma_start3A_461 = tpu.memref_slice %arg4[%add3A_452, %dma_start3A_459, %dma_start3A_460] : memref<16384x50x32xf32, #tpu.memory_space<hbm>> -> memref<2x50x32xf32, #tpu.memory_space<hbm>>
    %dma_start3A_462 = arith.constant 0 : i32
    %dma_start3A_463 = arith.constant 0 : i32
    %dma_start3A_464 = tpu.memref_slice %arg4[%add3A_452, %dma_start3A_462, %dma_start3A_463] : memref<16384x50x32xf32, #tpu.memory_space<hbm>> -> memref<2x50x32xf32, #tpu.memory_space<hbm>>
    %dma_start3A_465 = arith.constant 0 : i32
    %dma_start3A_466 = arith.constant 0 : i32
    %dma_start3A_467 = arith.constant 0 : i32
    %dma_start3A_468 = tpu.memref_slice %arg6[%dma_start3A_453, %dma_start3A_465, %dma_start3A_466, %dma_start3A_467] : memref<8x2x64x32xf32, #tpu.memory_space<vmem>> -> memref<1x2x50x32xf32, #tpu.memory_space<vmem>>
    %dma_start3A_469 = tpu.memref_squeeze %dma_start3A_468 : memref<1x2x50x32xf32, #tpu.memory_space<vmem>> -> memref<2x50x32xf32, #tpu.memory_space<vmem>>
    tpu.enqueue_dma source(%dma_start3A_469 : memref<2x50x32xf32, #tpu.memory_space<vmem>>) target(%dma_start3A_464 : memref<2x50x32xf32, #tpu.memory_space<hbm>>) target_semaphore(%arg19 : memref<!tpu.dma_semaphore, #tpu.memory_space<semaphore_mem>>)
    %dma_wait3A_470 = arith.constant 5 : i32
    %dma_wait3A_471 = arith.constant 0 : i32
    %dma_wait3A_472 = arith.constant 0 : i32
    %dma_wait3A_473 = arith.constant 0 : i32
    %dma_wait3A_474 = tpu.memref_slice %arg6[%dma_wait3A_470, %dma_wait3A_471, %dma_wait3A_472, %dma_wait3A_473] : memref<8x2x64x32xf32, #tpu.memory_space<vmem>> -> memref<1x1x64x32xf32, #tpu.memory_space<vmem>>
    %dma_wait3A_475 = tpu.memref_squeeze %dma_wait3A_474 : memref<1x1x64x32xf32, #tpu.memory_space<vmem>> -> memref<64x32xf32, #tpu.memory_space<vmem>>
    %dma_wait3A_476 = arith.constant 0 : i32
    %dma_wait3A_477 = arith.constant 0 : i32
    %dma_wait3A_478 = tpu.memref_slice %arg2[%dma_wait3A_476, %dma_wait3A_477] : memref<1000000x32xf32, #tpu.memory_space<hbm>> -> memref<64x32xf32, #tpu.memory_space<hbm>>
    %dma_wait3A_479 = arith.constant 0 : i32
    %dma_wait3A_480 = arith.constant 0 : i32
    %dma_wait3A_481 = tpu.memref_slice %arg6[%dma_wait3A_470, %dma_wait3A_471, %dma_wait3A_479, %dma_wait3A_480] : memref<8x2x64x32xf32, #tpu.memory_space<vmem>> -> memref<1x1x64x32xf32, #tpu.memory_space<vmem>>
    %dma_wait3A_482 = tpu.memref_squeeze %dma_wait3A_481 : memref<1x1x64x32xf32, #tpu.memory_space<vmem>> -> memref<64x32xf32, #tpu.memory_space<vmem>>
    %dma_wait3A_483 = arith.constant 0 : i32
    %dma_wait3A_484 = arith.constant 0 : i32
    %dma_wait3A_485 = tpu.memref_slice %arg2[%dma_wait3A_483, %dma_wait3A_484] : memref<1000000x32xf32, #tpu.memory_space<hbm>> -> memref<64x32xf32, #tpu.memory_space<hbm>>
    tpu.wait_dma2 semaphore(%arg12 : memref<!tpu.dma_semaphore, #tpu.memory_space<semaphore_mem>>) src(%dma_wait3A_485 : memref<64x32xf32, #tpu.memory_space<hbm>>) dst(%dma_wait3A_482 : memref<64x32xf32, #tpu.memory_space<vmem>>)
    %dma_wait3A_486 = arith.constant 5 : i32
    %dma_wait3A_487 = arith.constant 1 : i32
    %dma_wait3A_488 = arith.constant 0 : i32
    %dma_wait3A_489 = arith.constant 0 : i32
    %dma_wait3A_490 = tpu.memref_slice %arg6[%dma_wait3A_486, %dma_wait3A_487, %dma_wait3A_488, %dma_wait3A_489] : memref<8x2x64x32xf32, #tpu.memory_space<vmem>> -> memref<1x1x64x32xf32, #tpu.memory_space<vmem>>
    %dma_wait3A_491 = tpu.memref_squeeze %dma_wait3A_490 : memref<1x1x64x32xf32, #tpu.memory_space<vmem>> -> memref<64x32xf32, #tpu.memory_space<vmem>>
    %dma_wait3A_492 = arith.constant 0 : i32
    %dma_wait3A_493 = arith.constant 0 : i32
    %dma_wait3A_494 = tpu.memref_slice %arg2[%dma_wait3A_492, %dma_wait3A_493] : memref<1000000x32xf32, #tpu.memory_space<hbm>> -> memref<64x32xf32, #tpu.memory_space<hbm>>
    %dma_wait3A_495 = arith.constant 0 : i32
    %dma_wait3A_496 = arith.constant 0 : i32
    %dma_wait3A_497 = tpu.memref_slice %arg6[%dma_wait3A_486, %dma_wait3A_487, %dma_wait3A_495, %dma_wait3A_496] : memref<8x2x64x32xf32, #tpu.memory_space<vmem>> -> memref<1x1x64x32xf32, #tpu.memory_space<vmem>>
    %dma_wait3A_498 = tpu.memref_squeeze %dma_wait3A_497 : memref<1x1x64x32xf32, #tpu.memory_space<vmem>> -> memref<64x32xf32, #tpu.memory_space<vmem>>
    %dma_wait3A_499 = arith.constant 0 : i32
    %dma_wait3A_500 = arith.constant 0 : i32
    %dma_wait3A_501 = tpu.memref_slice %arg2[%dma_wait3A_499, %dma_wait3A_500] : memref<1000000x32xf32, #tpu.memory_space<hbm>> -> memref<64x32xf32, #tpu.memory_space<hbm>>
    tpu.wait_dma2 semaphore(%arg12 : memref<!tpu.dma_semaphore, #tpu.memory_space<semaphore_mem>>) src(%dma_wait3A_501 : memref<64x32xf32, #tpu.memory_space<hbm>>) dst(%dma_wait3A_498 : memref<64x32xf32, #tpu.memory_space<vmem>>)
    %add3A_502 = arith.constant 506 : i32
    %add3A_503 = arith.addi %mul3A_2, %add3A_502 : i32
    %dma_start3A_504 = arith.constant 5 : i32
    %dma_start3A_505 = arith.constant 0 : i32
    %dma_start3A_506 = arith.constant 0 : i32
    %dma_start3A_507 = arith.constant 0 : i32
    %dma_start3A_508 = tpu.memref_slice %arg6[%dma_start3A_504, %dma_start3A_505, %dma_start3A_506, %dma_start3A_507] : memref<8x2x64x32xf32, #tpu.memory_space<vmem>> -> memref<1x2x50x32xf32, #tpu.memory_space<vmem>>
    %dma_start3A_509 = tpu.memref_squeeze %dma_start3A_508 : memref<1x2x50x32xf32, #tpu.memory_space<vmem>> -> memref<2x50x32xf32, #tpu.memory_space<vmem>>
    %dma_start3A_510 = arith.constant 0 : i32
    %dma_start3A_511 = arith.constant 0 : i32
    %dma_start3A_512 = tpu.memref_slice %arg4[%add3A_503, %dma_start3A_510, %dma_start3A_511] : memref<16384x50x32xf32, #tpu.memory_space<hbm>> -> memref<2x50x32xf32, #tpu.memory_space<hbm>>
    %dma_start3A_513 = arith.constant 0 : i32
    %dma_start3A_514 = arith.constant 0 : i32
    %dma_start3A_515 = tpu.memref_slice %arg4[%add3A_503, %dma_start3A_513, %dma_start3A_514] : memref<16384x50x32xf32, #tpu.memory_space<hbm>> -> memref<2x50x32xf32, #tpu.memory_space<hbm>>
    %dma_start3A_516 = arith.constant 0 : i32
    %dma_start3A_517 = arith.constant 0 : i32
    %dma_start3A_518 = arith.constant 0 : i32
    %dma_start3A_519 = tpu.memref_slice %arg6[%dma_start3A_504, %dma_start3A_516, %dma_start3A_517, %dma_start3A_518] : memref<8x2x64x32xf32, #tpu.memory_space<vmem>> -> memref<1x2x50x32xf32, #tpu.memory_space<vmem>>
    %dma_start3A_520 = tpu.memref_squeeze %dma_start3A_519 : memref<1x2x50x32xf32, #tpu.memory_space<vmem>> -> memref<2x50x32xf32, #tpu.memory_space<vmem>>
    tpu.enqueue_dma source(%dma_start3A_520 : memref<2x50x32xf32, #tpu.memory_space<vmem>>) target(%dma_start3A_515 : memref<2x50x32xf32, #tpu.memory_space<hbm>>) target_semaphore(%arg20 : memref<!tpu.dma_semaphore, #tpu.memory_space<semaphore_mem>>)
    %dma_wait3A_521 = arith.constant 6 : i32
    %dma_wait3A_522 = arith.constant 0 : i32
    %dma_wait3A_523 = arith.constant 0 : i32
    %dma_wait3A_524 = arith.constant 0 : i32
    %dma_wait3A_525 = tpu.memref_slice %arg6[%dma_wait3A_521, %dma_wait3A_522, %dma_wait3A_523, %dma_wait3A_524] : memref<8x2x64x32xf32, #tpu.memory_space<vmem>> -> memref<1x1x64x32xf32, #tpu.memory_space<vmem>>
    %dma_wait3A_526 = tpu.memref_squeeze %dma_wait3A_525 : memref<1x1x64x32xf32, #tpu.memory_space<vmem>> -> memref<64x32xf32, #tpu.memory_space<vmem>>
    %dma_wait3A_527 = arith.constant 0 : i32
    %dma_wait3A_528 = arith.constant 0 : i32
    %dma_wait3A_529 = tpu.memref_slice %arg2[%dma_wait3A_527, %dma_wait3A_528] : memref<1000000x32xf32, #tpu.memory_space<hbm>> -> memref<64x32xf32, #tpu.memory_space<hbm>>
    %dma_wait3A_530 = arith.constant 0 : i32
    %dma_wait3A_531 = arith.constant 0 : i32
    %dma_wait3A_532 = tpu.memref_slice %arg6[%dma_wait3A_521, %dma_wait3A_522, %dma_wait3A_530, %dma_wait3A_531] : memref<8x2x64x32xf32, #tpu.memory_space<vmem>> -> memref<1x1x64x32xf32, #tpu.memory_space<vmem>>
    %dma_wait3A_533 = tpu.memref_squeeze %dma_wait3A_532 : memref<1x1x64x32xf32, #tpu.memory_space<vmem>> -> memref<64x32xf32, #tpu.memory_space<vmem>>
    %dma_wait3A_534 = arith.constant 0 : i32
    %dma_wait3A_535 = arith.constant 0 : i32
    %dma_wait3A_536 = tpu.memref_slice %arg2[%dma_wait3A_534, %dma_wait3A_535] : memref<1000000x32xf32, #tpu.memory_space<hbm>> -> memref<64x32xf32, #tpu.memory_space<hbm>>
    tpu.wait_dma2 semaphore(%arg13 : memref<!tpu.dma_semaphore, #tpu.memory_space<semaphore_mem>>) src(%dma_wait3A_536 : memref<64x32xf32, #tpu.memory_space<hbm>>) dst(%dma_wait3A_533 : memref<64x32xf32, #tpu.memory_space<vmem>>)
    %dma_wait3A_537 = arith.constant 6 : i32
    %dma_wait3A_538 = arith.constant 1 : i32
    %dma_wait3A_539 = arith.constant 0 : i32
    %dma_wait3A_540 = arith.constant 0 : i32
    %dma_wait3A_541 = tpu.memref_slice %arg6[%dma_wait3A_537, %dma_wait3A_538, %dma_wait3A_539, %dma_wait3A_540] : memref<8x2x64x32xf32, #tpu.memory_space<vmem>> -> memref<1x1x64x32xf32, #tpu.memory_space<vmem>>
    %dma_wait3A_542 = tpu.memref_squeeze %dma_wait3A_541 : memref<1x1x64x32xf32, #tpu.memory_space<vmem>> -> memref<64x32xf32, #tpu.memory_space<vmem>>
    %dma_wait3A_543 = arith.constant 0 : i32
    %dma_wait3A_544 = arith.constant 0 : i32
    %dma_wait3A_545 = tpu.memref_slice %arg2[%dma_wait3A_543, %dma_wait3A_544] : memref<1000000x32xf32, #tpu.memory_space<hbm>> -> memref<64x32xf32, #tpu.memory_space<hbm>>
    %dma_wait3A_546 = arith.constant 0 : i32
    %dma_wait3A_547 = arith.constant 0 : i32
    %dma_wait3A_548 = tpu.memref_slice %arg6[%dma_wait3A_537, %dma_wait3A_538, %dma_wait3A_546, %dma_wait3A_547] : memref<8x2x64x32xf32, #tpu.memory_space<vmem>> -> memref<1x1x64x32xf32, #tpu.memory_space<vmem>>
    %dma_wait3A_549 = tpu.memref_squeeze %dma_wait3A_548 : memref<1x1x64x32xf32, #tpu.memory_space<vmem>> -> memref<64x32xf32, #tpu.memory_space<vmem>>
    %dma_wait3A_550 = arith.constant 0 : i32
    %dma_wait3A_551 = arith.constant 0 : i32
    %dma_wait3A_552 = tpu.memref_slice %arg2[%dma_wait3A_550, %dma_wait3A_551] : memref<1000000x32xf32, #tpu.memory_space<hbm>> -> memref<64x32xf32, #tpu.memory_space<hbm>>
    tpu.wait_dma2 semaphore(%arg13 : memref<!tpu.dma_semaphore, #tpu.memory_space<semaphore_mem>>) src(%dma_wait3A_552 : memref<64x32xf32, #tpu.memory_space<hbm>>) dst(%dma_wait3A_549 : memref<64x32xf32, #tpu.memory_space<vmem>>)
    %add3A_553 = arith.constant 508 : i32
    %add3A_554 = arith.addi %mul3A_2, %add3A_553 : i32
    %dma_start3A_555 = arith.constant 6 : i32
    %dma_start3A_556 = arith.constant 0 : i32
    %dma_start3A_557 = arith.constant 0 : i32
    %dma_start3A_558 = arith.constant 0 : i32
    %dma_start3A_559 = tpu.memref_slice %arg6[%dma_start3A_555, %dma_start3A_556, %dma_start3A_557, %dma_start3A_558] : memref<8x2x64x32xf32, #tpu.memory_space<vmem>> -> memref<1x2x50x32xf32, #tpu.memory_space<vmem>>
    %dma_start3A_560 = tpu.memref_squeeze %dma_start3A_559 : memref<1x2x50x32xf32, #tpu.memory_space<vmem>> -> memref<2x50x32xf32, #tpu.memory_space<vmem>>
    %dma_start3A_561 = arith.constant 0 : i32
    %dma_start3A_562 = arith.constant 0 : i32
    %dma_start3A_563 = tpu.memref_slice %arg4[%add3A_554, %dma_start3A_561, %dma_start3A_562] : memref<16384x50x32xf32, #tpu.memory_space<hbm>> -> memref<2x50x32xf32, #tpu.memory_space<hbm>>
    %dma_start3A_564 = arith.constant 0 : i32
    %dma_start3A_565 = arith.constant 0 : i32
    %dma_start3A_566 = tpu.memref_slice %arg4[%add3A_554, %dma_start3A_564, %dma_start3A_565] : memref<16384x50x32xf32, #tpu.memory_space<hbm>> -> memref<2x50x32xf32, #tpu.memory_space<hbm>>
    %dma_start3A_567 = arith.constant 0 : i32
    %dma_start3A_568 = arith.constant 0 : i32
    %dma_start3A_569 = arith.constant 0 : i32
    %dma_start3A_570 = tpu.memref_slice %arg6[%dma_start3A_555, %dma_start3A_567, %dma_start3A_568, %dma_start3A_569] : memref<8x2x64x32xf32, #tpu.memory_space<vmem>> -> memref<1x2x50x32xf32, #tpu.memory_space<vmem>>
    %dma_start3A_571 = tpu.memref_squeeze %dma_start3A_570 : memref<1x2x50x32xf32, #tpu.memory_space<vmem>> -> memref<2x50x32xf32, #tpu.memory_space<vmem>>
    tpu.enqueue_dma source(%dma_start3A_571 : memref<2x50x32xf32, #tpu.memory_space<vmem>>) target(%dma_start3A_566 : memref<2x50x32xf32, #tpu.memory_space<hbm>>) target_semaphore(%arg21 : memref<!tpu.dma_semaphore, #tpu.memory_space<semaphore_mem>>)
    %dma_wait3A_572 = arith.constant 7 : i32
    %dma_wait3A_573 = arith.constant 0 : i32
    %dma_wait3A_574 = arith.constant 0 : i32
    %dma_wait3A_575 = arith.constant 0 : i32
    %dma_wait3A_576 = tpu.memref_slice %arg6[%dma_wait3A_572, %dma_wait3A_573, %dma_wait3A_574, %dma_wait3A_575] : memref<8x2x64x32xf32, #tpu.memory_space<vmem>> -> memref<1x1x64x32xf32, #tpu.memory_space<vmem>>
    %dma_wait3A_577 = tpu.memref_squeeze %dma_wait3A_576 : memref<1x1x64x32xf32, #tpu.memory_space<vmem>> -> memref<64x32xf32, #tpu.memory_space<vmem>>
    %dma_wait3A_578 = arith.constant 0 : i32
    %dma_wait3A_579 = arith.constant 0 : i32
    %dma_wait3A_580 = tpu.memref_slice %arg2[%dma_wait3A_578, %dma_wait3A_579] : memref<1000000x32xf32, #tpu.memory_space<hbm>> -> memref<64x32xf32, #tpu.memory_space<hbm>>
    %dma_wait3A_581 = arith.constant 0 : i32
    %dma_wait3A_582 = arith.constant 0 : i32
    %dma_wait3A_583 = tpu.memref_slice %arg6[%dma_wait3A_572, %dma_wait3A_573, %dma_wait3A_581, %dma_wait3A_582] : memref<8x2x64x32xf32, #tpu.memory_space<vmem>> -> memref<1x1x64x32xf32, #tpu.memory_space<vmem>>
    %dma_wait3A_584 = tpu.memref_squeeze %dma_wait3A_583 : memref<1x1x64x32xf32, #tpu.memory_space<vmem>> -> memref<64x32xf32, #tpu.memory_space<vmem>>
    %dma_wait3A_585 = arith.constant 0 : i32
    %dma_wait3A_586 = arith.constant 0 : i32
    %dma_wait3A_587 = tpu.memref_slice %arg2[%dma_wait3A_585, %dma_wait3A_586] : memref<1000000x32xf32, #tpu.memory_space<hbm>> -> memref<64x32xf32, #tpu.memory_space<hbm>>
    tpu.wait_dma2 semaphore(%arg14 : memref<!tpu.dma_semaphore, #tpu.memory_space<semaphore_mem>>) src(%dma_wait3A_587 : memref<64x32xf32, #tpu.memory_space<hbm>>) dst(%dma_wait3A_584 : memref<64x32xf32, #tpu.memory_space<vmem>>)
    %dma_wait3A_588 = arith.constant 7 : i32
    %dma_wait3A_589 = arith.constant 1 : i32
    %dma_wait3A_590 = arith.constant 0 : i32
    %dma_wait3A_591 = arith.constant 0 : i32
    %dma_wait3A_592 = tpu.memref_slice %arg6[%dma_wait3A_588, %dma_wait3A_589, %dma_wait3A_590, %dma_wait3A_591] : memref<8x2x64x32xf32, #tpu.memory_space<vmem>> -> memref<1x1x64x32xf32, #tpu.memory_space<vmem>>
    %dma_wait3A_593 = tpu.memref_squeeze %dma_wait3A_592 : memref<1x1x64x32xf32, #tpu.memory_space<vmem>> -> memref<64x32xf32, #tpu.memory_space<vmem>>
    %dma_wait3A_594 = arith.constant 0 : i32
    %dma_wait3A_595 = arith.constant 0 : i32
    %dma_wait3A_596 = tpu.memref_slice %arg2[%dma_wait3A_594, %dma_wait3A_595] : memref<1000000x32xf32, #tpu.memory_space<hbm>> -> memref<64x32xf32, #tpu.memory_space<hbm>>
    %dma_wait3A_597 = arith.constant 0 : i32
    %dma_wait3A_598 = arith.constant 0 : i32
    %dma_wait3A_599 = tpu.memref_slice %arg6[%dma_wait3A_588, %dma_wait3A_589, %dma_wait3A_597, %dma_wait3A_598] : memref<8x2x64x32xf32, #tpu.memory_space<vmem>> -> memref<1x1x64x32xf32, #tpu.memory_space<vmem>>
    %dma_wait3A_600 = tpu.memref_squeeze %dma_wait3A_599 : memref<1x1x64x32xf32, #tpu.memory_space<vmem>> -> memref<64x32xf32, #tpu.memory_space<vmem>>
    %dma_wait3A_601 = arith.constant 0 : i32
    %dma_wait3A_602 = arith.constant 0 : i32
    %dma_wait3A_603 = tpu.memref_slice %arg2[%dma_wait3A_601, %dma_wait3A_602] : memref<1000000x32xf32, #tpu.memory_space<hbm>> -> memref<64x32xf32, #tpu.memory_space<hbm>>
    tpu.wait_dma2 semaphore(%arg14 : memref<!tpu.dma_semaphore, #tpu.memory_space<semaphore_mem>>) src(%dma_wait3A_603 : memref<64x32xf32, #tpu.memory_space<hbm>>) dst(%dma_wait3A_600 : memref<64x32xf32, #tpu.memory_space<vmem>>)
    %add3A_604 = arith.constant 510 : i32
    %add3A_605 = arith.addi %mul3A_2, %add3A_604 : i32
    %dma_start3A_606 = arith.constant 7 : i32
    %dma_start3A_607 = arith.constant 0 : i32
    %dma_start3A_608 = arith.constant 0 : i32
    %dma_start3A_609 = arith.constant 0 : i32
    %dma_start3A_610 = tpu.memref_slice %arg6[%dma_start3A_606, %dma_start3A_607, %dma_start3A_608, %dma_start3A_609] : memref<8x2x64x32xf32, #tpu.memory_space<vmem>> -> memref<1x2x50x32xf32, #tpu.memory_space<vmem>>
    %dma_start3A_611 = tpu.memref_squeeze %dma_start3A_610 : memref<1x2x50x32xf32, #tpu.memory_space<vmem>> -> memref<2x50x32xf32, #tpu.memory_space<vmem>>
    %dma_start3A_612 = arith.constant 0 : i32
    %dma_start3A_613 = arith.constant 0 : i32
    %dma_start3A_614 = tpu.memref_slice %arg4[%add3A_605, %dma_start3A_612, %dma_start3A_613] : memref<16384x50x32xf32, #tpu.memory_space<hbm>> -> memref<2x50x32xf32, #tpu.memory_space<hbm>>
    %dma_start3A_615 = arith.constant 0 : i32
    %dma_start3A_616 = arith.constant 0 : i32
    %dma_start3A_617 = tpu.memref_slice %arg4[%add3A_605, %dma_start3A_615, %dma_start3A_616] : memref<16384x50x32xf32, #tpu.memory_space<hbm>> -> memref<2x50x32xf32, #tpu.memory_space<hbm>>
    %dma_start3A_618 = arith.constant 0 : i32
    %dma_start3A_619 = arith.constant 0 : i32
    %dma_start3A_620 = arith.constant 0 : i32
    %dma_start3A_621 = tpu.memref_slice %arg6[%dma_start3A_606, %dma_start3A_618, %dma_start3A_619, %dma_start3A_620] : memref<8x2x64x32xf32, #tpu.memory_space<vmem>> -> memref<1x2x50x32xf32, #tpu.memory_space<vmem>>
    %dma_start3A_622 = tpu.memref_squeeze %dma_start3A_621 : memref<1x2x50x32xf32, #tpu.memory_space<vmem>> -> memref<2x50x32xf32, #tpu.memory_space<vmem>>
    tpu.enqueue_dma source(%dma_start3A_622 : memref<2x50x32xf32, #tpu.memory_space<vmem>>) target(%dma_start3A_617 : memref<2x50x32xf32, #tpu.memory_space<hbm>>) target_semaphore(%arg22 : memref<!tpu.dma_semaphore, #tpu.memory_space<semaphore_mem>>)
    %dma_wait3A_623 = arith.constant 0 : i32
    %dma_wait3A_624 = arith.constant 0 : i32
    %dma_wait3A_625 = arith.constant 0 : i32
    %dma_wait3A_626 = arith.constant 0 : i32
    %dma_wait3A_627 = tpu.memref_slice %arg6[%dma_wait3A_623, %dma_wait3A_624, %dma_wait3A_625, %dma_wait3A_626] : memref<8x2x64x32xf32, #tpu.memory_space<vmem>> -> memref<1x2x50x32xf32, #tpu.memory_space<vmem>>
    %dma_wait3A_628 = tpu.memref_squeeze %dma_wait3A_627 : memref<1x2x50x32xf32, #tpu.memory_space<vmem>> -> memref<2x50x32xf32, #tpu.memory_space<vmem>>
    %dma_wait3A_629 = arith.constant 0 : i32
    %dma_wait3A_630 = arith.constant 0 : i32
    %dma_wait3A_631 = arith.constant 0 : i32
    %dma_wait3A_632 = tpu.memref_slice %arg4[%dma_wait3A_629, %dma_wait3A_630, %dma_wait3A_631] : memref<16384x50x32xf32, #tpu.memory_space<hbm>> -> memref<2x50x32xf32, #tpu.memory_space<hbm>>
    %dma_wait3A_633 = arith.constant 0 : i32
    %dma_wait3A_634 = arith.constant 0 : i32
    %dma_wait3A_635 = arith.constant 0 : i32
    %dma_wait3A_636 = tpu.memref_slice %arg4[%dma_wait3A_633, %dma_wait3A_634, %dma_wait3A_635] : memref<16384x50x32xf32, #tpu.memory_space<hbm>> -> memref<2x50x32xf32, #tpu.memory_space<hbm>>
    %dma_wait3A_637 = arith.constant 0 : i32
    %dma_wait3A_638 = arith.constant 0 : i32
    %dma_wait3A_639 = arith.constant 0 : i32
    %dma_wait3A_640 = tpu.memref_slice %arg6[%dma_wait3A_623, %dma_wait3A_637, %dma_wait3A_638, %dma_wait3A_639] : memref<8x2x64x32xf32, #tpu.memory_space<vmem>> -> memref<1x2x50x32xf32, #tpu.memory_space<vmem>>
    %dma_wait3A_641 = tpu.memref_squeeze %dma_wait3A_640 : memref<1x2x50x32xf32, #tpu.memory_space<vmem>> -> memref<2x50x32xf32, #tpu.memory_space<vmem>>
    tpu.wait_dma2 semaphore(%arg15 : memref<!tpu.dma_semaphore, #tpu.memory_space<semaphore_mem>>) src(%dma_wait3A_641 : memref<2x50x32xf32, #tpu.memory_space<vmem>>) dst(%dma_wait3A_636 : memref<2x50x32xf32, #tpu.memory_space<hbm>>)
    %dma_wait3A_642 = arith.constant 1 : i32
    %dma_wait3A_643 = arith.constant 0 : i32
    %dma_wait3A_644 = arith.constant 0 : i32
    %dma_wait3A_645 = arith.constant 0 : i32
    %dma_wait3A_646 = tpu.memref_slice %arg6[%dma_wait3A_642, %dma_wait3A_643, %dma_wait3A_644, %dma_wait3A_645] : memref<8x2x64x32xf32, #tpu.memory_space<vmem>> -> memref<1x2x50x32xf32, #tpu.memory_space<vmem>>
    %dma_wait3A_647 = tpu.memref_squeeze %dma_wait3A_646 : memref<1x2x50x32xf32, #tpu.memory_space<vmem>> -> memref<2x50x32xf32, #tpu.memory_space<vmem>>
    %dma_wait3A_648 = arith.constant 0 : i32
    %dma_wait3A_649 = arith.constant 0 : i32
    %dma_wait3A_650 = arith.constant 0 : i32
    %dma_wait3A_651 = tpu.memref_slice %arg4[%dma_wait3A_648, %dma_wait3A_649, %dma_wait3A_650] : memref<16384x50x32xf32, #tpu.memory_space<hbm>> -> memref<2x50x32xf32, #tpu.memory_space<hbm>>
    %dma_wait3A_652 = arith.constant 0 : i32
    %dma_wait3A_653 = arith.constant 0 : i32
    %dma_wait3A_654 = arith.constant 0 : i32
    %dma_wait3A_655 = tpu.memref_slice %arg4[%dma_wait3A_652, %dma_wait3A_653, %dma_wait3A_654] : memref<16384x50x32xf32, #tpu.memory_space<hbm>> -> memref<2x50x32xf32, #tpu.memory_space<hbm>>
    %dma_wait3A_656 = arith.constant 0 : i32
    %dma_wait3A_657 = arith.constant 0 : i32
    %dma_wait3A_658 = arith.constant 0 : i32
    %dma_wait3A_659 = tpu.memref_slice %arg6[%dma_wait3A_642, %dma_wait3A_656, %dma_wait3A_657, %dma_wait3A_658] : memref<8x2x64x32xf32, #tpu.memory_space<vmem>> -> memref<1x2x50x32xf32, #tpu.memory_space<vmem>>
    %dma_wait3A_660 = tpu.memref_squeeze %dma_wait3A_659 : memref<1x2x50x32xf32, #tpu.memory_space<vmem>> -> memref<2x50x32xf32, #tpu.memory_space<vmem>>
    tpu.wait_dma2 semaphore(%arg16 : memref<!tpu.dma_semaphore, #tpu.memory_space<semaphore_mem>>) src(%dma_wait3A_660 : memref<2x50x32xf32, #tpu.memory_space<vmem>>) dst(%dma_wait3A_655 : memref<2x50x32xf32, #tpu.memory_space<hbm>>)
    %dma_wait3A_661 = arith.constant 2 : i32
    %dma_wait3A_662 = arith.constant 0 : i32
    %dma_wait3A_663 = arith.constant 0 : i32
    %dma_wait3A_664 = arith.constant 0 : i32
    %dma_wait3A_665 = tpu.memref_slice %arg6[%dma_wait3A_661, %dma_wait3A_662, %dma_wait3A_663, %dma_wait3A_664] : memref<8x2x64x32xf32, #tpu.memory_space<vmem>> -> memref<1x2x50x32xf32, #tpu.memory_space<vmem>>
    %dma_wait3A_666 = tpu.memref_squeeze %dma_wait3A_665 : memref<1x2x50x32xf32, #tpu.memory_space<vmem>> -> memref<2x50x32xf32, #tpu.memory_space<vmem>>
    %dma_wait3A_667 = arith.constant 0 : i32
    %dma_wait3A_668 = arith.constant 0 : i32
    %dma_wait3A_669 = arith.constant 0 : i32
    %dma_wait3A_670 = tpu.memref_slice %arg4[%dma_wait3A_667, %dma_wait3A_668, %dma_wait3A_669] : memref<16384x50x32xf32, #tpu.memory_space<hbm>> -> memref<2x50x32xf32, #tpu.memory_space<hbm>>
    %dma_wait3A_671 = arith.constant 0 : i32
    %dma_wait3A_672 = arith.constant 0 : i32
    %dma_wait3A_673 = arith.constant 0 : i32
    %dma_wait3A_674 = tpu.memref_slice %arg4[%dma_wait3A_671, %dma_wait3A_672, %dma_wait3A_673] : memref<16384x50x32xf32, #tpu.memory_space<hbm>> -> memref<2x50x32xf32, #tpu.memory_space<hbm>>
    %dma_wait3A_675 = arith.constant 0 : i32
    %dma_wait3A_676 = arith.constant 0 : i32
    %dma_wait3A_677 = arith.constant 0 : i32
    %dma_wait3A_678 = tpu.memref_slice %arg6[%dma_wait3A_661, %dma_wait3A_675, %dma_wait3A_676, %dma_wait3A_677] : memref<8x2x64x32xf32, #tpu.memory_space<vmem>> -> memref<1x2x50x32xf32, #tpu.memory_space<vmem>>
    %dma_wait3A_679 = tpu.memref_squeeze %dma_wait3A_678 : memref<1x2x50x32xf32, #tpu.memory_space<vmem>> -> memref<2x50x32xf32, #tpu.memory_space<vmem>>
    tpu.wait_dma2 semaphore(%arg17 : memref<!tpu.dma_semaphore, #tpu.memory_space<semaphore_mem>>) src(%dma_wait3A_679 : memref<2x50x32xf32, #tpu.memory_space<vmem>>) dst(%dma_wait3A_674 : memref<2x50x32xf32, #tpu.memory_space<hbm>>)
    %dma_wait3A_680 = arith.constant 3 : i32
    %dma_wait3A_681 = arith.constant 0 : i32
    %dma_wait3A_682 = arith.constant 0 : i32
    %dma_wait3A_683 = arith.constant 0 : i32
    %dma_wait3A_684 = tpu.memref_slice %arg6[%dma_wait3A_680, %dma_wait3A_681, %dma_wait3A_682, %dma_wait3A_683] : memref<8x2x64x32xf32, #tpu.memory_space<vmem>> -> memref<1x2x50x32xf32, #tpu.memory_space<vmem>>
    %dma_wait3A_685 = tpu.memref_squeeze %dma_wait3A_684 : memref<1x2x50x32xf32, #tpu.memory_space<vmem>> -> memref<2x50x32xf32, #tpu.memory_space<vmem>>
    %dma_wait3A_686 = arith.constant 0 : i32
    %dma_wait3A_687 = arith.constant 0 : i32
    %dma_wait3A_688 = arith.constant 0 : i32
    %dma_wait3A_689 = tpu.memref_slice %arg4[%dma_wait3A_686, %dma_wait3A_687, %dma_wait3A_688] : memref<16384x50x32xf32, #tpu.memory_space<hbm>> -> memref<2x50x32xf32, #tpu.memory_space<hbm>>
    %dma_wait3A_690 = arith.constant 0 : i32
    %dma_wait3A_691 = arith.constant 0 : i32
    %dma_wait3A_692 = arith.constant 0 : i32
    %dma_wait3A_693 = tpu.memref_slice %arg4[%dma_wait3A_690, %dma_wait3A_691, %dma_wait3A_692] : memref<16384x50x32xf32, #tpu.memory_space<hbm>> -> memref<2x50x32xf32, #tpu.memory_space<hbm>>
    %dma_wait3A_694 = arith.constant 0 : i32
    %dma_wait3A_695 = arith.constant 0 : i32
    %dma_wait3A_696 = arith.constant 0 : i32
    %dma_wait3A_697 = tpu.memref_slice %arg6[%dma_wait3A_680, %dma_wait3A_694, %dma_wait3A_695, %dma_wait3A_696] : memref<8x2x64x32xf32, #tpu.memory_space<vmem>> -> memref<1x2x50x32xf32, #tpu.memory_space<vmem>>
    %dma_wait3A_698 = tpu.memref_squeeze %dma_wait3A_697 : memref<1x2x50x32xf32, #tpu.memory_space<vmem>> -> memref<2x50x32xf32, #tpu.memory_space<vmem>>
    tpu.wait_dma2 semaphore(%arg18 : memref<!tpu.dma_semaphore, #tpu.memory_space<semaphore_mem>>) src(%dma_wait3A_698 : memref<2x50x32xf32, #tpu.memory_space<vmem>>) dst(%dma_wait3A_693 : memref<2x50x32xf32, #tpu.memory_space<hbm>>)
    %dma_wait3A_699 = arith.constant 4 : i32
    %dma_wait3A_700 = arith.constant 0 : i32
    %dma_wait3A_701 = arith.constant 0 : i32
    %dma_wait3A_702 = arith.constant 0 : i32
    %dma_wait3A_703 = tpu.memref_slice %arg6[%dma_wait3A_699, %dma_wait3A_700, %dma_wait3A_701, %dma_wait3A_702] : memref<8x2x64x32xf32, #tpu.memory_space<vmem>> -> memref<1x2x50x32xf32, #tpu.memory_space<vmem>>
    %dma_wait3A_704 = tpu.memref_squeeze %dma_wait3A_703 : memref<1x2x50x32xf32, #tpu.memory_space<vmem>> -> memref<2x50x32xf32, #tpu.memory_space<vmem>>
    %dma_wait3A_705 = arith.constant 0 : i32
    %dma_wait3A_706 = arith.constant 0 : i32
    %dma_wait3A_707 = arith.constant 0 : i32
    %dma_wait3A_708 = tpu.memref_slice %arg4[%dma_wait3A_705, %dma_wait3A_706, %dma_wait3A_707] : memref<16384x50x32xf32, #tpu.memory_space<hbm>> -> memref<2x50x32xf32, #tpu.memory_space<hbm>>
    %dma_wait3A_709 = arith.constant 0 : i32
    %dma_wait3A_710 = arith.constant 0 : i32
    %dma_wait3A_711 = arith.constant 0 : i32
    %dma_wait3A_712 = tpu.memref_slice %arg4[%dma_wait3A_709, %dma_wait3A_710, %dma_wait3A_711] : memref<16384x50x32xf32, #tpu.memory_space<hbm>> -> memref<2x50x32xf32, #tpu.memory_space<hbm>>
    %dma_wait3A_713 = arith.constant 0 : i32
    %dma_wait3A_714 = arith.constant 0 : i32
    %dma_wait3A_715 = arith.constant 0 : i32
    %dma_wait3A_716 = tpu.memref_slice %arg6[%dma_wait3A_699, %dma_wait3A_713, %dma_wait3A_714, %dma_wait3A_715] : memref<8x2x64x32xf32, #tpu.memory_space<vmem>> -> memref<1x2x50x32xf32, #tpu.memory_space<vmem>>
    %dma_wait3A_717 = tpu.memref_squeeze %dma_wait3A_716 : memref<1x2x50x32xf32, #tpu.memory_space<vmem>> -> memref<2x50x32xf32, #tpu.memory_space<vmem>>
    tpu.wait_dma2 semaphore(%arg19 : memref<!tpu.dma_semaphore, #tpu.memory_space<semaphore_mem>>) src(%dma_wait3A_717 : memref<2x50x32xf32, #tpu.memory_space<vmem>>) dst(%dma_wait3A_712 : memref<2x50x32xf32, #tpu.memory_space<hbm>>)
    %dma_wait3A_718 = arith.constant 5 : i32
    %dma_wait3A_719 = arith.constant 0 : i32
    %dma_wait3A_720 = arith.constant 0 : i32
    %dma_wait3A_721 = arith.constant 0 : i32
    %dma_wait3A_722 = tpu.memref_slice %arg6[%dma_wait3A_718, %dma_wait3A_719, %dma_wait3A_720, %dma_wait3A_721] : memref<8x2x64x32xf32, #tpu.memory_space<vmem>> -> memref<1x2x50x32xf32, #tpu.memory_space<vmem>>
    %dma_wait3A_723 = tpu.memref_squeeze %dma_wait3A_722 : memref<1x2x50x32xf32, #tpu.memory_space<vmem>> -> memref<2x50x32xf32, #tpu.memory_space<vmem>>
    %dma_wait3A_724 = arith.constant 0 : i32
    %dma_wait3A_725 = arith.constant 0 : i32
    %dma_wait3A_726 = arith.constant 0 : i32
    %dma_wait3A_727 = tpu.memref_slice %arg4[%dma_wait3A_724, %dma_wait3A_725, %dma_wait3A_726] : memref<16384x50x32xf32, #tpu.memory_space<hbm>> -> memref<2x50x32xf32, #tpu.memory_space<hbm>>
    %dma_wait3A_728 = arith.constant 0 : i32
    %dma_wait3A_729 = arith.constant 0 : i32
    %dma_wait3A_730 = arith.constant 0 : i32
    %dma_wait3A_731 = tpu.memref_slice %arg4[%dma_wait3A_728, %dma_wait3A_729, %dma_wait3A_730] : memref<16384x50x32xf32, #tpu.memory_space<hbm>> -> memref<2x50x32xf32, #tpu.memory_space<hbm>>
    %dma_wait3A_732 = arith.constant 0 : i32
    %dma_wait3A_733 = arith.constant 0 : i32
    %dma_wait3A_734 = arith.constant 0 : i32
    %dma_wait3A_735 = tpu.memref_slice %arg6[%dma_wait3A_718, %dma_wait3A_732, %dma_wait3A_733, %dma_wait3A_734] : memref<8x2x64x32xf32, #tpu.memory_space<vmem>> -> memref<1x2x50x32xf32, #tpu.memory_space<vmem>>
    %dma_wait3A_736 = tpu.memref_squeeze %dma_wait3A_735 : memref<1x2x50x32xf32, #tpu.memory_space<vmem>> -> memref<2x50x32xf32, #tpu.memory_space<vmem>>
    tpu.wait_dma2 semaphore(%arg20 : memref<!tpu.dma_semaphore, #tpu.memory_space<semaphore_mem>>) src(%dma_wait3A_736 : memref<2x50x32xf32, #tpu.memory_space<vmem>>) dst(%dma_wait3A_731 : memref<2x50x32xf32, #tpu.memory_space<hbm>>)
    %dma_wait3A_737 = arith.constant 6 : i32
    %dma_wait3A_738 = arith.constant 0 : i32
    %dma_wait3A_739 = arith.constant 0 : i32
    %dma_wait3A_740 = arith.constant 0 : i32
    %dma_wait3A_741 = tpu.memref_slice %arg6[%dma_wait3A_737, %dma_wait3A_738, %dma_wait3A_739, %dma_wait3A_740] : memref<8x2x64x32xf32, #tpu.memory_space<vmem>> -> memref<1x2x50x32xf32, #tpu.memory_space<vmem>>
    %dma_wait3A_742 = tpu.memref_squeeze %dma_wait3A_741 : memref<1x2x50x32xf32, #tpu.memory_space<vmem>> -> memref<2x50x32xf32, #tpu.memory_space<vmem>>
    %dma_wait3A_743 = arith.constant 0 : i32
    %dma_wait3A_744 = arith.constant 0 : i32
    %dma_wait3A_745 = arith.constant 0 : i32
    %dma_wait3A_746 = tpu.memref_slice %arg4[%dma_wait3A_743, %dma_wait3A_744, %dma_wait3A_745] : memref<16384x50x32xf32, #tpu.memory_space<hbm>> -> memref<2x50x32xf32, #tpu.memory_space<hbm>>
    %dma_wait3A_747 = arith.constant 0 : i32
    %dma_wait3A_748 = arith.constant 0 : i32
    %dma_wait3A_749 = arith.constant 0 : i32
    %dma_wait3A_750 = tpu.memref_slice %arg4[%dma_wait3A_747, %dma_wait3A_748, %dma_wait3A_749] : memref<16384x50x32xf32, #tpu.memory_space<hbm>> -> memref<2x50x32xf32, #tpu.memory_space<hbm>>
    %dma_wait3A_751 = arith.constant 0 : i32
    %dma_wait3A_752 = arith.constant 0 : i32
    %dma_wait3A_753 = arith.constant 0 : i32
    %dma_wait3A_754 = tpu.memref_slice %arg6[%dma_wait3A_737, %dma_wait3A_751, %dma_wait3A_752, %dma_wait3A_753] : memref<8x2x64x32xf32, #tpu.memory_space<vmem>> -> memref<1x2x50x32xf32, #tpu.memory_space<vmem>>
    %dma_wait3A_755 = tpu.memref_squeeze %dma_wait3A_754 : memref<1x2x50x32xf32, #tpu.memory_space<vmem>> -> memref<2x50x32xf32, #tpu.memory_space<vmem>>
    tpu.wait_dma2 semaphore(%arg21 : memref<!tpu.dma_semaphore, #tpu.memory_space<semaphore_mem>>) src(%dma_wait3A_755 : memref<2x50x32xf32, #tpu.memory_space<vmem>>) dst(%dma_wait3A_750 : memref<2x50x32xf32, #tpu.memory_space<hbm>>)
    %dma_wait3A_756 = arith.constant 7 : i32
    %dma_wait3A_757 = arith.constant 0 : i32
    %dma_wait3A_758 = arith.constant 0 : i32
    %dma_wait3A_759 = arith.constant 0 : i32
    %dma_wait3A_760 = tpu.memref_slice %arg6[%dma_wait3A_756, %dma_wait3A_757, %dma_wait3A_758, %dma_wait3A_759] : memref<8x2x64x32xf32, #tpu.memory_space<vmem>> -> memref<1x2x50x32xf32, #tpu.memory_space<vmem>>
    %dma_wait3A_761 = tpu.memref_squeeze %dma_wait3A_760 : memref<1x2x50x32xf32, #tpu.memory_space<vmem>> -> memref<2x50x32xf32, #tpu.memory_space<vmem>>
    %dma_wait3A_762 = arith.constant 0 : i32
    %dma_wait3A_763 = arith.constant 0 : i32
    %dma_wait3A_764 = arith.constant 0 : i32
    %dma_wait3A_765 = tpu.memref_slice %arg4[%dma_wait3A_762, %dma_wait3A_763, %dma_wait3A_764] : memref<16384x50x32xf32, #tpu.memory_space<hbm>> -> memref<2x50x32xf32, #tpu.memory_space<hbm>>
    %dma_wait3A_766 = arith.constant 0 : i32
    %dma_wait3A_767 = arith.constant 0 : i32
    %dma_wait3A_768 = arith.constant 0 : i32
    %dma_wait3A_769 = tpu.memref_slice %arg4[%dma_wait3A_766, %dma_wait3A_767, %dma_wait3A_768] : memref<16384x50x32xf32, #tpu.memory_space<hbm>> -> memref<2x50x32xf32, #tpu.memory_space<hbm>>
    %dma_wait3A_770 = arith.constant 0 : i32
    %dma_wait3A_771 = arith.constant 0 : i32
    %dma_wait3A_772 = arith.constant 0 : i32
    %dma_wait3A_773 = tpu.memref_slice %arg6[%dma_wait3A_756, %dma_wait3A_770, %dma_wait3A_771, %dma_wait3A_772] : memref<8x2x64x32xf32, #tpu.memory_space<vmem>> -> memref<1x2x50x32xf32, #tpu.memory_space<vmem>>
    %dma_wait3A_774 = tpu.memref_squeeze %dma_wait3A_773 : memref<1x2x50x32xf32, #tpu.memory_space<vmem>> -> memref<2x50x32xf32, #tpu.memory_space<vmem>>
    tpu.wait_dma2 semaphore(%arg22 : memref<!tpu.dma_semaphore, #tpu.memory_space<semaphore_mem>>) src(%dma_wait3A_774 : memref<2x50x32xf32, #tpu.memory_space<vmem>>) dst(%dma_wait3A_769 : memref<2x50x32xf32, #tpu.memory_space<hbm>>)
    return
  }
}

</mosaic_0001>

<sc_bundles>
// kernel: kernel.4.cloned.1.call-start
scs
__scs_entry_jumppad:
0x0: {  	(pc) =	sbr.rel $0x88, $3  }
0x1: {  	(tag) =	ssettag $0x0;
	lr =	simm.s32 $0x1  }
0x2: {  	[smem:$0x3F9F] =	sst lr;
	_ =	strace $0xD0000000  }
0x3: {  	_ = 	snop  }
0x4: {  	_ = 	snop  }
0x5: {  	_ = 	snop  }
0x6: {  	_ = 	snop  }
0x7: {  	_ = 	snop  }
__scs_overlays_trampoline_lowered:
0x8: {  	[smem:$0x3FAE] =	sst s0  }
0x9: {  	[smem:$0x3FAF] =	sst s1  }
0xa: {  	[smem:$0x3FB0] =	sst s2  }
0xb: {  	[smem:$0x3FB1] =	sst s3  }
0xc: {  	[smem:$0x3FB2] =	sst s4  }
0xd: {  	[smem:$0x3FB3] =	sst s5  }
0xe: {  	[smem:$0x3FB4] =	sst s6  }
0xf: {  	[smem:$0x3FB5] =	sst s7  }
0x10: {  	[smem:$0x3FB6] =	sst s8  }
0x11: {  	[smem:$0x3FB7] =	sst s9;
	s0 =	simm.s32 @!p0 $0x0  }
0x12: {  	s1 =	sld [smem:$0x3F9D];
	s0 =	simm.s32 @p0 $0x1  }
0x13: {  	[smem:$0x3FB8] =	sst s0;
	s0 =	simm.s32 @!p1 $0x0  }
0x14: {  	s2 =	sld [smem:$0x3F9C];
	s0 =	simm.s32 @p1 $0x1  }
0x15: {  	[smem:$0x3FB9] =	sst s0;
	s0 =	simm.s32 @!p2 $0x0  }
0x16: {  	s3 =	sld [smem:$0x3FDB];
	s0 =	simm.s32 @p2 $0x1  }
0x17: {  	s4 =	simm.s32 $0x1BF5;
	[smem:$0x3FBB] =	sst s0  }
0x18: {  	s0 =	sld [smem:$0x3F9E];
	_ =	swait.ge [sflag:s4], $0x0  }
0x19: {  	s7 =	sld [smem:$0x3F9F]  }
0x1a: {  	s8 =	sadd.s32 $0xFFFFE003, lr  }
0x1b: {  	s9 =	sadd.s32 $0xFFFFFEF7, lr;
	s5 =	simm.s32 $0xFFFFFFFF;
	p2 =	slt.u32 s8, $0xFFFFF086  }
0x1c: {  	p1 =	slt.u32 s9, $0xF7A;
	s5 =	simm.s32 @!p2 $0x0  }
0x1d: {  	s5 =	simm.s32 @p1 $0x1;
	p0 =	seq.s32 s7, s2  }
0x1e: {  	s7 =	smul.u32 @!p0 $0xF7A, s2;
	p2 =	seq.s32 @!p0 s5, $0x0  }
0x1f: {  	s9 =	smul.u32 $0xF7A, s1;
	s8 =	simm.s32 @!p0 $0x1BF5;
	p2 =	por !p2, p0  }
0x20: {  	[sflag:s8] =	ssyncset.s32 @!p0 $0xFFFFF086;
	s6 =	sadd.s32 @!p0 s3, s7;
	s7 =	simm.s32 @!p0 $0x108  }
0x21: {  	s3 =	sadd.s32 s3, s9;
	s6 =	sadd.s32 @!p0 $0x88, s6;
	s7 =	simm.s32 @p2 $0x1082  }
0x22: {  	[simem:s7], [sflag:s8] =	dma.local @!p0 [hbm:s6], $0xF7A  }
0x23: {  	s9 =	sor.u32 $0xD0000000, s2;
	s6 =	simm.s32 $0x108;
	_ =	swait.ge @!p0 [sflag:s8], $0x0  }
0x24: {  	s3 =	sadd.s32 $0x88, s3;
	s6 =	simm.s32 @!p1 $0x1082;
	[sflag:s4] =	ssyncset.s32 $0xFFFFF086  }
0x25: {  	[simem:s6], [sflag:s4] =	dma.local [hbm:s3], $0xF7A  }
0x26: {  	[smem:$0x3F9F] =	sst s1;
	(tag) =	ssettag s2;
	_ =	strace s9  }
0x27: {  	s1 =	sld [smem:$0x3FAF]  }
0x28: {  	s2 =	sld [smem:$0x3FB0]  }
0x29: {  	s4 =	sld [smem:$0x3FB2]  }
0x2a: {  	p0 =	seq.s32 s5, $0x0;
	s5 =	sld [smem:$0x3FB3]  }
0x2b: {  	s6 =	sld [smem:$0x3FB4]  }
0x2c: {  	s7 =	sld [smem:$0x3FB5]  }
0x2d: {  	s3 =	simm.s32 $0x108;
	s8 =	sld [smem:$0x3FB6]  }
0x2e: {  	s3 =	simm.s32 @!p0 $0x1082;
	s9 =	sld [smem:$0x3FB7]  }
0x2f: {  	lr =	sadd.s32 s0, s3;
	s0 =	sld [smem:$0x3FAE]  }
0x30: {  	s3 =	sld [smem:$0x3FB1]  }
0x31: {  	[smem:$0x3FBA] =	sst s10  }
0x32: {  	s10 =	sld [smem:$0x3FB8];
	_ =	sdelay $0x3  }
0x33: {  	p0 =	seq.s32 s10, $0x1;
	s10 =	sld [smem:$0x3FBA];
	_ =	sdelay $0x3  }
0x34: {  	[smem:$0x3FBA] =	sst s10  }
0x35: {  	s10 =	sld [smem:$0x3FB9];
	_ =	sdelay $0x3  }
0x36: {  	p1 =	seq.s32 s10, $0x1;
	s10 =	sld [smem:$0x3FBA];
	_ =	sdelay $0x3  }
0x37: {  	[smem:$0x3FBA] =	sst s10  }
0x38: {  	s10 =	sld [smem:$0x3FBB]  }
0x39: {  	_ = 	snop;
	(pc) =	sbr.ind lr, $3  }
0x3a: {  	_ = 	snop  }
0x3b: {  	_ = 	snop  }
0x3c: {  	p2 =	seq.s32 s10, $0x1;
	s10 =	sld [smem:$0x3FBA]  }
0x3d: {  	_ =	shalt  }
0x3e: {  	_ =	shalt  }
0x3f: {  	_ =	shalt  }
0x40: {  	_ =	shalt  }
0x41: {  	_ =	shalt  }
0x42: {  	_ =	shalt  }
0x43: {  	_ =	shalt  }
0x44: {  	_ =	shalt  }
0x45: {  	_ =	shalt  }
0x46: {  	_ =	shalt  }
0x47: {  	_ =	shalt  }
0x48: {  	_ =	shalt  }
0x49: {  	_ =	shalt  }
0x4a: {  	_ =	shalt  }
0x4b: {  	_ =	shalt  }
0x4c: {  	_ =	shalt  }
0x4d: {  	_ =	shalt  }
0x4e: {  	_ =	shalt  }
0x4f: {  	_ =	shalt  }
0x50: {  	_ =	shalt  }
0x51: {  	_ =	shalt  }
0x52: {  	_ =	shalt  }
0x53: {  	_ =	shalt  }
0x54: {  	_ =	shalt  }
0x55: {  	_ =	shalt  }
0x56: {  	_ =	shalt  }
0x57: {  	_ =	shalt  }
0x58: {  	_ =	shalt  }
0x59: {  	_ =	shalt  }
0x5a: {  	_ =	shalt  }
0x5b: {  	_ =	shalt  }
0x5c: {  	_ =	shalt  }
0x5d: {  	_ =	shalt  }
0x5e: {  	_ =	shalt  }
0x5f: {  	_ =	shalt  }
0x60: {  	_ =	shalt  }
0x61: {  	_ =	shalt  }
0x62: {  	_ =	shalt  }
0x63: {  	_ =	shalt  }
0x64: {  	_ =	shalt  }
0x65: {  	_ =	shalt  }
0x66: {  	_ =	shalt  }
0x67: {  	_ =	shalt  }
0x68: {  	_ =	shalt  }
0x69: {  	_ =	shalt  }
0x6a: {  	_ =	shalt  }
0x6b: {  	_ =	shalt  }
0x6c: {  	_ =	shalt  }
0x6d: {  	_ =	shalt  }
0x6e: {  	_ =	shalt  }
0x6f: {  	_ =	shalt  }
0x70: {  	_ =	shalt  }
0x71: {  	_ =	shalt  }
0x72: {  	_ =	shalt  }
0x73: {  	_ =	shalt  }
0x74: {  	_ =	shalt  }
0x75: {  	_ =	shalt  }
0x76: {  	_ =	shalt  }
0x77: {  	_ =	shalt  }
0x78: {  	_ =	shalt  }
0x79: {  	_ =	shalt  }
0x7a: {  	_ =	shalt  }
0x7b: {  	_ =	shalt  }
0x7c: {  	_ =	shalt  }
0x7d: {  	_ =	shalt  }
0x7e: {  	_ =	shalt  }
0x7f: {  	_ =	shalt  }
0x80: {  	_ =	shalt  }
0x81: {  	_ =	shalt  }
0x82: {  	_ =	shalt  }
0x83: {  	_ =	shalt  }
0x84: {  	_ =	shalt  }
0x85: {  	_ =	shalt  }
0x86: {  	_ =	shalt  }
0x87: {  	_ =	shalt  }
.Lfunc_end0:
.L_simem_size_0:
called_computation.1_lowered:
.L_overlay_start_0:
0x88: {  	s2 =	sld [smem:$0x3FD9]  }
0x89: {  	s3 =	sld [smem:$0x3FFE];
	_ =	sdelay $0x1  }
0x8a: {  	s1 =	srdreg.scid  }
0x8b: {  	s0 =	sand.u32 $0x1, s1  }
0x8c: {  	s17 =	sshll.u32 s0, $0xA;
	s2 =	sadd.s32 s3, s2  }
0x8d: {  	s2 =	sadd.s32 s2, s17  }
0x8e: {  	[smem:$0x3FC6] =	sst s2  }
0x8f: {  	_ = 	snop  }
0x90: {  	s2 =	sld [smem:$0x3FC8];
	(tm) =	ssettm $0x1  }
0x91: {  	s18 =	sld [smem:$0x3FFB];
	_ =	sdelay $0x3  }
0x92: {  	_ =	strace s18  }
0x93: {  	s3 =	sld [smem:$0x3FFC];
	_ =	sdelay $0x3  }
0x94: {  	_ =	strace s3  }
0x95: {  	s3 =	sld [smem:$0x3FFD];
	_ =	sdelay $0x3  }
0x96: {  	_ =	strace s3  }
0x97: {  	_ =	strace $0x8FFFFFFF  }
0x98: {  	s19 =	sld [smem:$0x3FDB];
	_ =	sdelay $0x1  }
0x99: {  	s4 =	simm.s32 $_scs_section_size  }
0x9a: {  	s5 =	simm.s32 $_size__tile_overlayer_lowered;
	s6 =	simm.s32 $_tile_overlayer_lowered  }
0x9b: {  	s22 =	simm.s32 $0x1BFF;
	s21 =	sshll.u32 s6, $0x1;
	s3 =	sadd.s32 s4, s19  }
0x9c: {  	s7 =	simm.s32 $0x0;
	s20 =	sshll.u32 s5, $0x1;
	s5 =	sadd.s32 s21, s3  }
0x9d: {  	[timem:s7], [sflag:s22] =	dma.local [hbm:s5], s20  }
0x9e: {  	_ =	swait.ge [sflag:s22], s20  }
0x9f: {  	s4 =	ssub.s32 $0x0, s20;
	[sflag:s22] =	ssyncset.done $0x0  }
0xa0: {  	[sflag:s22] =	ssyncadd.s32 s4;
	_ =	sdelay $0x1  }
0xa1: {  	s23 =	simm.s32 $0x1B8B  }
0xa2: {  	_ =	swait.ge [sflag:s23], $0x1  }
0xa3: {  	[sflag:s23] =	ssyncset.done $0x0  }
0xa4: {  	s25 =	simm.s32 $0x1B8E;
	s24 =	sld [smem:$0x3FFE];
	[sflag:s23] =	ssyncadd.s32 $0xFFFFFFFF  }
0xa5: {  	s26 =	simm.s32 $execute0_lowered;
	[smem:$0x3FD2] =	sst s25  }
0xa6: {  	s5 =	sshll.u32 s26, $0x1;
	_ =	strace $0x80000046;
	[dreg:$0x1] =	wrdreg $0xFFFFFFFF  }
0xa7: {  	s28 =	simm.s32 $_size_execute0_lowered;
	s3 =	sadd.s32 s3, s5;
	[dreg:$0x0] =	wrdreg $0x0  }
0xa8: {  	s5 =	sshll.u32 s28, $0x1;
	[dreg:$0x2] =	wrdreg s3  }
0xa9: {  	[dreg:$0x3] =	wrdreg s5  }
0xaa: {  	[dreg:$0x4] =	wrdreg $0xC0  }
0xab: {  	_ =	task [dreg:s7], $0x5FFFF  }
0xac: {  	[dreg:$0x1] =	wrdreg $0xFFFFFFFF  }
0xad: {  	[dreg:$0x0] =	wrdreg $0x60  }
0xae: {  	[dreg:$0x2] =	wrdreg s2  }
0xaf: {  	[dreg:$0x3] =	wrdreg s24  }
0xb0: {  	[dreg:$0x4] =	wrdreg $0x9  }
0xb1: {  	_ =	task.clear_ibuf [dreg:s7], $0x5FFFF;
	_ =	strace $0x90000046  }
0xb2: {  	s29 =	simm.s32 $0x9;
	_ =	strace $0x80000048  }
0xb3: {  	_ =	swait.ge [sflag:s29], $0x1  }
0xb4: {  	[sflag:s29] =	ssyncadd.s32 $0xFFFFFFFF  }
0xb5: {  	_ =	strace $0x90000048  }
0xb6: {  	_ =	sfence  }
0xb7: {  	s30 =	sld [smem:$0x0];
	_ =	sdelay $0x2  }
0xb8: {  	s31 =	sshll.u32 s1, $0xD;
	s1 =	sshrl.u32 s1, $0x2  }
0xb9: {  	s3 =	sand.u32 $0x4000, s31;
	s1 =	sadd.s32 s1, s30  }
0xba: {  	s0 =	sor.u32 s3, s0;
	s1 =	sshll.u32 s1, $0x11  }
0xbb: {  	s0 =	sor.u32 s1, s0  }
0xbc: {  	s0 =	sadd.s32 $0x8F2B, s0  }
0xbd: {  	[sflag:s0] =	ssyncadd.remote.s32 $0x1  }
0xbe: {  	_ =	sfence.sel $0xFFFF  }
0xbf: {  	[dreg:$0x0] =	wrdreg $0xFFFFFFFF;
	(pc) =	sbr.abs _section_cstart, $3  }
0xc0: {  	[dreg:$0x1] =	wrdreg $0xFFFFFFFF  }
0xc1: {  	_ =	task.clear_ibuf [dreg:s7], $0x2FFFF;
	_ =	strace $0x9FFFFFFF  }
0xc2: {  	(tm) =	ssettm $0x7FFFFFFF  }
0xc3: {  	_ =	shalt  }
tec
execute0_lowered:
.L_overlay_start_1:
0x0: {  	(tag) =	ssettag $0x1  }
0x1: {  	v0 =	vimm.s32 $0x1380  }
0x2: {  	vm14 =	vcmask $0x300;
	vm13 =	vcmask $0x704;
	vm12 =	vcmask $0xB08  }
0x3: {  	vm11 =	vcmask $0xF0C;
	vm10 =	vcmask $0x1310;
	vm9 =	vcmask $0x1714  }
0x4: {  	vm8 =	vcmask $0x1B18;
	vm7 =	vcmask $0x1F1C;
	vm6 =	vcmask $0x2320  }
0x5: {  	vm5 =	vcmask $0x2724;
	vm4 =	vcmask $0x2B28;
	vm3 =	vcmask $0x2F2C  }
0x6: {  	vm2 =	vcmask $0x3330;
	vm1 =	vcmask $0x3734;
	vm0 =	vcmask $0x3B38  }
0x7: {  	v1 =	vimm.s32 $0x3380;
	v2 =	vimm.s32 $0x5380;
	v3 =	vimm.s32 $0x1280  }
0x8: {  	v0 =	vsel vm14, $0x0, v0;
	v1 =	vsel vm14, $0x2000, v1;
	v2 =	vsel vm14, $0x4000, v2  }
0x9: {  	v3 =	vsel vm14, $0x6000, v3;
	v0 =	vsel vm13, $0x80, v0;
	v1 =	vsel vm13, $0x2080, v1  }
0xa: {  	v2 =	vsel vm13, $0x4080, v2;
	v3 =	vsel vm13, $0x6080, v3;
	v0 =	vsel vm12, $0x100, v0  }
0xb: {  	v1 =	vsel vm12, $0x2100, v1;
	v2 =	vsel vm12, $0x4100, v2;
	v3 =	vsel vm12, $0x0, v3  }
0xc: {  	v0 =	vsel vm11, $0x180, v0;
	v1 =	vsel vm11, $0x2180, v1;
	v2 =	vsel vm11, $0x4180, v2  }
0xd: {  	v3 =	vsel vm11, $0x80, v3;
	v0 =	vsel vm10, $0x200, v0;
	v1 =	vsel vm10, $0x2200, v1  }
0xe: {  	v2 =	vsel vm10, $0x4200, v2;
	v3 =	vsel vm10, $0x100, v3;
	v0 =	vsel vm9, $0x280, v0  }
0xf: {  	v1 =	vsel vm9, $0x2280, v1;
	v2 =	vsel vm9, $0x4280, v2;
	v3 =	vsel vm9, $0x180, v3  }
0x10: {  	v0 =	vsel vm8, $0x300, v0;
	v1 =	vsel vm8, $0x2300, v1;
	v2 =	vsel vm8, $0x4300, v2  }
0x11: {  	v3 =	vsel vm8, $0x200, v3;
	v0 =	vsel vm7, $0x380, v0;
	v1 =	vsel vm7, $0x2380, v1  }
0x12: {  	s3 =	rddreg [dreg:$0x0];
	v2 =	vsel vm7, $0x4380, v2;
	v3 =	vsel vm7, $0x280, v3;
	v0 =	vsel vm6, $0x1000, v0  }
0x13: {  	s4 =	rddreg [dreg:$0x1];
	v1 =	vsel vm6, $0x3000, v1;
	v2 =	vsel vm6, $0x5000, v2;
	v3 =	vsel vm6, $0x300, v3  }
0x14: {  	s0 =	rddreg [dreg:$0x2];
	s5 =	srdreg.scid;
	v0 =	vsel vm5, $0x1080, v0;
	v1 =	vsel vm5, $0x3080, v1;
	v2 =	vsel vm5, $0x5080, v2  }
0x15: {  	s1 =	stileid.u32;
	s2 =	simm.s32 $0x0;
	s8 =	simm.s32 $0x1;
	v3 =	vsel vm5, $0x380, v3;
	v0 =	vsel vm4, $0x1100, v0;
	v1 =	vsel vm4, $0x3100, v1  }
0x16: {  	s9 =	simm.s32 $0x7000;
	s5 =	sand.u32 $0x1, s5;
	s6 =	sshll.u32 s1, $0x1;
	v2 =	vsel vm4, $0x5100, v2;
	v3 =	vsel vm4, $0x1000, v3;
	v0 =	vsel vm3, $0x1180, v0  }
0x17: {  	s10 =	simm.s32 $0x0;
	[smem:$0x7FF] =	sst s2;
	s6 =	sor.u32 s5, s6;
	v1 =	vsel vm3, $0x3180, v1;
	v2 =	vsel vm3, $0x5180, v2;
	v3 =	vsel vm3, $0x1080, v3  }
0x18: {  	_ =	strace $0x80000047;
	s5 =	ssub.s32 $0x2, s5;
	s7 =	sshll.u32 s6, $0xC;
	v0 =	vsel vm2, $0x1200, v0;
	v1 =	vsel vm2, $0x3200, v1;
	v2 =	vsel vm2, $0x5200, v2  }
0x19: {  	s31 =	sshrl.u32 s5, $0x1;
	s6 =	sshll.u32 s6, $0x9;
	s4 =	sadd.s32 s7, s4;
	v3 =	vsel vm2, $0x1100, v3;
	v0 =	vsel vm1, $0x1280, v0;
	v1 =	vsel vm1, $0x3280, v1  }
0x1a: {  	s5 =	ssub.s32 s5, s31;
	s3 =	sadd.s32 s3, s6;
	s6 =	simm.s32 $0x1000;
	v2 =	vsel vm1, $0x5280, v2;
	v3 =	vsel vm1, $0x1180, v3;
	v0 =	vsel vm0, $0x1300, v0  }
0x1b: {  	s7 =	simm.s32 $0x20000;
	s4 =	sadd.s32 $0xC00, s4;
	s5 =	smax.u32 s5, $0x1;
	v1 =	vsel vm0, $0x3300, v1;
	v2 =	vsel vm0, $0x5300, v2;
	v3 =	vsel vm0, $0x1200, v3  }
.LBB2_1:
0x1c: {  	v4 =	vimm.s32 $0x0  }
0x1d: {  	v5 =	vshll.u32 v4, $0x3  }
0x1e: {  	v5 =	vand.u32 $0xFFFFFC00, v5  }
0x1f: {  	v6 =	vand.u32 $0x7E, v4;
	v7 =	vadd.s32 v0, v5  }
0x20: {  	v8 =	vor.u32 v6, v7  }
0x21: {  	[tilespmem:s2], [sflag:$0x1] =	stream.strided.gather [hbm4b:s3+s6], $0x7000, s7, s6, $0x38;
	[tilespmem:$0xF000] =	vst v63  }
0x22: {  	_ =	swait.ge [sflag:s8], $0x7000  }
0x23: {  	[sflag:s8] =	ssyncset.done $0x0  }
0x24: {  	[sflag:s8] =	ssyncadd.s32 $0xFFFF9000  }
0x25: {  	v9 =	vadd.s32 v1, v5;
	v8 =	vld.idx.msk [tilespmem:v8+s2+$0x0], $0xffff  }
0x26: {  	v10 =	vor.u32 v6, v9;
	_ =	sdelay $0x2  }
0x27: {  	s11 =	simm.s32 $0x0  }
0x28: {  	[tilespmem:s11+$0x7000] =	vst v8  }
0x29: {  	v62 =	vadd.s32 v2, v5;
	v8 =	vld.idx.msk [tilespmem:v10+s2+$0x0], $0xffff  }
0x2a: {  	v11 =	vor.u32 v6, v62;
	_ =	sdelay $0x3  }
0x2b: {  	[tilespmem:s11+$0x7010] =	vst v8  }
0x2c: {  	v5 =	vadd.s32 v3, v5;
	v8 =	vld.idx.msk [tilespmem:v11+s2+$0x0], $0xffff  }
0x2d: {  	v63 =	vor.u32 v6, v5;
	_ =	sdelay $0x3  }
0x2e: {  	[tilespmem:s11+$0x7020] =	vst v8  }
0x2f: {  	v6 =	vor.u32 $0x1, v6;
	v8 =	vld.idx.msk [tilespmem:v63+s2+$0x0], $0xffff  }
0x30: {  	v7 =	vor.u32 v6, v7;
	_ =	sdelay $0x3  }
0x31: {  	[tilespmem:s11+$0x7030] =	vst v8  }
0x32: {  	v7 =	vld.idx.msk [tilespmem:v7+s2+$0x0], $0xffff  }
0x33: {  	v8 =	vor.u32 v6, v9;
	_ =	sdelay $0x3  }
0x34: {  	[tilespmem:s11+$0x7040] =	vst v7  }
0x35: {  	v7 =	vld.idx.msk [tilespmem:v8+s2+$0x0], $0xffff  }
0x36: {  	v8 =	vor.u32 v6, v62;
	_ =	sdelay $0x3  }
0x37: {  	[tilespmem:s11+$0x7050] =	vst v7  }
0x38: {  	v7 =	vld.idx.msk [tilespmem:v8+s2+$0x0], $0xffff  }
0x39: {  	v5 =	vor.u32 v6, v5;
	_ =	sdelay $0x2  }
0x3a: {  	v4 =	vadd.s32 $0x2, v4  }
0x3b: {  	s12 =	simm.s32 $0x200;
	s13 =	simm.s32 $0x400;
	v6 =	vshll.u32 v4, $0x3;
	[tilespmem:s11+$0x7060] =	vst v7  }
.LBB2_2:
0x3c: {  	p0 =	sne.s32 s13, $0x1FE00;
	v6 =	vand.u32 $0xFFFFFC00, v6;
	v5 =	vld.idx.msk [tilespmem:v5+s2+$0x0], $0xffff  }
0x3d: {  	v7 =	vand.u32 $0x7E, v4;
	v8 =	vadd.s32 v0, v6  }
0x3e: {  	v9 =	vor.u32 v7, v8;
	_ =	sdelay $0x3  }
0x3f: {  	[tilespmem:s11+$0x7070] =	vst v5  }
0x40: {  	v5 =	vld.idx.msk [tilespmem:v9+s2+$0x0], $0xffff  }
0x41: {  	v9 =	vadd.s32 v1, v6  }
0x42: {  	v10 =	vor.u32 v7, v9;
	_ =	sdelay $0x2  }
0x43: {  	s11 =	sshra.s32 s12, $0x2;
	s12 =	smov.u32 s13  }
0x44: {  	[tilespmem:s11+$0x7000] =	vst v5  }
0x45: {  	v5 =	vld.idx.msk [tilespmem:v10+s2+$0x0], $0xffff  }
0x46: {  	v10 =	vadd.s32 v2, v6  }
0x47: {  	v11 =	vor.u32 v7, v10;
	_ =	sdelay $0x3  }
0x48: {  	[tilespmem:s11+$0x7010] =	vst v5  }
0x49: {  	v5 =	vld.idx.msk [tilespmem:v11+s2+$0x0], $0xffff  }
0x4a: {  	v6 =	vadd.s32 v3, v6  }
0x4b: {  	v11 =	vor.u32 v7, v6;
	_ =	sdelay $0x3  }
0x4c: {  	[tilespmem:s11+$0x7020] =	vst v5  }
0x4d: {  	v5 =	vld.idx.msk [tilespmem:v11+s2+$0x0], $0xffff  }
0x4e: {  	v7 =	vor.u32 $0x1, v7  }
0x4f: {  	v8 =	vor.u32 v7, v8;
	_ =	sdelay $0x3  }
0x50: {  	[tilespmem:s11+$0x7030] =	vst v5  }
0x51: {  	v5 =	vld.idx.msk [tilespmem:v8+s2+$0x0], $0xffff;
	_ =	sdelay $0x1  }
0x52: {  	v8 =	vor.u32 v7, v9;
	_ =	sdelay $0x3  }
0x53: {  	[tilespmem:s11+$0x7040] =	vst v5  }
0x54: {  	v5 =	vld.idx.msk [tilespmem:v8+s2+$0x0], $0xffff;
	_ =	sdelay $0x1  }
0x55: {  	v8 =	vor.u32 v7, v10;
	_ =	sdelay $0x3  }
0x56: {  	[tilespmem:s11+$0x7050] =	vst v5  }
0x57: {  	v8 =	vld.idx.msk [tilespmem:v8+s2+$0x0], $0xffff;
	_ =	sdelay $0x1  }
.Ltmp0:
0x58: {  	v5 =	vor.u32 v7, v6;
	(pc) =	sbr.rel @p0 .LBB2_2-.Ltmp0, $3  }
0x59: {  	_ =	sdelay $0x1  }
0x5a: {  	v4 =	vadd.s32 $0x2, v4  }
0x5b: {  	s13 =	sadd.s32 $0x200, s13;
	v6 =	vshll.u32 v4, $0x3;
	[tilespmem:s11+$0x7060] =	vst v8  }
0x5c: {  	_ =	sdelay $0x2  }
0x5d: {  	v6 =	vand.u32 $0xFFFFFC00, v6  }
0x5e: {  	v5 =	vld.idx.msk [tilespmem:v5+s2+$0x0], $0xffff;
	v4 =	vand.u32 $0x7E, v4;
	v7 =	vadd.s32 v0, v6  }
0x5f: {  	v8 =	vor.u32 v4, v7;
	_ =	sdelay $0x3  }
0x60: {  	[tilespmem:s11+$0x7070] =	vst v5  }
0x61: {  	v59 =	vadd.s32 v1, v6;
	v5 =	vld.idx.msk [tilespmem:v8+s2+$0x0], $0xffff  }
0x62: {  	v9 =	vor.u32 v4, v59;
	_ =	sdelay $0x2  }
0x63: {  	s31 =	sshra.s32 s12, $0x2  }
0x64: {  	[tilespmem:s31+$0x7000] =	vst v5  }
0x65: {  	v60 =	vadd.s32 v2, v6;
	v5 =	vld.idx.msk [tilespmem:v9+s2+$0x0], $0xffff  }
0x66: {  	v10 =	vor.u32 v4, v60;
	_ =	sdelay $0x3  }
0x67: {  	[tilespmem:s31+$0x7010] =	vst v5  }
0x68: {  	v6 =	vadd.s32 v3, v6;
	v5 =	vld.idx.msk [tilespmem:v10+s2+$0x0], $0xffff  }
0x69: {  	v61 =	vor.u32 v4, v6;
	_ =	sdelay $0x3  }
0x6a: {  	[tilespmem:s31+$0x7020] =	vst v5  }
0x6b: {  	v4 =	vor.u32 $0x1, v4;
	v5 =	vld.idx.msk [tilespmem:v61+s2+$0x0], $0xffff  }
0x6c: {  	v7 =	vor.u32 v4, v7;
	_ =	sdelay $0x3  }
0x6d: {  	[tilespmem:s31+$0x7030] =	vst v5  }
0x6e: {  	v5 =	vld.idx.msk [tilespmem:v7+s2+$0x0], $0xffff  }
0x6f: {  	v62 =	vor.u32 v4, v59;
	_ =	sdelay $0x3  }
0x70: {  	[tilespmem:s31+$0x7040] =	vst v5  }
0x71: {  	v5 =	vld.idx.msk [tilespmem:v62+s2+$0x0], $0xffff  }
0x72: {  	v63 =	vor.u32 v4, v60;
	_ =	sdelay $0x3  }
0x73: {  	[tilespmem:s31+$0x7050] =	vst v5  }
0x74: {  	v5 =	vld.idx.msk [tilespmem:v63+s2+$0x0], $0xffff  }
0x75: {  	v4 =	vor.u32 v4, v6;
	_ =	sdelay $0x3  }
0x76: {  	[tilespmem:s31+$0x7060] =	vst v5  }
0x77: {  	v4 =	vld.idx.msk [tilespmem:v4+s2+$0x0], $0xffff;
	_ =	sdelay $0x2  }
0x78: {  	s10 =	sadd.s32 $0x1, s10  }
0x79: {  	p0 =	sne.s32 s10, s5  }
.Ltmp1:
0x7a: {  	[tilespmem:s31+$0x7070] =	vst v4;
	(pc) =	sbr.rel @p0 .LBB2_1-.Ltmp1, $4  }
0x7b: {  	[hbm4b:s4+s2] =	stream.linear.scatter [tilespmem:s9], [sflag:$0x1], $0x8000, $0x38;
	[tilespmem:$0xF000] =	vst v63  }
0x7c: {  	_ =	swait.ge [sflag:s8], $0x8000  }
0x7d: {  	[sflag:s8] =	ssyncset.done $0x0  }
0x7e: {  	[sflag:s8] =	ssyncadd.s32 $0xFFFF8000  }
0x7f: {  	_ =	sfence.sel $0x180000  }
0x80: {  	[bflag:$0x0] =	sbarrier.arrive $0xFFFF  }
0x81: {  	p0 =	sne.s32 s1, $0x0;
	_ =	strace $0x90000047  }
0x82: {  	s0 =	sadd.s32 @!p0 $0x100000, s0;
	[bflag:$0x2] =	sbarrier.arrive $0xFFFF  }
0x83: {  	[sflag:s0] =	ssyncadd.tile.s32 @!p0 $0x1;
	_ =	shalt  }
.Lfunc_end2:
_tile_overlayer_lowered:
.L_overlay_start_2:
0x84: {  	(tag) =	ssettag $0x2  }
0x85: {  	s0 =	rddreg [dreg:$0x0];
	s2 =	stileid.u32  }
0x86: {  	s1 =	rddreg [dreg:$0x1];
	p0 =	sne.s32 s2, $0x0  }
0x87: {  	s3 =	rddreg [dreg:$0x2];
	[bflag:$0x3] =	sbarrier.arrive $0xFFFF;
	s2 =	simm.s32 @!p0 $0x1C01  }
0x88: {  	[timem:s3], [sflag:s2] =	dma.local @!p0 [hbm:s0], s1  }
0x89: {  	s0 =	simm.s32 @!p0 $0x1  }
0x8a: {  	_ =	swait.ge @!p0 [sflag:s0], s1  }
0x8b: {  	s1 =	ssub.s32 @!p0 $0x0, s1;
	[sflag:s0] =	ssyncset.done @!p0 $0x0  }
0x8c: {  	[sflag:s0] =	ssyncadd.s32 @!p0 s1  }
0x8d: {  	[bflag:$0x3] =	sbarrier.arrive $0xFFFF  }
0x8e: {  	_ =	shalt  }

// kernel: kernel.7.cloned.1.call-start
scs
__scs_entry_jumppad:
0x0: {  	(pc) =	sbr.rel $0x88, $3  }
0x1: {  	(tag) =	ssettag $0x0;
	lr =	simm.s32 $0x1  }
0x2: {  	[smem:$0x3F9F] =	sst lr;
	_ =	strace $0xD0000000  }
0x3: {  	_ = 	snop  }
0x4: {  	_ = 	snop  }
0x5: {  	_ = 	snop  }
0x6: {  	_ = 	snop  }
0x7: {  	_ = 	snop  }
__scs_overlays_trampoline_lowered:
0x8: {  	[smem:$0x3FAE] =	sst s0  }
0x9: {  	[smem:$0x3FAF] =	sst s1  }
0xa: {  	[smem:$0x3FB0] =	sst s2  }
0xb: {  	[smem:$0x3FB1] =	sst s3  }
0xc: {  	[smem:$0x3FB2] =	sst s4  }
0xd: {  	[smem:$0x3FB3] =	sst s5  }
0xe: {  	[smem:$0x3FB4] =	sst s6  }
0xf: {  	[smem:$0x3FB5] =	sst s7  }
0x10: {  	[smem:$0x3FB6] =	sst s8  }
0x11: {  	[smem:$0x3FB7] =	sst s9;
	s0 =	simm.s32 @!p0 $0x0  }
0x12: {  	s1 =	sld [smem:$0x3F9D];
	s0 =	simm.s32 @p0 $0x1  }
0x13: {  	[smem:$0x3FB8] =	sst s0;
	s0 =	simm.s32 @!p1 $0x0  }
0x14: {  	s2 =	sld [smem:$0x3F9C];
	s0 =	simm.s32 @p1 $0x1  }
0x15: {  	[smem:$0x3FB9] =	sst s0;
	s0 =	simm.s32 @!p2 $0x0  }
0x16: {  	s3 =	sld [smem:$0x3FDB];
	s0 =	simm.s32 @p2 $0x1  }
0x17: {  	s4 =	simm.s32 $0x1BF5;
	[smem:$0x3FBB] =	sst s0  }
0x18: {  	s0 =	sld [smem:$0x3F9E];
	_ =	swait.ge [sflag:s4], $0x0  }
0x19: {  	s7 =	sld [smem:$0x3F9F]  }
0x1a: {  	s8 =	sadd.s32 $0xFFFFE003, lr  }
0x1b: {  	s9 =	sadd.s32 $0xFFFFFEF7, lr;
	s5 =	simm.s32 $0xFFFFFFFF;
	p2 =	slt.u32 s8, $0xFFFFF086  }
0x1c: {  	p1 =	slt.u32 s9, $0xF7A;
	s5 =	simm.s32 @!p2 $0x0  }
0x1d: {  	s5 =	simm.s32 @p1 $0x1;
	p0 =	seq.s32 s7, s2  }
0x1e: {  	s7 =	smul.u32 @!p0 $0xF7A, s2;
	p2 =	seq.s32 @!p0 s5, $0x0  }
0x1f: {  	s9 =	smul.u32 $0xF7A, s1;
	s8 =	simm.s32 @!p0 $0x1BF5;
	p2 =	por !p2, p0  }
0x20: {  	[sflag:s8] =	ssyncset.s32 @!p0 $0xFFFFF086;
	s6 =	sadd.s32 @!p0 s3, s7;
	s7 =	simm.s32 @!p0 $0x108  }
0x21: {  	s3 =	sadd.s32 s3, s9;
	s6 =	sadd.s32 @!p0 $0x88, s6;
	s7 =	simm.s32 @p2 $0x1082  }
0x22: {  	[simem:s7], [sflag:s8] =	dma.local @!p0 [hbm:s6], $0xF7A  }
0x23: {  	s9 =	sor.u32 $0xD0000000, s2;
	s6 =	simm.s32 $0x108;
	_ =	swait.ge @!p0 [sflag:s8], $0x0  }
0x24: {  	s3 =	sadd.s32 $0x88, s3;
	s6 =	simm.s32 @!p1 $0x1082;
	[sflag:s4] =	ssyncset.s32 $0xFFFFF086  }
0x25: {  	[simem:s6], [sflag:s4] =	dma.local [hbm:s3], $0xF7A  }
0x26: {  	[smem:$0x3F9F] =	sst s1;
	(tag) =	ssettag s2;
	_ =	strace s9  }
0x27: {  	s1 =	sld [smem:$0x3FAF]  }
0x28: {  	s2 =	sld [smem:$0x3FB0]  }
0x29: {  	s4 =	sld [smem:$0x3FB2]  }
0x2a: {  	p0 =	seq.s32 s5, $0x0;
	s5 =	sld [smem:$0x3FB3]  }
0x2b: {  	s6 =	sld [smem:$0x3FB4]  }
0x2c: {  	s7 =	sld [smem:$0x3FB5]  }
0x2d: {  	s3 =	simm.s32 $0x108;
	s8 =	sld [smem:$0x3FB6]  }
0x2e: {  	s3 =	simm.s32 @!p0 $0x1082;
	s9 =	sld [smem:$0x3FB7]  }
0x2f: {  	lr =	sadd.s32 s0, s3;
	s0 =	sld [smem:$0x3FAE]  }
0x30: {  	s3 =	sld [smem:$0x3FB1]  }
0x31: {  	[smem:$0x3FBA] =	sst s10  }
0x32: {  	s10 =	sld [smem:$0x3FB8];
	_ =	sdelay $0x3  }
0x33: {  	p0 =	seq.s32 s10, $0x1;
	s10 =	sld [smem:$0x3FBA];
	_ =	sdelay $0x3  }
0x34: {  	[smem:$0x3FBA] =	sst s10  }
0x35: {  	s10 =	sld [smem:$0x3FB9];
	_ =	sdelay $0x3  }
0x36: {  	p1 =	seq.s32 s10, $0x1;
	s10 =	sld [smem:$0x3FBA];
	_ =	sdelay $0x3  }
0x37: {  	[smem:$0x3FBA] =	sst s10  }
0x38: {  	s10 =	sld [smem:$0x3FBB]  }
0x39: {  	_ = 	snop;
	(pc) =	sbr.ind lr, $3  }
0x3a: {  	_ = 	snop  }
0x3b: {  	_ = 	snop  }
0x3c: {  	p2 =	seq.s32 s10, $0x1;
	s10 =	sld [smem:$0x3FBA]  }
0x3d: {  	_ =	shalt  }
0x3e: {  	_ =	shalt  }
0x3f: {  	_ =	shalt  }
0x40: {  	_ =	shalt  }
0x41: {  	_ =	shalt  }
0x42: {  	_ =	shalt  }
0x43: {  	_ =	shalt  }
0x44: {  	_ =	shalt  }
0x45: {  	_ =	shalt  }
0x46: {  	_ =	shalt  }
0x47: {  	_ =	shalt  }
0x48: {  	_ =	shalt  }
0x49: {  	_ =	shalt  }
0x4a: {  	_ =	shalt  }
0x4b: {  	_ =	shalt  }
0x4c: {  	_ =	shalt  }
0x4d: {  	_ =	shalt  }
0x4e: {  	_ =	shalt  }
0x4f: {  	_ =	shalt  }
0x50: {  	_ =	shalt  }
0x51: {  	_ =	shalt  }
0x52: {  	_ =	shalt  }
0x53: {  	_ =	shalt  }
0x54: {  	_ =	shalt  }
0x55: {  	_ =	shalt  }
0x56: {  	_ =	shalt  }
0x57: {  	_ =	shalt  }
0x58: {  	_ =	shalt  }
0x59: {  	_ =	shalt  }
0x5a: {  	_ =	shalt  }
0x5b: {  	_ =	shalt  }
0x5c: {  	_ =	shalt  }
0x5d: {  	_ =	shalt  }
0x5e: {  	_ =	shalt  }
0x5f: {  	_ =	shalt  }
0x60: {  	_ =	shalt  }
0x61: {  	_ =	shalt  }
0x62: {  	_ =	shalt  }
0x63: {  	_ =	shalt  }
0x64: {  	_ =	shalt  }
0x65: {  	_ =	shalt  }
0x66: {  	_ =	shalt  }
0x67: {  	_ =	shalt  }
0x68: {  	_ =	shalt  }
0x69: {  	_ =	shalt  }
0x6a: {  	_ =	shalt  }
0x6b: {  	_ =	shalt  }
0x6c: {  	_ =	shalt  }
0x6d: {  	_ =	shalt  }
0x6e: {  	_ =	shalt  }
0x6f: {  	_ =	shalt  }
0x70: {  	_ =	shalt  }
0x71: {  	_ =	shalt  }
0x72: {  	_ =	shalt  }
0x73: {  	_ =	shalt  }
0x74: {  	_ =	shalt  }
0x75: {  	_ =	shalt  }
0x76: {  	_ =	shalt  }
0x77: {  	_ =	shalt  }
0x78: {  	_ =	shalt  }
0x79: {  	_ =	shalt  }
0x7a: {  	_ =	shalt  }
0x7b: {  	_ =	shalt  }
0x7c: {  	_ =	shalt  }
0x7d: {  	_ =	shalt  }
0x7e: {  	_ =	shalt  }
0x7f: {  	_ =	shalt  }
0x80: {  	_ =	shalt  }
0x81: {  	_ =	shalt  }
0x82: {  	_ =	shalt  }
0x83: {  	_ =	shalt  }
0x84: {  	_ =	shalt  }
0x85: {  	_ =	shalt  }
0x86: {  	_ =	shalt  }
0x87: {  	_ =	shalt  }
.Lfunc_end0:
.L_simem_size_0:
called_computation.2_lowered:
.L_overlay_start_0:
0x88: {  	s2 =	sld [smem:$0x3FD9]  }
0x89: {  	s3 =	sld [smem:$0x3FFE];
	_ =	sdelay $0x1  }
0x8a: {  	s1 =	srdreg.scid  }
0x8b: {  	s0 =	sand.u32 $0x1, s1  }
0x8c: {  	s17 =	sshll.u32 s0, $0xA;
	s2 =	sadd.s32 s3, s2  }
0x8d: {  	s2 =	sadd.s32 s2, s17  }
0x8e: {  	[smem:$0x3FC6] =	sst s2  }
0x8f: {  	_ = 	snop  }
0x90: {  	s2 =	sld [smem:$0x3FD0];
	(tm) =	ssettm $0x1  }
0x91: {  	s18 =	sld [smem:$0x3FFB];
	_ =	sdelay $0x3  }
0x92: {  	_ =	strace s18  }
0x93: {  	s3 =	sld [smem:$0x3FFC];
	_ =	sdelay $0x3  }
0x94: {  	_ =	strace s3  }
0x95: {  	s3 =	sld [smem:$0x3FFD];
	_ =	sdelay $0x3  }
0x96: {  	_ =	strace s3  }
0x97: {  	_ =	strace $0x8FFFFFFF  }
0x98: {  	s19 =	sld [smem:$0x3FDB];
	_ =	sdelay $0x1  }
0x99: {  	s4 =	simm.s32 $_scs_section_size  }
0x9a: {  	s5 =	simm.s32 $_size__tile_overlayer_lowered;
	s6 =	simm.s32 $_tile_overlayer_lowered  }
0x9b: {  	s22 =	simm.s32 $0x1BFF;
	s21 =	sshll.u32 s6, $0x1;
	s3 =	sadd.s32 s4, s19  }
0x9c: {  	s7 =	simm.s32 $0x0;
	s20 =	sshll.u32 s5, $0x1;
	s5 =	sadd.s32 s21, s3  }
0x9d: {  	[timem:s7], [sflag:s22] =	dma.local [hbm:s5], s20  }
0x9e: {  	_ =	swait.ge [sflag:s22], s20  }
0x9f: {  	s4 =	ssub.s32 $0x0, s20;
	[sflag:s22] =	ssyncset.done $0x0  }
0xa0: {  	[sflag:s22] =	ssyncadd.s32 s4;
	_ =	sdelay $0x1  }
0xa1: {  	s23 =	simm.s32 $0x1B8B  }
0xa2: {  	_ =	swait.ge [sflag:s23], $0x1  }
0xa3: {  	[sflag:s23] =	ssyncset.done $0x0  }
0xa4: {  	s25 =	simm.s32 $0x1B8E;
	s24 =	sld [smem:$0x3FFE];
	[sflag:s23] =	ssyncadd.s32 $0xFFFFFFFF  }
0xa5: {  	s26 =	simm.s32 $execute0_lowered;
	[smem:$0x3FD2] =	sst s25  }
0xa6: {  	s5 =	sshll.u32 s26, $0x1;
	_ =	strace $0x80000049;
	[dreg:$0x1] =	wrdreg $0xFFFFFFFF  }
0xa7: {  	s28 =	simm.s32 $_size_execute0_lowered;
	s3 =	sadd.s32 s3, s5;
	[dreg:$0x0] =	wrdreg $0x0  }
0xa8: {  	s5 =	sshll.u32 s28, $0x1;
	[dreg:$0x2] =	wrdreg s3  }
0xa9: {  	[dreg:$0x3] =	wrdreg s5  }
0xaa: {  	[dreg:$0x4] =	wrdreg $0xC0  }
0xab: {  	_ =	task [dreg:s7], $0x5FFFF  }
0xac: {  	[dreg:$0x1] =	wrdreg $0xFFFFFFFF  }
0xad: {  	[dreg:$0x0] =	wrdreg $0x60  }
0xae: {  	[dreg:$0x2] =	wrdreg s24  }
0xaf: {  	[dreg:$0x3] =	wrdreg s2  }
0xb0: {  	[dreg:$0x4] =	wrdreg $0x9  }
0xb1: {  	_ =	task.clear_ibuf [dreg:s7], $0x5FFFF;
	_ =	strace $0x90000049  }
0xb2: {  	s29 =	simm.s32 $0x9;
	_ =	strace $0x8000004B  }
0xb3: {  	_ =	swait.ge [sflag:s29], $0x1  }
0xb4: {  	[sflag:s29] =	ssyncadd.s32 $0xFFFFFFFF  }
0xb5: {  	_ =	strace $0x9000004B  }
0xb6: {  	_ =	sfence  }
0xb7: {  	s30 =	sld [smem:$0x0];
	_ =	sdelay $0x2  }
0xb8: {  	s31 =	sshll.u32 s1, $0xD;
	s1 =	sshrl.u32 s1, $0x2  }
0xb9: {  	s3 =	sand.u32 $0x4000, s31;
	s1 =	sadd.s32 s1, s30  }
0xba: {  	s0 =	sor.u32 s3, s0;
	s1 =	sshll.u32 s1, $0x11  }
0xbb: {  	s0 =	sor.u32 s1, s0  }
0xbc: {  	s0 =	sadd.s32 $0x8F2B, s0  }
0xbd: {  	[sflag:s0] =	ssyncadd.remote.s32 $0x1  }
0xbe: {  	_ =	sfence.sel $0xFFFF  }
0xbf: {  	[dreg:$0x0] =	wrdreg $0xFFFFFFFF;
	(pc) =	sbr.abs _section_cstart, $3  }
0xc0: {  	[dreg:$0x1] =	wrdreg $0xFFFFFFFF  }
0xc1: {  	_ =	task.clear_ibuf [dreg:s7], $0x2FFFF;
	_ =	strace $0x9FFFFFFF  }
0xc2: {  	(tm) =	ssettm $0x7FFFFFFF  }
0xc3: {  	_ =	shalt  }
tec
execute0_lowered:
.L_overlay_start_1:
0x0: {  	(tag) =	ssettag $0x1  }
0x1: {  	s0 =	rddreg [dreg:$0x0]  }
0x2: {  	s1 =	srdreg.scid;
	s9 =	stileid.u32  }
0x3: {  	s4 =	rddreg [dreg:$0x1];
	s2 =	simm.s32 $0x0;
	s16 =	simm.s32 $0x40  }
0x4: {  	s1 =	sand.u32 $0x1, s1;
	s3 =	sshll.u32 s9, $0x1;
	[smem:$0x7FF] =	sst s2  }
0x5: {  	s13 =	simm.s32 $0x2;
	s5 =	sor.u32 s1, s3;
	_ =	strace $0x8000004A  }
0x6: {  	s7 =	ssub.s32 $0x2, s1;
	s6 =	smul.u32 $0xC8000, s5;
	s5 =	sshll.u32 s5, $0xC  }
0x7: {  	s3 =	sadd.s32 $0xF63000, s0;
	s8 =	sshrl.u32 s7, $0x1;
	s0 =	sadd.s32 s5, s0  }
0x8: {  	s21 =	ssub.s32 s7, s8;
	s6 =	sshrl.u32 s6, $0x3;
	s0 =	sadd.s32 $0xC00, s0  }
0x9: {  	s31 =	smax.u32 s21, $0x1;
	s6 =	sadd.s32 s4, s6;
	[dreg:$0x3] =	wrdreg s0  }
0xa: {  	s15 =	simm.s32 $0x3;
	[dreg:$0xc] =	wrdreg s31;
	s22 =	sadd.s32 $0x18380, s6  }
0xb: {  	s26 =	smul.u32 $0x32000, s9;
	s23 =	sadd.s32 $0x18510, s6;
	[dreg:$0x4] =	wrdreg s22  }
0xc: {  	s9 =	simm.s32 $0x8;
	s24 =	sadd.s32 $0x186A0, s6;
	[dreg:$0x5] =	wrdreg s23  }
0xd: {  	s1 =	smul.u32 $0x19000, s1;
	s25 =	sadd.s32 $0x18830, s6;
	[dreg:$0x6] =	wrdreg s24  }
0xe: {  	s5 =	simm.s32 $0x4;
	s28 =	sadd.s32 $0x189C0, s6;
	[dreg:$0x7] =	wrdreg s25  }
0xf: {  	s7 =	simm.s32 $0x6;
	s29 =	sadd.s32 $0x18B50, s6;
	[dreg:$0x8] =	wrdreg s28  }
0x10: {  	s8 =	simm.s32 $0x7;
	s30 =	sadd.s32 $0x18CE0, s6;
	[dreg:$0x9] =	wrdreg s29  }
0x11: {  	s0 =	sadd.s32 s26, s4;
	s6 =	sadd.s32 $0x18E70, s6;
	[dreg:$0xa] =	wrdreg s30  }
0x12: {  	s4 =	simm.s32 $0x1;
	s0 =	sadd.s32 s1, s0;
	[dreg:$0xb] =	wrdreg s6  }
0x13: {  	s1 =	simm.s32 $0x0;
	[dreg:$0xd] =	wrdreg s0;
	s6 =	simm.s32 $0x5  }
.LBB2_1:
0x14: {  	[dreg:$0xe] =	wrdreg s1  }
0x15: {  	s24 =	rddreg [dreg:$0x3];
	s30 =	simm.s32 $0x11  }
0x16: {  	[tilespmem:s2], [sflag:$0x11] =	stream.linear.gather [hbm4b:s24+s2], $0x8000, $0x38;
	[tilespmem:$0x10000] =	vst v63  }
0x17: {  	_ =	swait.ge [sflag:s30], $0x8000  }
0x18: {  	[sflag:s30] =	ssyncset.done $0x0  }
0x19: {  	s0 =	simm.s32 $0x8000;
	[sflag:s30] =	ssyncadd.s32 $0xFFFF8000  }
0x1a: {  	[tilespmem:s0], [sflag:$0x1] =	stream.indirect.gather [hbm4b:s3+s16], $0x20, s2, s16, $0xb8;
	[tilespmem:$0x10000] =	vst v63  }
0x1b: {  	s21 =	simm.s32 $0x8800  }
0x1c: {  	[tilespmem:s21], [sflag:$0x1] =	stream.indirect.gather [hbm4b:s3+s16], $0x20, s16, s16, $0xb8;
	[tilespmem:$0x10000] =	vst v63  }
0x1d: {  	s31 =	simm.s32 $0x80;
	s25 =	simm.s32 $0x9000  }
0x1e: {  	[tilespmem:s25], [sflag:$0x2] =	stream.indirect.gather [hbm4b:s3+s16], $0x20, s31, s16, $0xb8;
	[tilespmem:$0x10000] =	vst v63  }
0x1f: {  	s1 =	simm.s32 $0xC0;
	s19 =	simm.s32 $0x9800  }
0x20: {  	[tilespmem:s19], [sflag:$0x2] =	stream.indirect.gather [hbm4b:s3+s16], $0x20, s1, s16, $0xb8;
	[tilespmem:$0x10000] =	vst v63  }
0x21: {  	s10 =	simm.s32 $0x100;
	s28 =	simm.s32 $0xA000  }
0x22: {  	[tilespmem:s28], [sflag:$0x3] =	stream.indirect.gather [hbm4b:s3+s16], $0x20, s10, s16, $0xb8;
	[tilespmem:$0x10000] =	vst v63  }
0x23: {  	s11 =	simm.s32 $0x140;
	s23 =	simm.s32 $0xA800  }
0x24: {  	[tilespmem:s23], [sflag:$0x3] =	stream.indirect.gather [hbm4b:s3+s16], $0x20, s11, s16, $0xb8;
	[tilespmem:$0x10000] =	vst v63  }
0x25: {  	s12 =	simm.s32 $0x180;
	s1 =	simm.s32 $0xB000  }
0x26: {  	[tilespmem:s1], [sflag:$0x4] =	stream.indirect.gather [hbm4b:s3+s16], $0x20, s12, s16, $0xb8;
	[tilespmem:$0x10000] =	vst v63  }
0x27: {  	s14 =	simm.s32 $0x1C0;
	s10 =	simm.s32 $0xB800  }
0x28: {  	[tilespmem:s10], [sflag:$0x4] =	stream.indirect.gather [hbm4b:s3+s16], $0x20, s14, s16, $0xb8;
	[tilespmem:$0x10000] =	vst v63  }
0x29: {  	s17 =	simm.s32 $0x200;
	s11 =	simm.s32 $0xC000  }
0x2a: {  	[tilespmem:s11], [sflag:$0x5] =	stream.indirect.gather [hbm4b:s3+s16], $0x20, s17, s16, $0xb8;
	[tilespmem:$0x10000] =	vst v63  }
0x2b: {  	s18 =	simm.s32 $0x240;
	s12 =	simm.s32 $0xC800  }
0x2c: {  	[tilespmem:s12], [sflag:$0x5] =	stream.indirect.gather [hbm4b:s3+s16], $0x20, s18, s16, $0xb8;
	[tilespmem:$0x10000] =	vst v63  }
0x2d: {  	s20 =	simm.s32 $0x280;
	s29 =	simm.s32 $0xD000  }
0x2e: {  	[tilespmem:s29], [sflag:$0x6] =	stream.indirect.gather [hbm4b:s3+s16], $0x20, s20, s16, $0xb8;
	[tilespmem:$0x10000] =	vst v63  }
0x2f: {  	s30 =	simm.s32 $0xD800;
	s14 =	simm.s32 $0x2C0  }
0x30: {  	[tilespmem:s30], [sflag:$0x6] =	stream.indirect.gather [hbm4b:s3+s16], $0x20, s14, s16, $0xb8;
	[tilespmem:$0x10000] =	vst v63  }
0x31: {  	s22 =	simm.s32 $0x300;
	s17 =	simm.s32 $0xE000  }
0x32: {  	[tilespmem:s17], [sflag:$0x7] =	stream.indirect.gather [hbm4b:s3+s16], $0x20, s22, s16, $0xb8;
	[tilespmem:$0x10000] =	vst v63  }
0x33: {  	s24 =	simm.s32 $0x340;
	s18 =	simm.s32 $0xE800  }
0x34: {  	[tilespmem:s18], [sflag:$0x7] =	stream.indirect.gather [hbm4b:s3+s16], $0x20, s24, s16, $0xb8;
	[tilespmem:$0x10000] =	vst v63  }
0x35: {  	s26 =	simm.s32 $0x380;
	s20 =	simm.s32 $0xF000  }
0x36: {  	[tilespmem:s20], [sflag:$0x8] =	stream.indirect.gather [hbm4b:s3+s16], $0x20, s26, s16, $0xb8;
	[tilespmem:$0x10000] =	vst v63  }
0x37: {  	s31 =	simm.s32 $0x3C0;
	s22 =	simm.s32 $0xF800  }
0x38: {  	[tilespmem:s22], [sflag:$0x8] =	stream.indirect.gather [hbm4b:s3+s16], $0x20, s31, s16, $0xb8;
	[tilespmem:$0x10000] =	vst v63  }
0x39: {  	_ =	swait.ge [sflag:s4], $0x800  }
0x3a: {  	[sflag:s4] =	ssyncset.done $0x0  }
0x3b: {  	[sflag:s4] =	ssyncadd.s32 $0xFFFFF800  }
0x3c: {  	_ =	swait.ge [sflag:s4], $0x800  }
0x3d: {  	[sflag:s4] =	ssyncset.done $0x0  }
0x3e: {  	s26 =	rddreg [dreg:$0xd];
	[sflag:s4] =	ssyncadd.s32 $0xFFFFF800  }
0x3f: {  	[hbm4b:s26+s2] =	stream.linear.scatter [tilespmem:s0], [sflag:$0x9], $0x640, $0x38;
	[tilespmem:$0x10000] =	vst v63  }
0x40: {  	s14 =	sadd.s32 $0xC8, s26  }
0x41: {  	[hbm4b:s14+s2] =	stream.linear.scatter [tilespmem:s21], [sflag:$0x9], $0x640, $0x38;
	[tilespmem:$0x10000] =	vst v63  }
0x42: {  	_ =	swait.ge [sflag:s13], $0x800  }
0x43: {  	[sflag:s13] =	ssyncset.done $0x0  }
0x44: {  	[sflag:s13] =	ssyncadd.s32 $0xFFFFF800  }
0x45: {  	_ =	swait.ge [sflag:s13], $0x800  }
0x46: {  	[sflag:s13] =	ssyncset.done $0x0  }
0x47: {  	s31 =	sadd.s32 $0x190, s26;
	[sflag:s13] =	ssyncadd.s32 $0xFFFFF800  }
0x48: {  	[hbm4b:s31+s2] =	stream.linear.scatter [tilespmem:s25], [sflag:$0xA], $0x640, $0x38;
	[tilespmem:$0x10000] =	vst v63  }
0x49: {  	s14 =	sadd.s32 $0x258, s26  }
0x4a: {  	[hbm4b:s14+s2] =	stream.linear.scatter [tilespmem:s19], [sflag:$0xA], $0x640, $0x38;
	[tilespmem:$0x10000] =	vst v63  }
0x4b: {  	_ =	swait.ge [sflag:s15], $0x800  }
0x4c: {  	[sflag:s15] =	ssyncset.done $0x0  }
0x4d: {  	[sflag:s15] =	ssyncadd.s32 $0xFFFFF800  }
0x4e: {  	_ =	swait.ge [sflag:s15], $0x800  }
0x4f: {  	[sflag:s15] =	ssyncset.done $0x0  }
0x50: {  	s31 =	sadd.s32 $0x320, s26;
	[sflag:s15] =	ssyncadd.s32 $0xFFFFF800  }
0x51: {  	[hbm4b:s31+s2] =	stream.linear.scatter [tilespmem:s28], [sflag:$0xB], $0x640, $0x38;
	[tilespmem:$0x10000] =	vst v63  }
0x52: {  	s14 =	sadd.s32 $0x3E8, s26  }
0x53: {  	[hbm4b:s14+s2] =	stream.linear.scatter [tilespmem:s23], [sflag:$0xB], $0x640, $0x38;
	[tilespmem:$0x10000] =	vst v63  }
0x54: {  	_ =	swait.ge [sflag:s5], $0x800  }
0x55: {  	[sflag:s5] =	ssyncset.done $0x0  }
0x56: {  	[sflag:s5] =	ssyncadd.s32 $0xFFFFF800  }
0x57: {  	_ =	swait.ge [sflag:s5], $0x800  }
0x58: {  	[sflag:s5] =	ssyncset.done $0x0  }
0x59: {  	s31 =	sadd.s32 $0x4B0, s26;
	[sflag:s5] =	ssyncadd.s32 $0xFFFFF800  }
0x5a: {  	[hbm4b:s31+s2] =	stream.linear.scatter [tilespmem:s1], [sflag:$0xC], $0x640, $0x38;
	[tilespmem:$0x10000] =	vst v63  }
0x5b: {  	s14 =	sadd.s32 $0x578, s26  }
0x5c: {  	[hbm4b:s14+s2] =	stream.linear.scatter [tilespmem:s10], [sflag:$0xC], $0x640, $0x38;
	[tilespmem:$0x10000] =	vst v63  }
0x5d: {  	_ =	swait.ge [sflag:s6], $0x800  }
0x5e: {  	[sflag:s6] =	ssyncset.done $0x0  }
0x5f: {  	[sflag:s6] =	ssyncadd.s32 $0xFFFFF800  }
0x60: {  	_ =	swait.ge [sflag:s6], $0x800  }
0x61: {  	[sflag:s6] =	ssyncset.done $0x0  }
0x62: {  	s31 =	sadd.s32 $0x640, s26;
	[sflag:s6] =	ssyncadd.s32 $0xFFFFF800  }
0x63: {  	[hbm4b:s31+s2] =	stream.linear.scatter [tilespmem:s11], [sflag:$0xD], $0x640, $0x38;
	[tilespmem:$0x10000] =	vst v63  }
0x64: {  	s14 =	sadd.s32 $0x708, s26  }
0x65: {  	[hbm4b:s14+s2] =	stream.linear.scatter [tilespmem:s12], [sflag:$0xD], $0x640, $0x38;
	[tilespmem:$0x10000] =	vst v63  }
0x66: {  	_ =	swait.ge [sflag:s7], $0x800  }
0x67: {  	[sflag:s7] =	ssyncset.done $0x0  }
0x68: {  	[sflag:s7] =	ssyncadd.s32 $0xFFFFF800  }
0x69: {  	_ =	swait.ge [sflag:s7], $0x800  }
0x6a: {  	[sflag:s7] =	ssyncset.done $0x0  }
0x6b: {  	s31 =	sadd.s32 $0x7D0, s26;
	[sflag:s7] =	ssyncadd.s32 $0xFFFFF800  }
0x6c: {  	[hbm4b:s31+s2] =	stream.linear.scatter [tilespmem:s29], [sflag:$0xE], $0x640, $0x38;
	[tilespmem:$0x10000] =	vst v63  }
0x6d: {  	s14 =	sadd.s32 $0x898, s26  }
0x6e: {  	[hbm4b:s14+s2] =	stream.linear.scatter [tilespmem:s30], [sflag:$0xE], $0x640, $0x38;
	[tilespmem:$0x10000] =	vst v63  }
0x6f: {  	_ =	swait.ge [sflag:s8], $0x800  }
0x70: {  	[sflag:s8] =	ssyncset.done $0x0  }
0x71: {  	[sflag:s8] =	ssyncadd.s32 $0xFFFFF800  }
0x72: {  	_ =	swait.ge [sflag:s8], $0x800  }
0x73: {  	[sflag:s8] =	ssyncset.done $0x0  }
0x74: {  	s31 =	sadd.s32 $0x960, s26;
	[sflag:s8] =	ssyncadd.s32 $0xFFFFF800  }
0x75: {  	[hbm4b:s31+s2] =	stream.linear.scatter [tilespmem:s17], [sflag:$0xF], $0x640, $0x38;
	[tilespmem:$0x10000] =	vst v63  }
0x76: {  	s14 =	sadd.s32 $0xA28, s26  }
0x77: {  	[hbm4b:s14+s2] =	stream.linear.scatter [tilespmem:s18], [sflag:$0xF], $0x640, $0x38;
	[tilespmem:$0x10000] =	vst v63  }
0x78: {  	_ =	swait.ge [sflag:s9], $0x800  }
0x79: {  	[sflag:s9] =	ssyncset.done $0x0  }
0x7a: {  	[sflag:s9] =	ssyncadd.s32 $0xFFFFF800  }
0x7b: {  	_ =	swait.ge [sflag:s9], $0x800  }
0x7c: {  	[sflag:s9] =	ssyncset.done $0x0  }
0x7d: {  	s31 =	sadd.s32 $0xAF0, s26;
	[sflag:s9] =	ssyncadd.s32 $0xFFFFF800  }
0x7e: {  	[hbm4b:s31+s2] =	stream.linear.scatter [tilespmem:s20], [sflag:$0x10], $0x640, $0x38;
	[tilespmem:$0x10000] =	vst v63  }
0x7f: {  	s24 =	simm.s32 $0x9;
	s14 =	sadd.s32 $0xBB8, s26  }
0x80: {  	[hbm4b:s14+s2] =	stream.linear.scatter [tilespmem:s22], [sflag:$0x10], $0x640, $0x38;
	[tilespmem:$0x10000] =	vst v63  }
0x81: {  	_ =	swait.ge [sflag:s24], $0xC80  }
0x82: {  	[sflag:s24] =	ssyncset.done $0x0  }
0x83: {  	s31 =	simm.s32 $0x400;
	[sflag:s24] =	ssyncadd.s32 $0xFFFFF380  }
0x84: {  	[tilespmem:s0], [sflag:$0x1] =	stream.indirect.gather [hbm4b:s3+s16], $0x20, s31, s16, $0xb8;
	[tilespmem:$0x10000] =	vst v63  }
0x85: {  	s14 =	simm.s32 $0xA;
	s0 =	simm.s32 $0x440  }
0x86: {  	[tilespmem:s21], [sflag:$0x1] =	stream.indirect.gather [hbm4b:s3+s16], $0x20, s0, s16, $0xb8;
	[tilespmem:$0x10000] =	vst v63  }
0x87: {  	_ =	swait.ge [sflag:s14], $0xC80  }
0x88: {  	[sflag:s14] =	ssyncset.done $0x0  }
0x89: {  	s21 =	simm.s32 $0x480;
	[sflag:s14] =	ssyncadd.s32 $0xFFFFF380  }
0x8a: {  	[tilespmem:s25], [sflag:$0x2] =	stream.indirect.gather [hbm4b:s3+s16], $0x20, s21, s16, $0xb8;
	[tilespmem:$0x10000] =	vst v63  }
0x8b: {  	s22 =	simm.s32 $0x4C0;
	s24 =	simm.s32 $0xB  }
0x8c: {  	[tilespmem:s19], [sflag:$0x2] =	stream.indirect.gather [hbm4b:s3+s16], $0x20, s22, s16, $0xb8;
	[tilespmem:$0x10000] =	vst v63  }
0x8d: {  	_ =	swait.ge [sflag:s24], $0xC80  }
0x8e: {  	[sflag:s24] =	ssyncset.done $0x0  }
0x8f: {  	s25 =	simm.s32 $0x500;
	[sflag:s24] =	ssyncadd.s32 $0xFFFFF380  }
0x90: {  	[tilespmem:s28], [sflag:$0x3] =	stream.indirect.gather [hbm4b:s3+s16], $0x20, s25, s16, $0xb8;
	[tilespmem:$0x10000] =	vst v63  }
0x91: {  	s31 =	simm.s32 $0xC;
	s28 =	simm.s32 $0x540  }
0x92: {  	[tilespmem:s23], [sflag:$0x3] =	stream.indirect.gather [hbm4b:s3+s16], $0x20, s28, s16, $0xb8;
	[tilespmem:$0x10000] =	vst v63  }
0x93: {  	_ =	swait.ge [sflag:s31], $0xC80  }
0x94: {  	[sflag:s31] =	ssyncset.done $0x0  }
0x95: {  	s0 =	simm.s32 $0x580;
	[sflag:s31] =	ssyncadd.s32 $0xFFFFF380  }
0x96: {  	[tilespmem:s1], [sflag:$0x4] =	stream.indirect.gather [hbm4b:s3+s16], $0x20, s0, s16, $0xb8;
	[tilespmem:$0x10000] =	vst v63  }
0x97: {  	s1 =	simm.s32 $0x5C0  }
0x98: {  	[tilespmem:s10], [sflag:$0x4] =	stream.indirect.gather [hbm4b:s3+s16], $0x20, s1, s16, $0xb8;
	[tilespmem:$0x10000] =	vst v63  }
0x99: {  	s10 =	simm.s32 $0xD  }
0x9a: {  	_ =	swait.ge [sflag:s10], $0xC80  }
0x9b: {  	[sflag:s10] =	ssyncset.done $0x0  }
0x9c: {  	s14 =	simm.s32 $0x600;
	[sflag:s10] =	ssyncadd.s32 $0xFFFFF380  }
0x9d: {  	[tilespmem:s11], [sflag:$0x5] =	stream.indirect.gather [hbm4b:s3+s16], $0x20, s14, s16, $0xb8;
	[tilespmem:$0x10000] =	vst v63  }
0x9e: {  	s21 =	simm.s32 $0xE;
	s19 =	simm.s32 $0x640  }
0x9f: {  	[tilespmem:s12], [sflag:$0x5] =	stream.indirect.gather [hbm4b:s3+s16], $0x20, s19, s16, $0xb8;
	[tilespmem:$0x10000] =	vst v63  }
0xa0: {  	_ =	swait.ge [sflag:s21], $0xC80  }
0xa1: {  	[sflag:s21] =	ssyncset.done $0x0  }
0xa2: {  	s22 =	simm.s32 $0x680;
	[sflag:s21] =	ssyncadd.s32 $0xFFFFF380  }
0xa3: {  	[tilespmem:s29], [sflag:$0x6] =	stream.indirect.gather [hbm4b:s3+s16], $0x20, s22, s16, $0xb8;
	[tilespmem:$0x10000] =	vst v63  }
0xa4: {  	s24 =	simm.s32 $0xF;
	s23 =	simm.s32 $0x6C0  }
0xa5: {  	[tilespmem:s30], [sflag:$0x6] =	stream.indirect.gather [hbm4b:s3+s16], $0x20, s23, s16, $0xb8;
	[tilespmem:$0x10000] =	vst v63  }
0xa6: {  	_ =	swait.ge [sflag:s24], $0xC80  }
0xa7: {  	[sflag:s24] =	ssyncset.done $0x0  }
0xa8: {  	s25 =	simm.s32 $0x700;
	[sflag:s24] =	ssyncadd.s32 $0xFFFFF380  }
0xa9: {  	[tilespmem:s17], [sflag:$0x7] =	stream.indirect.gather [hbm4b:s3+s16], $0x20, s25, s16, $0xb8;
	[tilespmem:$0x10000] =	vst v63  }
0xaa: {  	s28 =	simm.s32 $0x740;
	s30 =	simm.s32 $0x10  }
0xab: {  	[tilespmem:s18], [sflag:$0x7] =	stream.indirect.gather [hbm4b:s3+s16], $0x20, s28, s16, $0xb8;
	[tilespmem:$0x10000] =	vst v63  }
0xac: {  	_ =	swait.ge [sflag:s30], $0xC80  }
0xad: {  	s26 =	sadd.s32 $0xC80, s26;
	s31 =	simm.s32 $0x780;
	[sflag:s30] =	ssyncset.done $0x0  }
0xae: {  	s29 =	simm.s32 $0x7C0;
	s24 =	simm.s32 $0x1000;
	[sflag:s30] =	ssyncadd.s32 $0xFFFFF380  }
0xaf: {  	[tilespmem:s20], [sflag:$0x8] =	stream.indirect.gather [hbm4b:s3+s16], $0x20, s31, s16, $0xb8;
	[tilespmem:$0x10000] =	vst v63  }
.LBB2_2:
0xb0: {  	s21 =	simm.s32 $0xF800  }
0xb1: {  	[tilespmem:s21], [sflag:$0x8] =	stream.indirect.gather [hbm4b:s3+s16], $0x20, s29, s16, $0xb8;
	[tilespmem:$0x10000] =	vst v63  }
0xb2: {  	s29 =	smov.u32 s24  }
0xb3: {  	p0 =	sne.s32 s24, $0x1E000;
	s24 =	sadd.s32 $0x1000, s24;
	_ =	swait.ge [sflag:s4], $0x800  }
0xb4: {  	[sflag:s4] =	ssyncset.done $0x0  }
0xb5: {  	[sflag:s4] =	ssyncadd.s32 $0xFFFFF800  }
0xb6: {  	_ =	swait.ge [sflag:s4], $0x800  }
0xb7: {  	[sflag:s4] =	ssyncset.done $0x0  }
0xb8: {  	s0 =	simm.s32 $0x8000;
	[sflag:s4] =	ssyncadd.s32 $0xFFFFF800  }
0xb9: {  	[hbm4b:s26+s2] =	stream.linear.scatter [tilespmem:s0], [sflag:$0x9], $0x640, $0x38;
	[tilespmem:$0x10000] =	vst v63  }
0xba: {  	s31 =	sadd.s32 $0xC8, s26;
	s25 =	simm.s32 $0x8800  }
0xbb: {  	[hbm4b:s31+s2] =	stream.linear.scatter [tilespmem:s25], [sflag:$0x9], $0x640, $0x38;
	[tilespmem:$0x10000] =	vst v63  }
0xbc: {  	_ =	swait.ge [sflag:s13], $0x800  }
0xbd: {  	[sflag:s13] =	ssyncset.done $0x0  }
0xbe: {  	[sflag:s13] =	ssyncadd.s32 $0xFFFFF800  }
0xbf: {  	_ =	swait.ge [sflag:s13], $0x800  }
0xc0: {  	[sflag:s13] =	ssyncset.done $0x0  }
0xc1: {  	s30 =	simm.s32 $0x9000;
	s31 =	sadd.s32 $0x190, s26;
	[sflag:s13] =	ssyncadd.s32 $0xFFFFF800  }
0xc2: {  	[hbm4b:s31+s2] =	stream.linear.scatter [tilespmem:s30], [sflag:$0xA], $0x640, $0x38;
	[tilespmem:$0x10000] =	vst v63  }
0xc3: {  	s19 =	simm.s32 $0x9800;
	s31 =	sadd.s32 $0x258, s26  }
0xc4: {  	[hbm4b:s31+s2] =	stream.linear.scatter [tilespmem:s19], [sflag:$0xA], $0x640, $0x38;
	[tilespmem:$0x10000] =	vst v63  }
0xc5: {  	_ =	swait.ge [sflag:s15], $0x800  }
0xc6: {  	[sflag:s15] =	ssyncset.done $0x0  }
0xc7: {  	[sflag:s15] =	ssyncadd.s32 $0xFFFFF800  }
0xc8: {  	_ =	swait.ge [sflag:s15], $0x800  }
0xc9: {  	[sflag:s15] =	ssyncset.done $0x0  }
0xca: {  	s28 =	simm.s32 $0xA000;
	s31 =	sadd.s32 $0x320, s26;
	[sflag:s15] =	ssyncadd.s32 $0xFFFFF800  }
0xcb: {  	[hbm4b:s31+s2] =	stream.linear.scatter [tilespmem:s28], [sflag:$0xB], $0x640, $0x38;
	[tilespmem:$0x10000] =	vst v63  }
0xcc: {  	s23 =	simm.s32 $0xA800;
	s31 =	sadd.s32 $0x3E8, s26  }
0xcd: {  	[hbm4b:s31+s2] =	stream.linear.scatter [tilespmem:s23], [sflag:$0xB], $0x640, $0x38;
	[tilespmem:$0x10000] =	vst v63  }
0xce: {  	_ =	swait.ge [sflag:s5], $0x800  }
0xcf: {  	[sflag:s5] =	ssyncset.done $0x0  }
0xd0: {  	[sflag:s5] =	ssyncadd.s32 $0xFFFFF800  }
0xd1: {  	_ =	swait.ge [sflag:s5], $0x800  }
0xd2: {  	[sflag:s5] =	ssyncset.done $0x0  }
0xd3: {  	s1 =	simm.s32 $0xB000;
	s31 =	sadd.s32 $0x4B0, s26;
	[sflag:s5] =	ssyncadd.s32 $0xFFFFF800  }
0xd4: {  	[hbm4b:s31+s2] =	stream.linear.scatter [tilespmem:s1], [sflag:$0xC], $0x640, $0x38;
	[tilespmem:$0x10000] =	vst v63  }
0xd5: {  	s10 =	simm.s32 $0xB800;
	s31 =	sadd.s32 $0x578, s26  }
0xd6: {  	[hbm4b:s31+s2] =	stream.linear.scatter [tilespmem:s10], [sflag:$0xC], $0x640, $0x38;
	[tilespmem:$0x10000] =	vst v63  }
0xd7: {  	_ =	swait.ge [sflag:s6], $0x800  }
0xd8: {  	[sflag:s6] =	ssyncset.done $0x0  }
0xd9: {  	[sflag:s6] =	ssyncadd.s32 $0xFFFFF800  }
0xda: {  	_ =	swait.ge [sflag:s6], $0x800  }
0xdb: {  	[sflag:s6] =	ssyncset.done $0x0  }
0xdc: {  	s11 =	simm.s32 $0xC000;
	s31 =	sadd.s32 $0x640, s26;
	[sflag:s6] =	ssyncadd.s32 $0xFFFFF800  }
0xdd: {  	[hbm4b:s31+s2] =	stream.linear.scatter [tilespmem:s11], [sflag:$0xD], $0x640, $0x38;
	[tilespmem:$0x10000] =	vst v63  }
0xde: {  	s12 =	simm.s32 $0xC800;
	s31 =	sadd.s32 $0x708, s26  }
0xdf: {  	[hbm4b:s31+s2] =	stream.linear.scatter [tilespmem:s12], [sflag:$0xD], $0x640, $0x38;
	[tilespmem:$0x10000] =	vst v63  }
0xe0: {  	_ =	swait.ge [sflag:s7], $0x800  }
0xe1: {  	[sflag:s7] =	ssyncset.done $0x0  }
0xe2: {  	[sflag:s7] =	ssyncadd.s32 $0xFFFFF800  }
0xe3: {  	_ =	swait.ge [sflag:s7], $0x800  }
0xe4: {  	[sflag:s7] =	ssyncset.done $0x0  }
0xe5: {  	s14 =	simm.s32 $0xD000;
	s31 =	sadd.s32 $0x7D0, s26;
	[sflag:s7] =	ssyncadd.s32 $0xFFFFF800  }
0xe6: {  	[hbm4b:s31+s2] =	stream.linear.scatter [tilespmem:s14], [sflag:$0xE], $0x640, $0x38;
	[tilespmem:$0x10000] =	vst v63  }
0xe7: {  	s17 =	simm.s32 $0xD800;
	s31 =	sadd.s32 $0x898, s26  }
0xe8: {  	[hbm4b:s31+s2] =	stream.linear.scatter [tilespmem:s17], [sflag:$0xE], $0x640, $0x38;
	[tilespmem:$0x10000] =	vst v63  }
0xe9: {  	_ =	swait.ge [sflag:s8], $0x800  }
0xea: {  	[sflag:s8] =	ssyncset.done $0x0  }
0xeb: {  	[sflag:s8] =	ssyncadd.s32 $0xFFFFF800  }
0xec: {  	_ =	swait.ge [sflag:s8], $0x800  }
0xed: {  	[sflag:s8] =	ssyncset.done $0x0  }
0xee: {  	s18 =	simm.s32 $0xE000;
	s31 =	sadd.s32 $0x960, s26;
	[sflag:s8] =	ssyncadd.s32 $0xFFFFF800  }
0xef: {  	[hbm4b:s31+s2] =	stream.linear.scatter [tilespmem:s18], [sflag:$0xF], $0x640, $0x38;
	[tilespmem:$0x10000] =	vst v63  }
0xf0: {  	s20 =	simm.s32 $0xE800;
	s31 =	sadd.s32 $0xA28, s26  }
0xf1: {  	[hbm4b:s31+s2] =	stream.linear.scatter [tilespmem:s20], [sflag:$0xF], $0x640, $0x38;
	[tilespmem:$0x10000] =	vst v63  }
0xf2: {  	_ =	swait.ge [sflag:s9], $0x800  }
0xf3: {  	[sflag:s9] =	ssyncset.done $0x0  }
0xf4: {  	[sflag:s9] =	ssyncadd.s32 $0xFFFFF800  }
0xf5: {  	_ =	swait.ge [sflag:s9], $0x800  }
0xf6: {  	[sflag:s9] =	ssyncset.done $0x0  }
0xf7: {  	s22 =	simm.s32 $0xF000;
	s31 =	sadd.s32 $0xAF0, s26;
	[sflag:s9] =	ssyncadd.s32 $0xFFFFF800  }
0xf8: {  	[hbm4b:s31+s2] =	stream.linear.scatter [tilespmem:s22], [sflag:$0x10], $0x640, $0x38;
	[tilespmem:$0x10000] =	vst v63  }
0xf9: {  	s31 =	sadd.s32 $0xBB8, s26  }
0xfa: {  	[hbm4b:s31+s2] =	stream.linear.scatter [tilespmem:s21], [sflag:$0x10], $0x640, $0x38;
	[tilespmem:$0x10000] =	vst v63  }
0xfb: {  	s21 =	simm.s32 $0x9  }
0xfc: {  	_ =	swait.ge [sflag:s21], $0xC80  }
0xfd: {  	s29 =	sshra.s32 s29, $0x2;
	[sflag:s21] =	ssyncset.done $0x0  }
0xfe: {  	s31 =	sadd.s32 $0x400, s29;
	[sflag:s21] =	ssyncadd.s32 $0xFFFFF380;
	s21 =	simm.s32 $0x8000  }
0xff: {  	[tilespmem:s0], [sflag:$0x1] =	stream.indirect.gather [hbm4b:s3+s16], $0x20, s31, s16, $0xb8;
	[tilespmem:$0x10000] =	vst v63  }
0x100: {  	s31 =	sadd.s32 $0x440, s29  }
0x101: {  	[tilespmem:s25], [sflag:$0x1] =	stream.indirect.gather [hbm4b:s3+s16], $0x20, s31, s16, $0xb8;
	[tilespmem:$0x10000] =	vst v63  }
0x102: {  	s0 =	simm.s32 $0x8800;
	s25 =	simm.s32 $0xA  }
0x103: {  	_ =	swait.ge [sflag:s25], $0xC80  }
0x104: {  	[sflag:s25] =	ssyncset.done $0x0  }
0x105: {  	s31 =	sadd.s32 $0x480, s29;
	[sflag:s25] =	ssyncadd.s32 $0xFFFFF380;
	s25 =	simm.s32 $0x9000  }
0x106: {  	[tilespmem:s30], [sflag:$0x2] =	stream.indirect.gather [hbm4b:s3+s16], $0x20, s31, s16, $0xb8;
	[tilespmem:$0x10000] =	vst v63  }
0x107: {  	s31 =	sadd.s32 $0x4C0, s29  }
0x108: {  	[tilespmem:s19], [sflag:$0x2] =	stream.indirect.gather [hbm4b:s3+s16], $0x20, s31, s16, $0xb8;
	[tilespmem:$0x10000] =	vst v63  }
0x109: {  	s30 =	simm.s32 $0x9800;
	s19 =	simm.s32 $0xB  }
0x10a: {  	_ =	swait.ge [sflag:s19], $0xC80  }
0x10b: {  	[sflag:s19] =	ssyncset.done $0x0  }
0x10c: {  	s31 =	sadd.s32 $0x500, s29;
	[sflag:s19] =	ssyncadd.s32 $0xFFFFF380;
	s19 =	simm.s32 $0xA000  }
0x10d: {  	[tilespmem:s28], [sflag:$0x3] =	stream.indirect.gather [hbm4b:s3+s16], $0x20, s31, s16, $0xb8;
	[tilespmem:$0x10000] =	vst v63  }
0x10e: {  	s31 =	sadd.s32 $0x540, s29  }
0x10f: {  	[tilespmem:s23], [sflag:$0x3] =	stream.indirect.gather [hbm4b:s3+s16], $0x20, s31, s16, $0xb8;
	[tilespmem:$0x10000] =	vst v63  }
0x110: {  	s28 =	simm.s32 $0xA800;
	s23 =	simm.s32 $0xC  }
0x111: {  	_ =	swait.ge [sflag:s23], $0xC80  }
0x112: {  	[sflag:s23] =	ssyncset.done $0x0  }
0x113: {  	s31 =	sadd.s32 $0x580, s29;
	[sflag:s23] =	ssyncadd.s32 $0xFFFFF380;
	s23 =	simm.s32 $0xB000  }
0x114: {  	[tilespmem:s1], [sflag:$0x4] =	stream.indirect.gather [hbm4b:s3+s16], $0x20, s31, s16, $0xb8;
	[tilespmem:$0x10000] =	vst v63  }
0x115: {  	s31 =	sadd.s32 $0x5C0, s29  }
0x116: {  	[tilespmem:s10], [sflag:$0x4] =	stream.indirect.gather [hbm4b:s3+s16], $0x20, s31, s16, $0xb8;
	[tilespmem:$0x10000] =	vst v63  }
0x117: {  	s1 =	simm.s32 $0xB800;
	s10 =	simm.s32 $0xD  }
0x118: {  	_ =	swait.ge [sflag:s10], $0xC80  }
0x119: {  	[sflag:s10] =	ssyncset.done $0x0  }
0x11a: {  	s31 =	sadd.s32 $0x600, s29;
	[sflag:s10] =	ssyncadd.s32 $0xFFFFF380;
	s10 =	simm.s32 $0xC000  }
0x11b: {  	[tilespmem:s11], [sflag:$0x5] =	stream.indirect.gather [hbm4b:s3+s16], $0x20, s31, s16, $0xb8;
	[tilespmem:$0x10000] =	vst v63  }
0x11c: {  	s31 =	sadd.s32 $0x640, s29  }
0x11d: {  	[tilespmem:s12], [sflag:$0x5] =	stream.indirect.gather [hbm4b:s3+s16], $0x20, s31, s16, $0xb8;
	[tilespmem:$0x10000] =	vst v63  }
0x11e: {  	s11 =	simm.s32 $0xC800;
	s12 =	simm.s32 $0xE  }
0x11f: {  	_ =	swait.ge [sflag:s12], $0xC80  }
0x120: {  	[sflag:s12] =	ssyncset.done $0x0  }
0x121: {  	s31 =	sadd.s32 $0x680, s29;
	[sflag:s12] =	ssyncadd.s32 $0xFFFFF380;
	s12 =	simm.s32 $0xD000  }
0x122: {  	[tilespmem:s14], [sflag:$0x6] =	stream.indirect.gather [hbm4b:s3+s16], $0x20, s31, s16, $0xb8;
	[tilespmem:$0x10000] =	vst v63  }
0x123: {  	s31 =	sadd.s32 $0x6C0, s29  }
0x124: {  	[tilespmem:s17], [sflag:$0x6] =	stream.indirect.gather [hbm4b:s3+s16], $0x20, s31, s16, $0xb8;
	[tilespmem:$0x10000] =	vst v63  }
0x125: {  	s14 =	simm.s32 $0xD800;
	s17 =	simm.s32 $0xF  }
0x126: {  	_ =	swait.ge [sflag:s17], $0xC80  }
0x127: {  	[sflag:s17] =	ssyncset.done $0x0  }
0x128: {  	s31 =	sadd.s32 $0x700, s29;
	[sflag:s17] =	ssyncadd.s32 $0xFFFFF380;
	s17 =	simm.s32 $0xE000  }
0x129: {  	[tilespmem:s18], [sflag:$0x7] =	stream.indirect.gather [hbm4b:s3+s16], $0x20, s31, s16, $0xb8;
	[tilespmem:$0x10000] =	vst v63  }
0x12a: {  	s31 =	sadd.s32 $0x740, s29  }
0x12b: {  	[tilespmem:s20], [sflag:$0x7] =	stream.indirect.gather [hbm4b:s3+s16], $0x20, s31, s16, $0xb8;
	[tilespmem:$0x10000] =	vst v63  }
0x12c: {  	s18 =	simm.s32 $0xE800;
	s20 =	simm.s32 $0x10  }
.Ltmp0:
0x12d: {  	_ =	swait.ge [sflag:s20], $0xC80;
	(pc) =	sbr.rel @p0 .LBB2_2-.Ltmp0, $4  }
0x12e: {  	[sflag:s20] =	ssyncset.done $0x0  }
0x12f: {  	s31 =	sadd.s32 $0x780, s29;
	[sflag:s20] =	ssyncadd.s32 $0xFFFFF380;
	s20 =	simm.s32 $0xF000  }
0x130: {  	[tilespmem:s22], [sflag:$0x8] =	stream.indirect.gather [hbm4b:s3+s16], $0x20, s31, s16, $0xb8;
	[tilespmem:$0x10000] =	vst v63  }
0x131: {  	s26 =	sadd.s32 $0xC80, s26;
	s29 =	sadd.s32 $0x7C0, s29  }
0x132: {  	s22 =	simm.s32 $0xF800  }
0x133: {  	[tilespmem:s22], [sflag:$0x8] =	stream.indirect.gather [hbm4b:s3+s16], $0x20, s29, s16, $0xb8;
	[tilespmem:$0x10000] =	vst v63  }
0x134: {  	_ =	swait.ge [sflag:s4], $0x800  }
0x135: {  	[sflag:s4] =	ssyncset.done $0x0  }
0x136: {  	[sflag:s4] =	ssyncadd.s32 $0xFFFFF800  }
0x137: {  	_ =	swait.ge [sflag:s4], $0x800  }
0x138: {  	[sflag:s4] =	ssyncset.done $0x0  }
0x139: {  	s24 =	rddreg [dreg:$0x4];
	[sflag:s4] =	ssyncadd.s32 $0xFFFFF800  }
0x13a: {  	[hbm4b:s24+s2] =	stream.linear.scatter [tilespmem:s21], [sflag:$0x9], $0x640, $0x38;
	[tilespmem:$0x10000] =	vst v63  }
0x13b: {  	s24 =	sadd.s32 $0xC8, s24  }
0x13c: {  	[hbm4b:s24+s2] =	stream.linear.scatter [tilespmem:s0], [sflag:$0x9], $0x640, $0x38;
	[tilespmem:$0x10000] =	vst v63  }
0x13d: {  	_ =	swait.ge [sflag:s13], $0x800  }
0x13e: {  	[sflag:s13] =	ssyncset.done $0x0  }
0x13f: {  	[sflag:s13] =	ssyncadd.s32 $0xFFFFF800  }
0x140: {  	_ =	swait.ge [sflag:s13], $0x800  }
0x141: {  	[sflag:s13] =	ssyncset.done $0x0  }
0x142: {  	s29 =	rddreg [dreg:$0x5];
	[sflag:s13] =	ssyncadd.s32 $0xFFFFF800  }
0x143: {  	[hbm4b:s29+s2] =	stream.linear.scatter [tilespmem:s25], [sflag:$0xA], $0x640, $0x38;
	[tilespmem:$0x10000] =	vst v63  }
0x144: {  	s24 =	sadd.s32 $0xC8, s29  }
0x145: {  	[hbm4b:s24+s2] =	stream.linear.scatter [tilespmem:s30], [sflag:$0xA], $0x640, $0x38;
	[tilespmem:$0x10000] =	vst v63  }
0x146: {  	_ =	swait.ge [sflag:s15], $0x800  }
0x147: {  	[sflag:s15] =	ssyncset.done $0x0  }
0x148: {  	[sflag:s15] =	ssyncadd.s32 $0xFFFFF800  }
0x149: {  	_ =	swait.ge [sflag:s15], $0x800  }
0x14a: {  	[sflag:s15] =	ssyncset.done $0x0  }
0x14b: {  	s31 =	rddreg [dreg:$0x6];
	[sflag:s15] =	ssyncadd.s32 $0xFFFFF800  }
0x14c: {  	[hbm4b:s31+s2] =	stream.linear.scatter [tilespmem:s19], [sflag:$0xB], $0x640, $0x38;
	[tilespmem:$0x10000] =	vst v63  }
0x14d: {  	s24 =	sadd.s32 $0xC8, s31  }
0x14e: {  	[hbm4b:s24+s2] =	stream.linear.scatter [tilespmem:s28], [sflag:$0xB], $0x640, $0x38;
	[tilespmem:$0x10000] =	vst v63  }
0x14f: {  	_ =	swait.ge [sflag:s5], $0x800  }
0x150: {  	[sflag:s5] =	ssyncset.done $0x0  }
0x151: {  	[sflag:s5] =	ssyncadd.s32 $0xFFFFF800  }
0x152: {  	_ =	swait.ge [sflag:s5], $0x800  }
0x153: {  	[sflag:s5] =	ssyncset.done $0x0  }
0x154: {  	s0 =	rddreg [dreg:$0x7];
	[sflag:s5] =	ssyncadd.s32 $0xFFFFF800  }
0x155: {  	[hbm4b:s0+s2] =	stream.linear.scatter [tilespmem:s23], [sflag:$0xC], $0x640, $0x38;
	[tilespmem:$0x10000] =	vst v63  }
0x156: {  	s24 =	sadd.s32 $0xC8, s0  }
0x157: {  	[hbm4b:s24+s2] =	stream.linear.scatter [tilespmem:s1], [sflag:$0xC], $0x640, $0x38;
	[tilespmem:$0x10000] =	vst v63  }
0x158: {  	_ =	swait.ge [sflag:s6], $0x800  }
0x159: {  	[sflag:s6] =	ssyncset.done $0x0  }
0x15a: {  	[sflag:s6] =	ssyncadd.s32 $0xFFFFF800  }
0x15b: {  	_ =	swait.ge [sflag:s6], $0x800  }
0x15c: {  	[sflag:s6] =	ssyncset.done $0x0  }
0x15d: {  	s1 =	rddreg [dreg:$0x8];
	[sflag:s6] =	ssyncadd.s32 $0xFFFFF800  }
0x15e: {  	[hbm4b:s1+s2] =	stream.linear.scatter [tilespmem:s10], [sflag:$0xD], $0x640, $0x38;
	[tilespmem:$0x10000] =	vst v63  }
0x15f: {  	s24 =	sadd.s32 $0xC8, s1  }
0x160: {  	[hbm4b:s24+s2] =	stream.linear.scatter [tilespmem:s11], [sflag:$0xD], $0x640, $0x38;
	[tilespmem:$0x10000] =	vst v63  }
0x161: {  	_ =	swait.ge [sflag:s7], $0x800  }
0x162: {  	[sflag:s7] =	ssyncset.done $0x0  }
0x163: {  	[sflag:s7] =	ssyncadd.s32 $0xFFFFF800  }
0x164: {  	_ =	swait.ge [sflag:s7], $0x800  }
0x165: {  	[sflag:s7] =	ssyncset.done $0x0  }
0x166: {  	s11 =	rddreg [dreg:$0x9];
	[sflag:s7] =	ssyncadd.s32 $0xFFFFF800  }
0x167: {  	[hbm4b:s11+s2] =	stream.linear.scatter [tilespmem:s12], [sflag:$0xE], $0x640, $0x38;
	[tilespmem:$0x10000] =	vst v63  }
0x168: {  	s24 =	sadd.s32 $0xC8, s11  }
0x169: {  	[hbm4b:s24+s2] =	stream.linear.scatter [tilespmem:s14], [sflag:$0xE], $0x640, $0x38;
	[tilespmem:$0x10000] =	vst v63  }
0x16a: {  	_ =	swait.ge [sflag:s8], $0x800  }
0x16b: {  	[sflag:s8] =	ssyncset.done $0x0  }
0x16c: {  	[sflag:s8] =	ssyncadd.s32 $0xFFFFF800  }
0x16d: {  	_ =	swait.ge [sflag:s8], $0x800  }
0x16e: {  	[sflag:s8] =	ssyncset.done $0x0  }
0x16f: {  	s14 =	rddreg [dreg:$0xa];
	[sflag:s8] =	ssyncadd.s32 $0xFFFFF800  }
0x170: {  	[hbm4b:s14+s2] =	stream.linear.scatter [tilespmem:s17], [sflag:$0xF], $0x640, $0x38;
	[tilespmem:$0x10000] =	vst v63  }
0x171: {  	s24 =	sadd.s32 $0xC8, s14  }
0x172: {  	[hbm4b:s24+s2] =	stream.linear.scatter [tilespmem:s18], [sflag:$0xF], $0x640, $0x38;
	[tilespmem:$0x10000] =	vst v63  }
0x173: {  	_ =	swait.ge [sflag:s9], $0x800  }
0x174: {  	[sflag:s9] =	ssyncset.done $0x0  }
0x175: {  	[sflag:s9] =	ssyncadd.s32 $0xFFFFF800  }
0x176: {  	_ =	swait.ge [sflag:s9], $0x800  }
0x177: {  	[sflag:s9] =	ssyncset.done $0x0  }
0x178: {  	s19 =	rddreg [dreg:$0xb];
	[sflag:s9] =	ssyncadd.s32 $0xFFFFF800  }
0x179: {  	[hbm4b:s19+s2] =	stream.linear.scatter [tilespmem:s20], [sflag:$0x10], $0x640, $0x38;
	[tilespmem:$0x10000] =	vst v63  }
0x17a: {  	s21 =	simm.s32 $0x9;
	s24 =	sadd.s32 $0xC8, s19  }
0x17b: {  	[hbm4b:s24+s2] =	stream.linear.scatter [tilespmem:s22], [sflag:$0x10], $0x640, $0x38;
	[tilespmem:$0x10000] =	vst v63  }
0x17c: {  	_ =	swait.ge [sflag:s21], $0xC80  }
0x17d: {  	[sflag:s21] =	ssyncset.done $0x0  }
0x17e: {  	s22 =	simm.s32 $0xA;
	[sflag:s21] =	ssyncadd.s32 $0xFFFFF380  }
0x17f: {  	_ =	swait.ge [sflag:s22], $0xC80  }
0x180: {  	[sflag:s22] =	ssyncset.done $0x0  }
0x181: {  	s23 =	simm.s32 $0xB;
	[sflag:s22] =	ssyncadd.s32 $0xFFFFF380  }
0x182: {  	_ =	swait.ge [sflag:s23], $0xC80  }
0x183: {  	[sflag:s23] =	ssyncset.done $0x0  }
0x184: {  	s24 =	simm.s32 $0xC;
	[sflag:s23] =	ssyncadd.s32 $0xFFFFF380  }
0x185: {  	_ =	swait.ge [sflag:s24], $0xC80  }
0x186: {  	[sflag:s24] =	ssyncset.done $0x0  }
0x187: {  	s25 =	simm.s32 $0xD;
	[sflag:s24] =	ssyncadd.s32 $0xFFFFF380  }
0x188: {  	_ =	swait.ge [sflag:s25], $0xC80  }
0x189: {  	[sflag:s25] =	ssyncset.done $0x0  }
0x18a: {  	s26 =	simm.s32 $0xE;
	[sflag:s25] =	ssyncadd.s32 $0xFFFFF380  }
0x18b: {  	_ =	swait.ge [sflag:s26], $0xC80  }
0x18c: {  	[sflag:s26] =	ssyncset.done $0x0  }
0x18d: {  	s28 =	simm.s32 $0xF;
	[sflag:s26] =	ssyncadd.s32 $0xFFFFF380  }
0x18e: {  	_ =	swait.ge [sflag:s28], $0xC80  }
0x18f: {  	[sflag:s28] =	ssyncset.done $0x0  }
0x190: {  	s29 =	simm.s32 $0x10;
	[sflag:s28] =	ssyncadd.s32 $0xFFFFF380  }
0x191: {  	_ =	swait.ge [sflag:s29], $0xC80  }
0x192: {  	s30 =	rddreg [dreg:$0xe]  }
0x193: {  	s31 =	rddreg [dreg:$0xc];
	s1 =	sadd.s32 $0x1, s30  }
0x194: {  	p0 =	sne.s32 s1, s31  }
.Ltmp1:
0x195: {  	_ = 	snop;
	(pc) =	sbr.rel @p0 .LBB2_1-.Ltmp1, $3  }
0x196: {  	_ =	sdelay $0x1  }
0x197: {  	[sflag:s29] =	ssyncset.done $0x0  }
0x198: {  	[sflag:s29] =	ssyncadd.s32 $0xFFFFF380  }
0x199: {  	_ =	sfence.sel $0x180000  }
0x19a: {  	[bflag:$0x0] =	sbarrier.arrive $0xFFFF  }
0x19b: {  	_ =	strace $0x9000004A  }
0x19c: {  	s0 =	stileid.u32;
	[bflag:$0x2] =	sbarrier.arrive $0xFFFF  }
0x19d: {  	p0 =	sne.s32 s0, $0x0;
	s0 =	rddreg [dreg:$0x2]  }
0x19e: {  	s0 =	sadd.s32 @!p0 $0x100000, s0  }
0x19f: {  	[sflag:s0] =	ssyncadd.tile.s32 @!p0 $0x1;
	_ =	shalt  }
.Lfunc_end2:
_tile_overlayer_lowered:
.L_overlay_start_2:
0x1a0: {  	(tag) =	ssettag $0x2  }
0x1a1: {  	s0 =	rddreg [dreg:$0x0];
	s2 =	stileid.u32  }
0x1a2: {  	s1 =	rddreg [dreg:$0x1];
	p0 =	sne.s32 s2, $0x0  }
0x1a3: {  	s3 =	rddreg [dreg:$0x2];
	[bflag:$0x3] =	sbarrier.arrive $0xFFFF;
	s2 =	simm.s32 @!p0 $0x1C11  }
0x1a4: {  	[timem:s3], [sflag:s2] =	dma.local @!p0 [hbm:s0], s1  }
0x1a5: {  	s0 =	simm.s32 @!p0 $0x11  }
0x1a6: {  	_ =	swait.ge @!p0 [sflag:s0], s1  }
0x1a7: {  	s1 =	ssub.s32 @!p0 $0x0, s1;
	[sflag:s0] =	ssyncset.done @!p0 $0x0  }
0x1a8: {  	[sflag:s0] =	ssyncadd.s32 @!p0 s1  }
0x1a9: {  	[bflag:$0x3] =	sbarrier.arrive $0xFFFF  }
0x1aa: {  	_ =	shalt  }

// kernel: sparse-core-data-format-call.cloned.1.call-start
scs
called_computation_lowered:
.L_overlay_start_0:
0x0: {  	s2 =	sld [smem:$0x3FD9]  }
0x1: {  	s3 =	sld [smem:$0x3FFE];
	_ =	sdelay $0x1  }
0x2: {  	s1 =	srdreg.scid  }
0x3: {  	s0 =	sand.u32 $0x1, s1  }
0x4: {  	s18 =	sshll.u32 s0, $0xA;
	s2 =	sadd.s32 s3, s2  }
0x5: {  	s2 =	sadd.s32 s2, s18  }
0x6: {  	[smem:$0x3FC6] =	sst s2  }
0x7: {  	_ = 	snop  }
0x8: {  	s2 =	sld [smem:$0x3FD0];
	(tm) =	ssettm $0x1  }
0x9: {  	s19 =	sld [smem:$0x3FFB];
	_ =	sdelay $0x3  }
0xa: {  	_ =	strace s19  }
0xb: {  	s3 =	sld [smem:$0x3FFC];
	_ =	sdelay $0x3  }
0xc: {  	_ =	strace s3  }
0xd: {  	s3 =	sld [smem:$0x3FFD];
	_ =	sdelay $0x3  }
0xe: {  	_ =	strace s3  }
0xf: {  	_ =	strace $0x8FFFFFFF  }
0x10: {  	s20 =	sld [smem:$0x3FDB];
	_ =	sdelay $0x1  }
0x11: {  	s4 =	simm.s32 $_scs_section_size  }
0x12: {  	s5 =	simm.s32 $_size__tile_overlayer_lowered;
	s6 =	simm.s32 $_tile_overlayer_lowered  }
0x13: {  	s23 =	simm.s32 $0x1BFF;
	s22 =	sshll.u32 s6, $0x1;
	s3 =	sadd.s32 s4, s20  }
0x14: {  	s7 =	simm.s32 $0x0;
	s21 =	sshll.u32 s5, $0x1;
	s5 =	sadd.s32 s22, s3  }
0x15: {  	[timem:s7], [sflag:s23] =	dma.local [hbm:s5], s21  }
0x16: {  	_ =	swait.ge [sflag:s23], s21  }
0x17: {  	s4 =	ssub.s32 $0x0, s21;
	[sflag:s23] =	ssyncset.done $0x0  }
0x18: {  	[sflag:s23] =	ssyncadd.s32 s4;
	_ =	sdelay $0x1  }
0x19: {  	s24 =	simm.s32 $0x1B8B  }
0x1a: {  	_ =	swait.ge [sflag:s24], $0x1  }
0x1b: {  	[sflag:s24] =	ssyncset.done $0x0  }
0x1c: {  	s26 =	simm.s32 $0x1B8E;
	s25 =	sld [smem:$0x3FFE];
	[sflag:s24] =	ssyncadd.s32 $0xFFFFFFFF  }
0x1d: {  	s27 =	simm.s32 $execute0_lowered;
	[smem:$0x3FD2] =	sst s26  }
0x1e: {  	s5 =	sshll.u32 s27, $0x1;
	_ =	strace $0x8000004C;
	[dreg:$0x1] =	wrdreg $0xFFFFFFFF  }
0x1f: {  	s28 =	simm.s32 $_size_execute0_lowered;
	s3 =	sadd.s32 s3, s5;
	[dreg:$0x0] =	wrdreg $0x0  }
0x20: {  	s5 =	sshll.u32 s28, $0x1;
	[dreg:$0x2] =	wrdreg s3  }
0x21: {  	[dreg:$0x3] =	wrdreg s5  }
0x22: {  	[dreg:$0x4] =	wrdreg $0xC0  }
0x23: {  	_ =	task [dreg:s7], $0x5FFFF  }
0x24: {  	[dreg:$0x1] =	wrdreg $0xFFFFFFFF  }
0x25: {  	[dreg:$0x0] =	wrdreg $0x60  }
0x26: {  	[dreg:$0x2] =	wrdreg s25  }
0x27: {  	[dreg:$0x3] =	wrdreg s2  }
0x28: {  	[dreg:$0x4] =	wrdreg $0x9  }
0x29: {  	_ =	task.clear_ibuf [dreg:s7], $0x5FFFF;
	_ =	strace $0x9000004C  }
0x2a: {  	s29 =	simm.s32 $0x9;
	_ =	strace $0x8000004E  }
0x2b: {  	_ =	swait.ge [sflag:s29], $0x1  }
0x2c: {  	[sflag:s29] =	ssyncadd.s32 $0xFFFFFFFF  }
0x2d: {  	_ =	strace $0x9000004E  }
0x2e: {  	_ =	sfence  }
0x2f: {  	s30 =	sld [smem:$0x0];
	_ =	sdelay $0x2  }
0x30: {  	s31 =	sshll.u32 s1, $0xD;
	s1 =	sshrl.u32 s1, $0x2  }
0x31: {  	s3 =	sand.u32 $0x4000, s31;
	s1 =	sadd.s32 s1, s30  }
0x32: {  	s0 =	sor.u32 s3, s0;
	s1 =	sshll.u32 s1, $0x11  }
0x33: {  	s0 =	sor.u32 s1, s0  }
0x34: {  	s0 =	sadd.s32 $0x8F2B, s0  }
0x35: {  	[sflag:s0] =	ssyncadd.remote.s32 $0x1  }
0x36: {  	_ =	sfence.sel $0xFFFF  }
0x37: {  	[dreg:$0x0] =	wrdreg $0xFFFFFFFF;
	(pc) =	sbr.abs _section_cstart, $3  }
0x38: {  	[dreg:$0x1] =	wrdreg $0xFFFFFFFF  }
0x39: {  	_ =	task.clear_ibuf [dreg:s7], $0x2FFFF;
	_ =	strace $0x9FFFFFFF  }
0x3a: {  	(tm) =	ssettm $0x7FFFFFFF  }
0x3b: {  	_ =	shalt  }
tec
execute0_lowered:
.L_overlay_start_1:
0x0: {  	(tag) =	ssettag $0x1  }
0x1: {  	s0 =	srdreg.scid  }
0x2: {  	s1 =	sshll.u32 s0, $0x4  }
0x3: {  	s0 =	stileid.u32;
	s1 =	sand.u32 $0x10, s1  }
0x4: {  	s1 =	sor.u32 s0, s1  }
0x5: {  	s6 =	rddreg [dreg:$0x0];
	s4 =	simm.s32 $0x1;
	s2 =	sshll.u32 s1, $0x7  }
0x6: {  	s7 =	simm.s32 $0x2;
	s12 =	simm.s32 $0x0;
	s1 =	ssub.s32 $0x4000, s2  }
0x7: {  	s8 =	simm.s32 $0x20000;
	s13 =	simm.s32 $0x0;
	s3 =	sand.u32 $0xF80, s1  }
0x8: {  	s9 =	simm.s32 $0x0;
	s5 =	sshrl.u32 s1, $0xC;
	p0 =	sne.s32 s3, $0x0  }
.Ltmp0:
0x9: {  	s1 =	rddreg [dreg:$0x2];
	s4 =	simm.s32 @!p0 $0x0;
	(pc) =	sbr.rel .LBB1_1-.Ltmp0, $4  }
0xa: {  	s11 =	simm.s32 $0x0;
	s3 =	rddreg [dreg:$0x1];
	s5 =	sadd.s32 s4, s5  }
0xb: {  	_ =	strace $0x8000004D;
	s4 =	simm.s32 $0x1;
	s5 =	smul.u32 $0x32, s5  }
0xc: {  	s6 =	sadd.s32 $0xC00, s6;
	s10 =	smov.u32 s2;
	[sflag:s4] =	ssyncpa.u1 $0x0  }
0xd: {  	p0 =	por $0x0, $0x0;
	[sflag:s7] =	ssyncpa.u1 $0x0;
	s7 =	sor.u32 $0x1, s5  }
.LBB1_4:
0xe: {  	s16 =	sshll.u32 s13, $0x3;
	s17 =	sand.u32 $0x78, s13  }
0xf: {  	s30 =	sand.u32 $0xF800, s13;
	s12 =	sshll.u32 s12, $0x10;
	s16 =	sand.u32 $0x3C00, s16  }
0x10: {  	s31 =	sand.u32 $0x7, s13;
	s16 =	sor.u32 s17, s16;
	s17 =	sadd.s32 s3, s30  }
0x11: {  	s13 =	sshll.u32 s31, $0x12;
	s16 =	sshrl.u32 s16, $0x3;
	s12 =	sadd.s32 s12, s17  }
0x12: {  	[tilespmem:s15+$0x0 ss:$0x81] =	vst.msk $0xffff, v0;
	s13 =	sor.u32 $0x400, s13;
	s12 =	sadd.s32 s16, s12  }
0x13: {  	[hbm4b:s12+s13] =	stream.strided.scatter [tilespmem:s14], [sflag:$0x2], $0x1000, s8, s13, $0x20;
	[tilespmem:$0x4040] =	vst v63  }
.LBB1_5:
0x14: {  	s14 =	sadd.s32 $0x1, s9  }
0x15: {  	s12 =	sadd.s32 $0x1000, s10;
	s16 =	smov.u32 s10;
	p2 =	sgt.s32 s14, $0x31  }
0x16: {  	s16 =	smov.u32 @p2 s12  }
0x17: {  	s14 =	simm.s32 @p2 $0x0;
	p2 =	sgt.s32 s16, $0x3FFF  }
0x18: {  	s16 =	smov.u32 @p2 s2;
	p2 =	sne.s32 s11, s7  }
.Ltmp1:
0x19: {  	p1 =	slt.u32 s11, $0x2;
	(pc) =	sbr.rel @!p2 .LBB1_6-.Ltmp1, $4  }
0x1a: {  	s15 =	simm.s32 @!p1 $0x2  }
0x1b: {  	s13 =	smov.u32 s10;
	p0 =	por !p0, !p0;
	_ =	swait.ge @!p1 [sflag:s15], $0x1000  }
0x1c: {  	s12 =	smov.u32 s9;
	[sflag:s15] =	ssyncset.done @!p1 $0x0;
	s9 =	smov.u32 s14  }
0x1d: {  	s11 =	sadd.s32 $0x1, s11;
	[sflag:s15] =	ssyncadd.s32 @!p1 $0xFFFFF000;
	s10 =	smov.u32 s16  }
.LBB1_1:
0x1e: {  	p1 =	sge.u32 s11, s5  }
0x1f: {  	s14 =	sand.u32 @!p1 $0x1FFFFFF, s9  }
0x20: {  	s15 =	smulhi.u32 @!p1 $0x4924925, s14;
	_ =	sdelay $0x1  }
0x21: {  	s15 =	smul.u32 @!p1 $0x38, s15  }
0x22: {  	s16 =	sxor.u32 @!p1 $0xFFFFFFFF, s11;
	s17 =	smul.u32 @!p1 $0x380, s10  }
0x23: {  	s31 =	sadd.s32 $0xFFFFFFFF, s11;
	s16 =	sshll.u32 @!p1 s16, $0xC;
	s14 =	ssub.s32 @!p1 s14, s15  }
0x24: {  	s15 =	sand.u32 @!p1 $0x1000, s16;
	s16 =	sadd.s32 @!p1 s6, s17;
	s14 =	sshll.u32 @!p1 s14, $0x4  }
0x25: {  	s17 =	simm.s32 @!p1 $0x1C00;
	s14 =	sadd.s32 @!p1 s14, s16;
	s16 =	simm.s32 @!p1 $0x20  }
0x26: {  	[tilespmem:s15], [sflag:$0x1] =	stream.strided.gather @!p1 [hbm4b:s14+s16], $0x1000, s17, s16, $0x38;
	[tilespmem:$0x4040] =	vst v63  }
0x27: {  	p1 =	sge.u32 s31, s5  }
.Ltmp2:
0x28: {  	_ = 	snop;
	(pc) =	sbr.rel @p1 .LBB1_5-.Ltmp2, $1  }
0x29: {  	_ =	sdelay $0x3  }
0x2a: {  	s14 =	simm.s32 $0x1  }
0x2b: {  	_ =	swait.ge [sflag:s4], $0x1000;
	s14 =	simm.s32 @!p0 $0x0  }
0x2c: {  	[sflag:s4] =	ssyncset.done $0x0;
	s15 =	sshll.u32 s14, $0xC  }
0x2d: {  	[sflag:s4] =	ssyncadd.s32 $0xFFFFF000;
	s18 =	sor.u32 $0x10, s15  }
0x2e: {  	s14 =	smul.u32 $0x4080, s14;
	v1 =	vld [tilespmem:s18+$0x0]  }
0x2f: {  	s30 =	sand.u32 $0x1, s11;
	v0 =	vld [tilespmem:s18+$0xFFFFFFF0]  }
0x30: {  	s15 =	smul.u32 $0x4080, s30;
	s14 =	sshrl.u32 s14, $0x2  }
0x31: {  	s16 =	sor.u32 $0x2000, s14  }
0x32: {  	s31 =	sshrl.u32 s15, $0x2;
	s15 =	sadd.s32 $0x0, s16  }
0x33: {  	s17 =	simm.s32 $0x4;
	s18 =	sadd.s32 $0x20, s18;
	s14 =	sor.u32 $0x2000, s31;
	[tilespmem:s15+$0x810 ss:$0x81] =	vst.msk $0xffff, v1  }
.LBB1_3:
0x34: {  	v1 =	vld [tilespmem:s18+$0x0];
	p1 =	sne.s32 s17, $0x1FC;
	[tilespmem:s15+$0x0 ss:$0x81] =	vst.msk $0xffff, v0;
	s15 =	smov.u32 s17;
	s17 =	sadd.s32 $0x4, s17  }
.Ltmp3:
0x35: {  	v0 =	vld [tilespmem:s18+$0xFFFFFFF0];
	(pc) =	sbr.rel @p1 .LBB1_3-.Ltmp3, $4  }
0x36: {  	_ = 	snop  }
0x37: {  	s15 =	sshra.s32 s15, $0x2  }
0x38: {  	s15 =	sadd.s32 s15, s16  }
0x39: {  	s18 =	sadd.s32 $0x20, s18;
	[tilespmem:s15+$0x810 ss:$0x81] =	vst.msk $0xffff, v1  }
.Ltmp4:
0x3a: {  	_ = 	snop;
	(pc) =	sbr.rel .LBB1_4-.Ltmp4, $1  }
0x3b: {  	_ =	sdelay $0x3  }
.LBB1_6:
0x3c: {  	_ =	sfence.sel $0x180000  }
0x3d: {  	s2 =	simm.s32 $0x1;
	[bflag:$0x0] =	sbarrier.arrive $0xFFFF  }
0x3e: {  	s31 =	simm.s32 $0x2;
	[sflag:s2] =	ssyncpa.u1 $0x1  }
0x3f: {  	[sflag:s31] =	ssyncpa.u1 $0x1  }
0x40: {  	p0 =	sne.s32 s0, $0x0;
	_ =	strace $0x9000004D  }
0x41: {  	s0 =	sadd.s32 @!p0 $0x100000, s1;
	[bflag:$0x2] =	sbarrier.arrive $0xFFFF  }
0x42: {  	[sflag:s0] =	ssyncadd.tile.s32 @!p0 $0x1;
	_ =	shalt  }
.Lfunc_end1:
_tile_overlayer_lowered:
.L_overlay_start_2:
0x43: {  	(tag) =	ssettag $0x2  }
0x44: {  	s0 =	rddreg [dreg:$0x0];
	s2 =	stileid.u32  }
0x45: {  	s1 =	rddreg [dreg:$0x1];
	p0 =	sne.s32 s2, $0x0  }
0x46: {  	s3 =	rddreg [dreg:$0x2];
	[bflag:$0x3] =	sbarrier.arrive $0xFFFF;
	s2 =	simm.s32 @!p0 $0x1C01  }
0x47: {  	[timem:s3], [sflag:s2] =	dma.local @!p0 [hbm:s0], s1  }
0x48: {  	s0 =	simm.s32 @!p0 $0x1  }
0x49: {  	_ =	swait.ge @!p0 [sflag:s0], s1  }
0x4a: {  	s1 =	ssub.s32 @!p0 $0x0, s1;
	[sflag:s0] =	ssyncset.done @!p0 $0x0  }
0x4b: {  	[sflag:s0] =	ssyncadd.s32 @!p0 s1  }
0x4c: {  	[bflag:$0x3] =	sbarrier.arrive $0xFFFF  }
0x4d: {  	_ =	shalt  }

</sc_bundles>
